<compile_context>
chip_gen: v7x
topology: tpu7x:2x2x1
jax: 0.10.2.dev20260603
libtpu: 0.0.44.dev20260713+nightly
codegen_flags: <defaults>
</compile_context>

<pallas_src>
import functools

import jax
import jax.numpy as jnp
from jax import lax
from jax.experimental import pallas as pl
from jax.experimental.pallas import tpu as pltpu
from jax.experimental.pallas import tpu_sc as plsc

N_NODES = 10000
N_EDGES = 320000
D = 128

NC = 2
NS = 16
NW = NC * NS
N_PAD = 10240
E_PAD = 327680
EPW = E_PAD // NW
K = 80
NCHUNK = EPW // K
RPT = N_PAD // NS



DEG_R = N_PAD // 128


def _deg_kernel():
    mesh = plsc.VectorSubcoreMesh(core_axis_name="c", subcore_axis_name="s")

    DNB = 8
    DPD = 4

    @functools.partial(
        pl.kernel,
        mesh=mesh,
        out_type=jax.ShapeDtypeStruct((NC, N_PAD, D), jnp.float32),
        scratch_types=(
            [pltpu.VMEM((K,), jnp.int32)] * DNB
            + [pltpu.VMEM((K, D), jnp.float32),
               pltpu.VMEM_SHARED((N_PAD, D), jnp.float32),
               pltpu.SemaphoreType.DMA((DNB,)),
               pltpu.SemaphoreType.DMA((DNB,))]
        ),
    )
    def k(dst_hbm, ones_hbm, zeros_hbm, out_hbm, *scr):
        dstv = scr[0:DNB]
        ones_v, acc, semId, semS = scr[DNB:]
        c = lax.axis_index("c")
        s = lax.axis_index("s")
        wid = c * NS + s
        r0 = s * RPT
        base0 = wid * EPW

        def idx_issue(j, b):
            off = pl.multiple_of(base0 + j * K, 8)
            pltpu.async_copy(dst_hbm.at[pl.ds(off, K)], dstv[b],
                             semId.at[b])

        def idx_wait(j, b):
            off = pl.multiple_of(base0 + j * K, 8)
            pltpu.make_async_copy(dst_hbm.at[pl.ds(off, K)], dstv[b],
                                  semId.at[b]).wait()

        def sca_wait(b):
            pltpu.make_async_copy(ones_v, acc.at[dstv[b]],
                                  semS.at[b]).wait()

        for j in range(DPD):
            idx_issue(j, j % DNB)
        pltpu.sync_copy(zeros_hbm, acc.at[pl.ds(r0, RPT)])
        pltpu.sync_copy(ones_hbm, ones_v)
        plsc.subcore_barrier()

        def body(g, carry):
            for b in range(DNB):
                i = g * DNB + b
                idx_wait(i, b)
                pltpu.async_copy(ones_v, acc.at[dstv[b]], semS.at[b],
                                 add=True)
                t = i + DPD
                bt = (b + DPD) % DNB

                @pl.when(t < NCHUNK)
                def _():
                    @pl.when(i >= DPD)
                    def _():
                        sca_wait(bt)

                    idx_issue(t, bt)
            return carry

        lax.fori_loop(0, NCHUNK // DNB, body, 0)
        for b in range(DNB):
            sca_wait(b)
        plsc.subcore_barrier()
        pltpu.sync_copy(acc.at[pl.ds(r0, RPT)],
                        out_hbm.at[c].at[pl.ds(r0, RPT)])

    return k


NB = 4
GD = 2


def _scatter_kernel():
    mesh = plsc.VectorSubcoreMesh(core_axis_name="c", subcore_axis_name="s")

    @functools.partial(
        pl.kernel,
        mesh=mesh,
        out_type=jax.ShapeDtypeStruct((NC, N_PAD, D), jnp.float32),
        scratch_types=(
            [pltpu.VMEM((K,), jnp.int32)] * NB
            + [pltpu.VMEM((K,), jnp.int32)] * NB
            + [pltpu.VMEM((K, D), jnp.float32)] * NB
            + [pltpu.VMEM_SHARED((N_PAD, D), jnp.float32),
               pltpu.SemaphoreType.DMA((NB,)),
               pltpu.SemaphoreType.DMA((NB,)),
               pltpu.SemaphoreType.DMA((NB,))]
        ),
    )
    def k(hs_hbm, src_hbm, dst_hbm, zeros_hbm, out_hbm, *scr):
        srcv = scr[0:NB]
        dstv = scr[NB:2 * NB]
        rows = scr[2 * NB:3 * NB]
        acc, semIs, semId, semG = scr[3 * NB:]
        c = lax.axis_index("c")
        s = lax.axis_index("s")
        wid = c * NS + s
        r0 = s * RPT
        base0 = wid * EPW

        def idx_issue(j, b):
            off = pl.multiple_of(base0 + j * K, 8)
            pltpu.async_copy(src_hbm.at[pl.ds(off, K)], srcv[b],
                             semIs.at[b])
            pltpu.async_copy(dst_hbm.at[pl.ds(off, K)], dstv[b],
                             semId.at[b])

        def idx_wait_src(j, b):
            off = pl.multiple_of(base0 + j * K, 8)
            pltpu.make_async_copy(src_hbm.at[pl.ds(off, K)], srcv[b],
                                  semIs.at[b]).wait()

        def idx_wait_dst(j, b):
            off = pl.multiple_of(base0 + j * K, 8)
            pltpu.make_async_copy(dst_hbm.at[pl.ds(off, K)], dstv[b],
                                  semId.at[b]).wait()

        for b in range(NB):
            idx_issue(b, b)
        pltpu.sync_copy(zeros_hbm, acc.at[pl.ds(r0, RPT)])
        for j in range(GD):
            idx_wait_src(j, j % NB)
            pltpu.async_copy(hs_hbm.at[srcv[j % NB]], rows[j % NB],
                             semG.at[j % NB])
        plsc.subcore_barrier()

        def body(g, carry):
            for b in range(NB):
                j = g * NB + b
                bg = (b + GD) % NB

                @pl.when(j + GD < NCHUNK)
                def _():
                    idx_wait_src(j + GD, bg)
                    pltpu.async_copy(hs_hbm.at[srcv[bg]], rows[bg],
                                     semG.at[bg])

                pltpu.make_async_copy(hs_hbm.at[srcv[b]], rows[b],
                                      semG.at[b]).wait()
                idx_wait_dst(j, b)
                pltpu.sync_copy(rows[b], acc.at[dstv[b]], add=True)

                @pl.when(j + NB < NCHUNK)
                def _():
                    idx_issue(j + NB, b)
            return carry

        lax.fori_loop(0, NCHUNK // NB, body, 0)
        plsc.subcore_barrier()
        pltpu.sync_copy(acc.at[pl.ds(r0, RPT)],
                        out_hbm.at[c].at[pl.ds(r0, RPT)])

    return k



_ROWS = 2000


def _tc1_body(x_ref, w_ref, degp_ref, hs_ref, dinv_ref):
    d = lax.rsqrt(degp_ref[0, :, 0:1] + degp_ref[1, :, 0:1] + 1.0)
    dinv_ref[...] = d
    h = jnp.dot(x_ref[...], w_ref[...], preferred_element_type=jnp.float32)
    hs_ref[...] = h * d


def _tc2_body(aggp_ref, hs_ref, dinv_ref, b_ref, w_ref, out_ref):
    d = dinv_ref[...]
    t = (aggp_ref[0] + aggp_ref[1] + hs_ref[...]) * d + b_ref[...]
    h1 = jnp.maximum(t, 0.0)
    out_ref[...] = jnp.dot(h1, w_ref[...],
                           preferred_element_type=jnp.float32) * d


def _tc3_body(aggp_ref, hs_ref, dinv_ref, b_ref, out_ref):
    d = dinv_ref[...]
    out_ref[...] = (aggp_ref[0] + aggp_ref[1] + hs_ref[...]) * d + b_ref[...]


def _row_spec(width):
    return pl.BlockSpec((_ROWS, width), lambda i: (i, 0))


def _part_spec(width):
    return pl.BlockSpec((NC, _ROWS, width), lambda i: (0, i, 0))


def _full_spec(r, c):
    return pl.BlockSpec((r, c), lambda i: (0, 0))


_GRID = N_NODES // _ROWS


def _tc1(x, w1, degp):
    return pl.pallas_call(
        _tc1_body,
        grid=(_GRID,),
        in_specs=[_row_spec(D), _full_spec(D, D), _part_spec(D)],
        out_specs=[_row_spec(D), _row_spec(1)],
        out_shape=[jax.ShapeDtypeStruct((N_NODES, D), jnp.float32),
                   jax.ShapeDtypeStruct((N_NODES, 1), jnp.float32)],
    )(x, w1, degp)


def _tc2(aggp, hs, dinv, b, w2):
    return pl.pallas_call(
        _tc2_body,
        grid=(_GRID,),
        in_specs=[_part_spec(D), _row_spec(D), _row_spec(1),
                  _full_spec(1, D), _full_spec(D, D)],
        out_specs=_row_spec(D),
        out_shape=jax.ShapeDtypeStruct((N_NODES, D), jnp.float32),
    )(aggp, hs, dinv, b, w2)


def _tc3(aggp, hs, dinv, b):
    return pl.pallas_call(
        _tc3_body,
        grid=(_GRID,),
        in_specs=[_part_spec(D), _row_spec(D), _row_spec(1),
                  _full_spec(1, D)],
        out_specs=_row_spec(D),
        out_shape=jax.ShapeDtypeStruct((N_NODES, D), jnp.float32),
    )(aggp, hs, dinv, b)



_deg = _deg_kernel()
_scatter = _scatter_kernel()


@jax.jit
def kernel(x, edge_index, W1, b1, W2, b2):
    ei = edge_index.astype(jnp.int32)
    npad = E_PAD - N_EDGES
    pad_src = jnp.arange(npad, dtype=jnp.int32) % N_NODES
    pad_dst = N_NODES + (jnp.arange(npad, dtype=jnp.int32)
                         % (N_PAD - N_NODES))
    src = jnp.concatenate([ei[0], pad_src])
    dst = jnp.concatenate([ei[1], pad_dst])
    ones_deg = jnp.ones((K, D), jnp.float32)
    zeros_rows = jnp.zeros((RPT, D), jnp.float32)

    degp = _deg(dst, ones_deg, zeros_rows)
    hs1, dinv = _tc1(x, W1, degp)
    agg1 = _scatter(hs1, src, dst, zeros_rows)
    hs2 = _tc2(agg1, hs1, dinv, b1.reshape(1, D), W2)
    agg2 = _scatter(hs2, src, dst, zeros_rows)
    return _tc3(agg2, hs2, dinv, b2.reshape(1, D))

# --- scband reference (transcript-rebuilt; emitter-appended) ---
"""Pipeline reference for scband-gnnmodel-41326175322384 (READ-ONLY COPY).

The authoritative reference and input builder live on the scoring server;
editing this copy changes nothing except your own understanding.
"""

import jax, jax.numpy as jnp
import numpy as np

N_NODES = 10000
N_EDGES = 320000
D_IN = 128
D_HID = 128
D_OUT = 128


def setup_inputs(seed: int = 0) -> dict:
    key = jax.random.key(seed)
    k1, k2, k3, k4, k5, k6 = jax.random.split(key, 6)
    x = jax.random.normal(k1, (N_NODES, D_IN), dtype=jnp.float32)
    edge_index = jax.random.randint(k2, (2, N_EDGES), 0, N_NODES, dtype=jnp.int64)
    # GCNConv layer 1 params (PyG: lin weight [out,in], here stored as [in,out]; bias after aggregation)
    W1 = jax.random.normal(k3, (D_IN, D_HID), dtype=jnp.float32) * (1.0 / np.sqrt(D_IN))
    b1 = jnp.zeros((D_HID,), dtype=jnp.float32)
    # GCNConv layer 2 params
    W2 = jax.random.normal(k4, (D_HID, D_OUT), dtype=jnp.float32) * (1.0 / np.sqrt(D_HID))
    b2 = jnp.zeros((D_OUT,), dtype=jnp.float32)
    return {"x": x, "edge_index": edge_index, "W1": W1, "b1": b1, "W2": W2, "b2": b2}


def _gcn_conv(x, edge_index, W, b, num_nodes):
    # PyG GCNConv default: add self-loops, symmetric normalization D^{-1/2}(A+I)D^{-1/2} X W + b
    src = edge_index[0]
    dst = edge_index[1]
    loop = jnp.arange(num_nodes, dtype=src.dtype)
    src = jnp.concatenate([src, loop])
    dst = jnp.concatenate([dst, loop])
    ones = jnp.ones(src.shape[0], dtype=x.dtype)
    deg = jnp.zeros((num_nodes,), dtype=x.dtype).at[dst].add(ones)
    dinv = jnp.where(deg > 0, jax.lax.rsqrt(jnp.maximum(deg, 1e-12)), 0.0)
    norm = dinv[src] * dinv[dst]
    h = x @ W
    msg = jnp.take(h, src, axis=0) * norm[:, None]
    out = jax.ops.segment_sum(msg, dst, num_segments=num_nodes)
    return out + b


def reference(x, edge_index, W1, b1, W2, b2):
    # num_layers=2: GCNConv -> ReLU -> Dropout(eval: identity) -> GCNConv
    h = _gcn_conv(x, edge_index, W1, b1, N_NODES)
    h = jax.nn.relu(h)
    out = _gcn_conv(h, edge_index, W2, b2, N_NODES)
    return out

if __name__ == "__main__":
    import jax
    _d = setup_inputs()
    print(jax.jit(kernel)(*tuple(_d.values())))

</pallas_src>

<mosaic_0001>
#map = affine_map<(d0, d1) -> (0)>
#map1 = affine_map<(d0, d1) -> (0, 0)>
#map2 = affine_map<(d0, d1) -> (0, 0, 0)>
module attributes {stable_mosaic.version = 14 : i64} {
  func.func @k(%arg0: i32, %arg1: i32, %arg2: memref<327680xi32, #tpu.memory_space<hbm>>, %arg3: memref<80x128xf32, #tpu.memory_space<hbm>>, %arg4: memref<640x128xf32, #tpu.memory_space<hbm>>, %arg5: memref<2x10240x128xf32, #tpu.memory_space<hbm>>, %arg6: memref<80xi32, #tpu.memory_space<vmem>>, %arg7: memref<80xi32, #tpu.memory_space<vmem>>, %arg8: memref<80xi32, #tpu.memory_space<vmem>>, %arg9: memref<80xi32, #tpu.memory_space<vmem>>, %arg10: memref<80xi32, #tpu.memory_space<vmem>>, %arg11: memref<80xi32, #tpu.memory_space<vmem>>, %arg12: memref<80xi32, #tpu.memory_space<vmem>>, %arg13: memref<80xi32, #tpu.memory_space<vmem>>, %arg14: memref<80x128xf32, #tpu.memory_space<vmem>>, %arg15: memref<10240x128xf32, #tpu.memory_space<vmem_shared>>, %arg16: memref<8x!tpu.dma_semaphore, #tpu.memory_space<semaphore_mem>>, %arg17: memref<8x!tpu.dma_semaphore, #tpu.memory_space<semaphore_mem>>) attributes {dimension_semantics = [#tpu.dimension_semantics<core_parallel>, #tpu.dimension_semantics<subcore_parallel>], iteration_bounds = array<i64: 2, 16>, scalar_prefetch = 0 : i64, scratch_operands = 12 : i64, tpu.core_type = #tpu.core_type<sc_vector_subcore>, window_params = [{transform_indices = #map}, {transform_indices = #map1}, {transform_indices = #map1}, {transform_indices = #map2}]} {
    %mul3A = arith.constant 16 : i32
    %mul3A_0 = arith.muli %arg0, %mul3A : i32
    %add3A = arith.addi %mul3A_0, %arg1 : i32
    %mul3A_1 = arith.constant 640 : i32
    %mul3A_2 = arith.muli %arg1, %mul3A_1 : i32
    %mul3A_3 = arith.constant 10240 : i32
    %mul3A_4 = arith.muli %add3A, %mul3A_3 : i32
    %add3A_5 = arith.constant 0 : i32
    %add3A_6 = arith.addi %mul3A_4, %add3A_5 : i32
    %multiple_of3A = tpu.assume_multiple %add3A_6, 8 : i32
    %dma_start3A = arith.constant 0 : i32
    %dma_start3A_7 = tpu.memref_slice %arg2[%multiple_of3A] : memref<327680xi32, #tpu.memory_space<hbm>> -> memref<80xi32, #tpu.memory_space<hbm>>
    %dma_start3A_8 = tpu.memref_slice %arg16[%dma_start3A] : memref<8x!tpu.dma_semaphore, #tpu.memory_space<semaphore_mem>> -> memref<1x!tpu.dma_semaphore, #tpu.memory_space<semaphore_mem>>
    %dma_start3A_9 = tpu.memref_squeeze %dma_start3A_8 : memref<1x!tpu.dma_semaphore, #tpu.memory_space<semaphore_mem>> -> memref<!tpu.dma_semaphore, #tpu.memory_space<semaphore_mem>>
    %dma_start3A_10 = tpu.memref_slice %arg2[%multiple_of3A] : memref<327680xi32, #tpu.memory_space<hbm>> -> memref<80xi32, #tpu.memory_space<hbm>>
    tpu.enqueue_dma source(%dma_start3A_10 : memref<80xi32, #tpu.memory_space<hbm>>) target(%arg6 : memref<80xi32, #tpu.memory_space<vmem>>) target_semaphore(%dma_start3A_9 : memref<!tpu.dma_semaphore, #tpu.memory_space<semaphore_mem>>)
    %add3A_11 = arith.constant 80 : i32
    %add3A_12 = arith.addi %mul3A_4, %add3A_11 : i32
    %multiple_of3A_13 = tpu.assume_multiple %add3A_12, 8 : i32
    %dma_start3A_14 = arith.constant 1 : i32
    %dma_start3A_15 = tpu.memref_slice %arg2[%multiple_of3A_13] : memref<327680xi32, #tpu.memory_space<hbm>> -> memref<80xi32, #tpu.memory_space<hbm>>
    %dma_start3A_16 = tpu.memref_slice %arg16[%dma_start3A_14] : memref<8x!tpu.dma_semaphore, #tpu.memory_space<semaphore_mem>> -> memref<1x!tpu.dma_semaphore, #tpu.memory_space<semaphore_mem>>
    %dma_start3A_17 = tpu.memref_squeeze %dma_start3A_16 : memref<1x!tpu.dma_semaphore, #tpu.memory_space<semaphore_mem>> -> memref<!tpu.dma_semaphore, #tpu.memory_space<semaphore_mem>>
    %dma_start3A_18 = tpu.memref_slice %arg2[%multiple_of3A_13] : memref<327680xi32, #tpu.memory_space<hbm>> -> memref<80xi32, #tpu.memory_space<hbm>>
    tpu.enqueue_dma source(%dma_start3A_18 : memref<80xi32, #tpu.memory_space<hbm>>) target(%arg7 : memref<80xi32, #tpu.memory_space<vmem>>) target_semaphore(%dma_start3A_17 : memref<!tpu.dma_semaphore, #tpu.memory_space<semaphore_mem>>)
    %add3A_19 = arith.constant 160 : i32
    %add3A_20 = arith.addi %mul3A_4, %add3A_19 : i32
    %multiple_of3A_21 = tpu.assume_multiple %add3A_20, 8 : i32
    %dma_start3A_22 = arith.constant 2 : i32
    %dma_start3A_23 = tpu.memref_slice %arg2[%multiple_of3A_21] : memref<327680xi32, #tpu.memory_space<hbm>> -> memref<80xi32, #tpu.memory_space<hbm>>
    %dma_start3A_24 = tpu.memref_slice %arg16[%dma_start3A_22] : memref<8x!tpu.dma_semaphore, #tpu.memory_space<semaphore_mem>> -> memref<1x!tpu.dma_semaphore, #tpu.memory_space<semaphore_mem>>
    %dma_start3A_25 = tpu.memref_squeeze %dma_start3A_24 : memref<1x!tpu.dma_semaphore, #tpu.memory_space<semaphore_mem>> -> memref<!tpu.dma_semaphore, #tpu.memory_space<semaphore_mem>>
    %dma_start3A_26 = tpu.memref_slice %arg2[%multiple_of3A_21] : memref<327680xi32, #tpu.memory_space<hbm>> -> memref<80xi32, #tpu.memory_space<hbm>>
    tpu.enqueue_dma source(%dma_start3A_26 : memref<80xi32, #tpu.memory_space<hbm>>) target(%arg8 : memref<80xi32, #tpu.memory_space<vmem>>) target_semaphore(%dma_start3A_25 : memref<!tpu.dma_semaphore, #tpu.memory_space<semaphore_mem>>)
    %add3A_27 = arith.constant 240 : i32
    %add3A_28 = arith.addi %mul3A_4, %add3A_27 : i32
    %multiple_of3A_29 = tpu.assume_multiple %add3A_28, 8 : i32
    %dma_start3A_30 = arith.constant 3 : i32
    %dma_start3A_31 = tpu.memref_slice %arg2[%multiple_of3A_29] : memref<327680xi32, #tpu.memory_space<hbm>> -> memref<80xi32, #tpu.memory_space<hbm>>
    %dma_start3A_32 = tpu.memref_slice %arg16[%dma_start3A_30] : memref<8x!tpu.dma_semaphore, #tpu.memory_space<semaphore_mem>> -> memref<1x!tpu.dma_semaphore, #tpu.memory_space<semaphore_mem>>
    %dma_start3A_33 = tpu.memref_squeeze %dma_start3A_32 : memref<1x!tpu.dma_semaphore, #tpu.memory_space<semaphore_mem>> -> memref<!tpu.dma_semaphore, #tpu.memory_space<semaphore_mem>>
    %dma_start3A_34 = tpu.memref_slice %arg2[%multiple_of3A_29] : memref<327680xi32, #tpu.memory_space<hbm>> -> memref<80xi32, #tpu.memory_space<hbm>>
    tpu.enqueue_dma source(%dma_start3A_34 : memref<80xi32, #tpu.memory_space<hbm>>) target(%arg9 : memref<80xi32, #tpu.memory_space<vmem>>) target_semaphore(%dma_start3A_33 : memref<!tpu.dma_semaphore, #tpu.memory_space<semaphore_mem>>)
    "tpu.region"() ({
      %run_scoped3A = tpu.sem_alloc : memref<!tpu.dma_semaphore, #tpu.memory_space<semaphore_mem>>
      %dma_start3A_88 = arith.constant 0 : i32
      %dma_start3A_89 = tpu.memref_slice %arg15[%mul3A_2, %dma_start3A_88] : memref<10240x128xf32, #tpu.memory_space<vmem_shared>> -> memref<640x128xf32, #tpu.memory_space<vmem_shared>>
      tpu.enqueue_dma source(%arg4 : memref<640x128xf32, #tpu.memory_space<hbm>>) target(%dma_start3A_89 : memref<640x128xf32, #tpu.memory_space<vmem_shared>>) target_semaphore(%run_scoped3A : memref<!tpu.dma_semaphore, #tpu.memory_space<semaphore_mem>>)
      %dma_wait3A_90 = arith.constant 0 : i32
      %dma_wait3A_91 = tpu.memref_slice %arg15[%mul3A_2, %dma_wait3A_90] : memref<10240x128xf32, #tpu.memory_space<vmem_shared>> -> memref<640x128xf32, #tpu.memory_space<vmem_shared>>
      tpu.wait_dma2 semaphore(%run_scoped3A : memref<!tpu.dma_semaphore, #tpu.memory_space<semaphore_mem>>) src(%arg4 : memref<640x128xf32, #tpu.memory_space<hbm>>) dst(%dma_wait3A_91 : memref<640x128xf32, #tpu.memory_space<vmem_shared>>)
      tpu.yield
    }) : () -> ()
    "tpu.region"() ({
      %run_scoped3A = tpu.sem_alloc : memref<!tpu.dma_semaphore, #tpu.memory_space<semaphore_mem>>
      tpu.enqueue_dma source(%arg3 : memref<80x128xf32, #tpu.memory_space<hbm>>) target(%arg14 : memref<80x128xf32, #tpu.memory_space<vmem>>) target_semaphore(%run_scoped3A : memref<!tpu.dma_semaphore, #tpu.memory_space<semaphore_mem>>)
      tpu.wait_dma2 semaphore(%run_scoped3A : memref<!tpu.dma_semaphore, #tpu.memory_space<semaphore_mem>>) src(%arg3 : memref<80x128xf32, #tpu.memory_space<hbm>>) dst(%arg14 : memref<80x128xf32, #tpu.memory_space<vmem>>)
      tpu.yield
    }) : () -> ()
    %barrier3A = arith.constant 0 : index
    tpu.barrier barrier_id(%barrier3A)
    %scan3A = arith.constant 0 : i32
    %scan3A_35 = arith.constant 0 : i32
    %scan3A_36 = arith.constant 16 : i32
    %scan3A_37 = arith.addi %scan3A_35, %scan3A_36 : i32
    %scan3A_38 = arith.constant 1 : i32
    scf.for %scan3A_88 = %scan3A_35 to %scan3A_37 step %scan3A_38  : i32 {
      %mul3A_89 = arith.constant 8 : i32
      %mul3A_90 = arith.muli %scan3A_88, %mul3A_89 : i32
      %add3A_91 = arith.constant 0 : i32
      %add3A_92 = arith.addi %mul3A_90, %add3A_91 : i32
      %mul3A_93 = arith.constant 80 : i32
      %mul3A_94 = arith.muli %add3A_92, %mul3A_93 : i32
      %add3A_95 = arith.addi %mul3A_4, %mul3A_94 : i32
      %multiple_of3A_96 = tpu.assume_multiple %add3A_95, 8 : i32
      %dma_wait3A_97 = arith.constant 0 : i32
      %dma_wait3A_98 = tpu.memref_slice %arg2[%multiple_of3A_96] : memref<327680xi32, #tpu.memory_space<hbm>> -> memref<80xi32, #tpu.memory_space<hbm>>
      %dma_wait3A_99 = tpu.memref_slice %arg16[%dma_wait3A_97] : memref<8x!tpu.dma_semaphore, #tpu.memory_space<semaphore_mem>> -> memref<1x!tpu.dma_semaphore, #tpu.memory_space<semaphore_mem>>
      %dma_wait3A_100 = tpu.memref_squeeze %dma_wait3A_99 : memref<1x!tpu.dma_semaphore, #tpu.memory_space<semaphore_mem>> -> memref<!tpu.dma_semaphore, #tpu.memory_space<semaphore_mem>>
      %dma_wait3A_101 = tpu.memref_slice %arg2[%multiple_of3A_96] : memref<327680xi32, #tpu.memory_space<hbm>> -> memref<80xi32, #tpu.memory_space<hbm>>
      tpu.wait_dma2 semaphore(%dma_wait3A_100 : memref<!tpu.dma_semaphore, #tpu.memory_space<semaphore_mem>>) src(%dma_wait3A_101 : memref<80xi32, #tpu.memory_space<hbm>>) dst(%arg6 : memref<80xi32, #tpu.memory_space<vmem>>)
      %dma_start3A_102 = arith.constant 0 : i32
      %dma_start3A_103 = arith.constant 0 : i32
      %dma_start3A_104 = arith.constant 0 : i32
      %dma_start3A_105 = tpu.memref_slice %arg15[%dma_start3A_103, %dma_start3A_104] : memref<10240x128xf32, #tpu.memory_space<vmem_shared>> -> memref<10240x128xf32, #tpu.memory_space<vmem_shared>>
      %dma_start3A_106 = tpu.memref_slice %arg17[%dma_start3A_102] : memref<8x!tpu.dma_semaphore, #tpu.memory_space<semaphore_mem>> -> memref<1x!tpu.dma_semaphore, #tpu.memory_space<semaphore_mem>>
      %dma_start3A_107 = tpu.memref_squeeze %dma_start3A_106 : memref<1x!tpu.dma_semaphore, #tpu.memory_space<semaphore_mem>> -> memref<!tpu.dma_semaphore, #tpu.memory_space<semaphore_mem>>
      tpu.enqueue_indirect_dma source(%arg14 : memref<80x128xf32, #tpu.memory_space<vmem>>) target(%dma_start3A_105 : memref<10240x128xf32, #tpu.memory_space<vmem_shared>>) offsets(%arg6 : memref<80xi32, #tpu.memory_space<vmem>>) semaphore(%dma_start3A_107 : memref<!tpu.dma_semaphore, #tpu.memory_space<semaphore_mem>>) {add = true}
      %add3A_108 = arith.constant 4 : i32
      %add3A_109 = arith.addi %add3A_92, %add3A_108 : i32
      %lt3A = arith.constant 128 : i32
      %lt3A_110 = arith.cmpi slt, %add3A_109, %lt3A : i32
      %convert_element_type3A = arith.extui %lt3A_110 : i1 to i32
      %cond3A = arith.constant 0 : i32
      %cond3A_111 = arith.cmpi ne, %convert_element_type3A, %cond3A : i32
      scf.if %cond3A_111 {
        %ge3A = arith.constant 4 : i32
        %ge3A_294 = arith.cmpi sge, %add3A_92, %ge3A : i32
        %convert_element_type3A_295 = arith.extui %ge3A_294 : i1 to i32
        %cond3A_296 = arith.constant 0 : i32
        %cond3A_297 = arith.cmpi ne, %convert_element_type3A_295, %cond3A_296 : i32
        scf.if %cond3A_297 {
          %dma_wait3A_307 = arith.constant 4 : i32
          %dma_wait3A_308 = arith.constant 0 : i32
          %dma_wait3A_309 = arith.constant 0 : i32
          %dma_wait3A_310 = tpu.memref_slice %arg15[%dma_wait3A_308, %dma_wait3A_309] : memref<10240x128xf32, #tpu.memory_space<vmem_shared>> -> memref<10240x128xf32, #tpu.memory_space<vmem_shared>>
          %dma_wait3A_311 = tpu.memref_slice %arg17[%dma_wait3A_307] : memref<8x!tpu.dma_semaphore, #tpu.memory_space<semaphore_mem>> -> memref<1x!tpu.dma_semaphore, #tpu.memory_space<semaphore_mem>>
          %dma_wait3A_312 = tpu.memref_squeeze %dma_wait3A_311 : memref<1x!tpu.dma_semaphore, #tpu.memory_space<semaphore_mem>> -> memref<!tpu.dma_semaphore, #tpu.memory_space<semaphore_mem>>
          tpu.wait_indirect_dma semaphore(%dma_wait3A_312 : memref<!tpu.dma_semaphore, #tpu.memory_space<semaphore_mem>>) src(%arg14 : memref<80x128xf32, #tpu.memory_space<vmem>>) dst(%dma_wait3A_310 : memref<10240x128xf32, #tpu.memory_space<vmem_shared>>)
        } else {
        }
        %mul3A_298 = arith.constant 80 : i32
        %mul3A_299 = arith.muli %add3A_109, %mul3A_298 : i32
        %add3A_300 = arith.addi %mul3A_4, %mul3A_299 : i32
        %multiple_of3A_301 = tpu.assume_multiple %add3A_300, 8 : i32
        %dma_start3A_302 = arith.constant 4 : i32
        %dma_start3A_303 = tpu.memref_slice %arg2[%multiple_of3A_301] : memref<327680xi32, #tpu.memory_space<hbm>> -> memref<80xi32, #tpu.memory_space<hbm>>
        %dma_start3A_304 = tpu.memref_slice %arg16[%dma_start3A_302] : memref<8x!tpu.dma_semaphore, #tpu.memory_space<semaphore_mem>> -> memref<1x!tpu.dma_semaphore, #tpu.memory_space<semaphore_mem>>
        %dma_start3A_305 = tpu.memref_squeeze %dma_start3A_304 : memref<1x!tpu.dma_semaphore, #tpu.memory_space<semaphore_mem>> -> memref<!tpu.dma_semaphore, #tpu.memory_space<semaphore_mem>>
        %dma_start3A_306 = tpu.memref_slice %arg2[%multiple_of3A_301] : memref<327680xi32, #tpu.memory_space<hbm>> -> memref<80xi32, #tpu.memory_space<hbm>>
        tpu.enqueue_dma source(%dma_start3A_306 : memref<80xi32, #tpu.memory_space<hbm>>) target(%arg10 : memref<80xi32, #tpu.memory_space<vmem>>) target_semaphore(%dma_start3A_305 : memref<!tpu.dma_semaphore, #tpu.memory_space<semaphore_mem>>)
      } else {
      }
      %mul3A_112 = arith.constant 8 : i32
      %mul3A_113 = arith.muli %scan3A_88, %mul3A_112 : i32
      %add3A_114 = arith.constant 1 : i32
      %add3A_115 = arith.addi %mul3A_113, %add3A_114 : i32
      %mul3A_116 = arith.constant 80 : i32
      %mul3A_117 = arith.muli %add3A_115, %mul3A_116 : i32
      %add3A_118 = arith.addi %mul3A_4, %mul3A_117 : i32
      %multiple_of3A_119 = tpu.assume_multiple %add3A_118, 8 : i32
      %dma_wait3A_120 = arith.constant 1 : i32
      %dma_wait3A_121 = tpu.memref_slice %arg2[%multiple_of3A_119] : memref<327680xi32, #tpu.memory_space<hbm>> -> memref<80xi32, #tpu.memory_space<hbm>>
      %dma_wait3A_122 = tpu.memref_slice %arg16[%dma_wait3A_120] : memref<8x!tpu.dma_semaphore, #tpu.memory_space<semaphore_mem>> -> memref<1x!tpu.dma_semaphore, #tpu.memory_space<semaphore_mem>>
      %dma_wait3A_123 = tpu.memref_squeeze %dma_wait3A_122 : memref<1x!tpu.dma_semaphore, #tpu.memory_space<semaphore_mem>> -> memref<!tpu.dma_semaphore, #tpu.memory_space<semaphore_mem>>
      %dma_wait3A_124 = tpu.memref_slice %arg2[%multiple_of3A_119] : memref<327680xi32, #tpu.memory_space<hbm>> -> memref<80xi32, #tpu.memory_space<hbm>>
      tpu.wait_dma2 semaphore(%dma_wait3A_123 : memref<!tpu.dma_semaphore, #tpu.memory_space<semaphore_mem>>) src(%dma_wait3A_124 : memref<80xi32, #tpu.memory_space<hbm>>) dst(%arg7 : memref<80xi32, #tpu.memory_space<vmem>>)
      %dma_start3A_125 = arith.constant 1 : i32
      %dma_start3A_126 = arith.constant 0 : i32
      %dma_start3A_127 = arith.constant 0 : i32
      %dma_start3A_128 = tpu.memref_slice %arg15[%dma_start3A_126, %dma_start3A_127] : memref<10240x128xf32, #tpu.memory_space<vmem_shared>> -> memref<10240x128xf32, #tpu.memory_space<vmem_shared>>
      %dma_start3A_129 = tpu.memref_slice %arg17[%dma_start3A_125] : memref<8x!tpu.dma_semaphore, #tpu.memory_space<semaphore_mem>> -> memref<1x!tpu.dma_semaphore, #tpu.memory_space<semaphore_mem>>
      %dma_start3A_130 = tpu.memref_squeeze %dma_start3A_129 : memref<1x!tpu.dma_semaphore, #tpu.memory_space<semaphore_mem>> -> memref<!tpu.dma_semaphore, #tpu.memory_space<semaphore_mem>>
      tpu.enqueue_indirect_dma source(%arg14 : memref<80x128xf32, #tpu.memory_space<vmem>>) target(%dma_start3A_128 : memref<10240x128xf32, #tpu.memory_space<vmem_shared>>) offsets(%arg7 : memref<80xi32, #tpu.memory_space<vmem>>) semaphore(%dma_start3A_130 : memref<!tpu.dma_semaphore, #tpu.memory_space<semaphore_mem>>) {add = true}
      %add3A_131 = arith.constant 4 : i32
      %add3A_132 = arith.addi %add3A_115, %add3A_131 : i32
      %lt3A_133 = arith.constant 128 : i32
      %lt3A_134 = arith.cmpi slt, %add3A_132, %lt3A_133 : i32
      %convert_element_type3A_135 = arith.extui %lt3A_134 : i1 to i32
      %cond3A_136 = arith.constant 0 : i32
      %cond3A_137 = arith.cmpi ne, %convert_element_type3A_135, %cond3A_136 : i32
      scf.if %cond3A_137 {
        %ge3A = arith.constant 4 : i32
        %ge3A_294 = arith.cmpi sge, %add3A_115, %ge3A : i32
        %convert_element_type3A_295 = arith.extui %ge3A_294 : i1 to i32
        %cond3A_296 = arith.constant 0 : i32
        %cond3A_297 = arith.cmpi ne, %convert_element_type3A_295, %cond3A_296 : i32
        scf.if %cond3A_297 {
          %dma_wait3A_307 = arith.constant 5 : i32
          %dma_wait3A_308 = arith.constant 0 : i32
          %dma_wait3A_309 = arith.constant 0 : i32
          %dma_wait3A_310 = tpu.memref_slice %arg15[%dma_wait3A_308, %dma_wait3A_309] : memref<10240x128xf32, #tpu.memory_space<vmem_shared>> -> memref<10240x128xf32, #tpu.memory_space<vmem_shared>>
          %dma_wait3A_311 = tpu.memref_slice %arg17[%dma_wait3A_307] : memref<8x!tpu.dma_semaphore, #tpu.memory_space<semaphore_mem>> -> memref<1x!tpu.dma_semaphore, #tpu.memory_space<semaphore_mem>>
          %dma_wait3A_312 = tpu.memref_squeeze %dma_wait3A_311 : memref<1x!tpu.dma_semaphore, #tpu.memory_space<semaphore_mem>> -> memref<!tpu.dma_semaphore, #tpu.memory_space<semaphore_mem>>
          tpu.wait_indirect_dma semaphore(%dma_wait3A_312 : memref<!tpu.dma_semaphore, #tpu.memory_space<semaphore_mem>>) src(%arg14 : memref<80x128xf32, #tpu.memory_space<vmem>>) dst(%dma_wait3A_310 : memref<10240x128xf32, #tpu.memory_space<vmem_shared>>)
        } else {
        }
        %mul3A_298 = arith.constant 80 : i32
        %mul3A_299 = arith.muli %add3A_132, %mul3A_298 : i32
        %add3A_300 = arith.addi %mul3A_4, %mul3A_299 : i32
        %multiple_of3A_301 = tpu.assume_multiple %add3A_300, 8 : i32
        %dma_start3A_302 = arith.constant 5 : i32
        %dma_start3A_303 = tpu.memref_slice %arg2[%multiple_of3A_301] : memref<327680xi32, #tpu.memory_space<hbm>> -> memref<80xi32, #tpu.memory_space<hbm>>
        %dma_start3A_304 = tpu.memref_slice %arg16[%dma_start3A_302] : memref<8x!tpu.dma_semaphore, #tpu.memory_space<semaphore_mem>> -> memref<1x!tpu.dma_semaphore, #tpu.memory_space<semaphore_mem>>
        %dma_start3A_305 = tpu.memref_squeeze %dma_start3A_304 : memref<1x!tpu.dma_semaphore, #tpu.memory_space<semaphore_mem>> -> memref<!tpu.dma_semaphore, #tpu.memory_space<semaphore_mem>>
        %dma_start3A_306 = tpu.memref_slice %arg2[%multiple_of3A_301] : memref<327680xi32, #tpu.memory_space<hbm>> -> memref<80xi32, #tpu.memory_space<hbm>>
        tpu.enqueue_dma source(%dma_start3A_306 : memref<80xi32, #tpu.memory_space<hbm>>) target(%arg11 : memref<80xi32, #tpu.memory_space<vmem>>) target_semaphore(%dma_start3A_305 : memref<!tpu.dma_semaphore, #tpu.memory_space<semaphore_mem>>)
      } else {
      }
      %mul3A_138 = arith.constant 8 : i32
      %mul3A_139 = arith.muli %scan3A_88, %mul3A_138 : i32
      %add3A_140 = arith.constant 2 : i32
      %add3A_141 = arith.addi %mul3A_139, %add3A_140 : i32
      %mul3A_142 = arith.constant 80 : i32
      %mul3A_143 = arith.muli %add3A_141, %mul3A_142 : i32
      %add3A_144 = arith.addi %mul3A_4, %mul3A_143 : i32
      %multiple_of3A_145 = tpu.assume_multiple %add3A_144, 8 : i32
      %dma_wait3A_146 = arith.constant 2 : i32
      %dma_wait3A_147 = tpu.memref_slice %arg2[%multiple_of3A_145] : memref<327680xi32, #tpu.memory_space<hbm>> -> memref<80xi32, #tpu.memory_space<hbm>>
      %dma_wait3A_148 = tpu.memref_slice %arg16[%dma_wait3A_146] : memref<8x!tpu.dma_semaphore, #tpu.memory_space<semaphore_mem>> -> memref<1x!tpu.dma_semaphore, #tpu.memory_space<semaphore_mem>>
      %dma_wait3A_149 = tpu.memref_squeeze %dma_wait3A_148 : memref<1x!tpu.dma_semaphore, #tpu.memory_space<semaphore_mem>> -> memref<!tpu.dma_semaphore, #tpu.memory_space<semaphore_mem>>
      %dma_wait3A_150 = tpu.memref_slice %arg2[%multiple_of3A_145] : memref<327680xi32, #tpu.memory_space<hbm>> -> memref<80xi32, #tpu.memory_space<hbm>>
      tpu.wait_dma2 semaphore(%dma_wait3A_149 : memref<!tpu.dma_semaphore, #tpu.memory_space<semaphore_mem>>) src(%dma_wait3A_150 : memref<80xi32, #tpu.memory_space<hbm>>) dst(%arg8 : memref<80xi32, #tpu.memory_space<vmem>>)
      %dma_start3A_151 = arith.constant 2 : i32
      %dma_start3A_152 = arith.constant 0 : i32
      %dma_start3A_153 = arith.constant 0 : i32
      %dma_start3A_154 = tpu.memref_slice %arg15[%dma_start3A_152, %dma_start3A_153] : memref<10240x128xf32, #tpu.memory_space<vmem_shared>> -> memref<10240x128xf32, #tpu.memory_space<vmem_shared>>
      %dma_start3A_155 = tpu.memref_slice %arg17[%dma_start3A_151] : memref<8x!tpu.dma_semaphore, #tpu.memory_space<semaphore_mem>> -> memref<1x!tpu.dma_semaphore, #tpu.memory_space<semaphore_mem>>
      %dma_start3A_156 = tpu.memref_squeeze %dma_start3A_155 : memref<1x!tpu.dma_semaphore, #tpu.memory_space<semaphore_mem>> -> memref<!tpu.dma_semaphore, #tpu.memory_space<semaphore_mem>>
      tpu.enqueue_indirect_dma source(%arg14 : memref<80x128xf32, #tpu.memory_space<vmem>>) target(%dma_start3A_154 : memref<10240x128xf32, #tpu.memory_space<vmem_shared>>) offsets(%arg8 : memref<80xi32, #tpu.memory_space<vmem>>) semaphore(%dma_start3A_156 : memref<!tpu.dma_semaphore, #tpu.memory_space<semaphore_mem>>) {add = true}
      %add3A_157 = arith.constant 4 : i32
      %add3A_158 = arith.addi %add3A_141, %add3A_157 : i32
      %lt3A_159 = arith.constant 128 : i32
      %lt3A_160 = arith.cmpi slt, %add3A_158, %lt3A_159 : i32
      %convert_element_type3A_161 = arith.extui %lt3A_160 : i1 to i32
      %cond3A_162 = arith.constant 0 : i32
      %cond3A_163 = arith.cmpi ne, %convert_element_type3A_161, %cond3A_162 : i32
      scf.if %cond3A_163 {
        %ge3A = arith.constant 4 : i32
        %ge3A_294 = arith.cmpi sge, %add3A_141, %ge3A : i32
        %convert_element_type3A_295 = arith.extui %ge3A_294 : i1 to i32
        %cond3A_296 = arith.constant 0 : i32
        %cond3A_297 = arith.cmpi ne, %convert_element_type3A_295, %cond3A_296 : i32
        scf.if %cond3A_297 {
          %dma_wait3A_307 = arith.constant 6 : i32
          %dma_wait3A_308 = arith.constant 0 : i32
          %dma_wait3A_309 = arith.constant 0 : i32
          %dma_wait3A_310 = tpu.memref_slice %arg15[%dma_wait3A_308, %dma_wait3A_309] : memref<10240x128xf32, #tpu.memory_space<vmem_shared>> -> memref<10240x128xf32, #tpu.memory_space<vmem_shared>>
          %dma_wait3A_311 = tpu.memref_slice %arg17[%dma_wait3A_307] : memref<8x!tpu.dma_semaphore, #tpu.memory_space<semaphore_mem>> -> memref<1x!tpu.dma_semaphore, #tpu.memory_space<semaphore_mem>>
          %dma_wait3A_312 = tpu.memref_squeeze %dma_wait3A_311 : memref<1x!tpu.dma_semaphore, #tpu.memory_space<semaphore_mem>> -> memref<!tpu.dma_semaphore, #tpu.memory_space<semaphore_mem>>
          tpu.wait_indirect_dma semaphore(%dma_wait3A_312 : memref<!tpu.dma_semaphore, #tpu.memory_space<semaphore_mem>>) src(%arg14 : memref<80x128xf32, #tpu.memory_space<vmem>>) dst(%dma_wait3A_310 : memref<10240x128xf32, #tpu.memory_space<vmem_shared>>)
        } else {
        }
        %mul3A_298 = arith.constant 80 : i32
        %mul3A_299 = arith.muli %add3A_158, %mul3A_298 : i32
        %add3A_300 = arith.addi %mul3A_4, %mul3A_299 : i32
        %multiple_of3A_301 = tpu.assume_multiple %add3A_300, 8 : i32
        %dma_start3A_302 = arith.constant 6 : i32
        %dma_start3A_303 = tpu.memref_slice %arg2[%multiple_of3A_301] : memref<327680xi32, #tpu.memory_space<hbm>> -> memref<80xi32, #tpu.memory_space<hbm>>
        %dma_start3A_304 = tpu.memref_slice %arg16[%dma_start3A_302] : memref<8x!tpu.dma_semaphore, #tpu.memory_space<semaphore_mem>> -> memref<1x!tpu.dma_semaphore, #tpu.memory_space<semaphore_mem>>
        %dma_start3A_305 = tpu.memref_squeeze %dma_start3A_304 : memref<1x!tpu.dma_semaphore, #tpu.memory_space<semaphore_mem>> -> memref<!tpu.dma_semaphore, #tpu.memory_space<semaphore_mem>>
        %dma_start3A_306 = tpu.memref_slice %arg2[%multiple_of3A_301] : memref<327680xi32, #tpu.memory_space<hbm>> -> memref<80xi32, #tpu.memory_space<hbm>>
        tpu.enqueue_dma source(%dma_start3A_306 : memref<80xi32, #tpu.memory_space<hbm>>) target(%arg12 : memref<80xi32, #tpu.memory_space<vmem>>) target_semaphore(%dma_start3A_305 : memref<!tpu.dma_semaphore, #tpu.memory_space<semaphore_mem>>)
      } else {
      }
      %mul3A_164 = arith.constant 8 : i32
      %mul3A_165 = arith.muli %scan3A_88, %mul3A_164 : i32
      %add3A_166 = arith.constant 3 : i32
      %add3A_167 = arith.addi %mul3A_165, %add3A_166 : i32
      %mul3A_168 = arith.constant 80 : i32
      %mul3A_169 = arith.muli %add3A_167, %mul3A_168 : i32
      %add3A_170 = arith.addi %mul3A_4, %mul3A_169 : i32
      %multiple_of3A_171 = tpu.assume_multiple %add3A_170, 8 : i32
      %dma_wait3A_172 = arith.constant 3 : i32
      %dma_wait3A_173 = tpu.memref_slice %arg2[%multiple_of3A_171] : memref<327680xi32, #tpu.memory_space<hbm>> -> memref<80xi32, #tpu.memory_space<hbm>>
      %dma_wait3A_174 = tpu.memref_slice %arg16[%dma_wait3A_172] : memref<8x!tpu.dma_semaphore, #tpu.memory_space<semaphore_mem>> -> memref<1x!tpu.dma_semaphore, #tpu.memory_space<semaphore_mem>>
      %dma_wait3A_175 = tpu.memref_squeeze %dma_wait3A_174 : memref<1x!tpu.dma_semaphore, #tpu.memory_space<semaphore_mem>> -> memref<!tpu.dma_semaphore, #tpu.memory_space<semaphore_mem>>
      %dma_wait3A_176 = tpu.memref_slice %arg2[%multiple_of3A_171] : memref<327680xi32, #tpu.memory_space<hbm>> -> memref<80xi32, #tpu.memory_space<hbm>>
      tpu.wait_dma2 semaphore(%dma_wait3A_175 : memref<!tpu.dma_semaphore, #tpu.memory_space<semaphore_mem>>) src(%dma_wait3A_176 : memref<80xi32, #tpu.memory_space<hbm>>) dst(%arg9 : memref<80xi32, #tpu.memory_space<vmem>>)
      %dma_start3A_177 = arith.constant 3 : i32
      %dma_start3A_178 = arith.constant 0 : i32
      %dma_start3A_179 = arith.constant 0 : i32
      %dma_start3A_180 = tpu.memref_slice %arg15[%dma_start3A_178, %dma_start3A_179] : memref<10240x128xf32, #tpu.memory_space<vmem_shared>> -> memref<10240x128xf32, #tpu.memory_space<vmem_shared>>
      %dma_start3A_181 = tpu.memref_slice %arg17[%dma_start3A_177] : memref<8x!tpu.dma_semaphore, #tpu.memory_space<semaphore_mem>> -> memref<1x!tpu.dma_semaphore, #tpu.memory_space<semaphore_mem>>
      %dma_start3A_182 = tpu.memref_squeeze %dma_start3A_181 : memref<1x!tpu.dma_semaphore, #tpu.memory_space<semaphore_mem>> -> memref<!tpu.dma_semaphore, #tpu.memory_space<semaphore_mem>>
      tpu.enqueue_indirect_dma source(%arg14 : memref<80x128xf32, #tpu.memory_space<vmem>>) target(%dma_start3A_180 : memref<10240x128xf32, #tpu.memory_space<vmem_shared>>) offsets(%arg9 : memref<80xi32, #tpu.memory_space<vmem>>) semaphore(%dma_start3A_182 : memref<!tpu.dma_semaphore, #tpu.memory_space<semaphore_mem>>) {add = true}
      %add3A_183 = arith.constant 4 : i32
      %add3A_184 = arith.addi %add3A_167, %add3A_183 : i32
      %lt3A_185 = arith.constant 128 : i32
      %lt3A_186 = arith.cmpi slt, %add3A_184, %lt3A_185 : i32
      %convert_element_type3A_187 = arith.extui %lt3A_186 : i1 to i32
      %cond3A_188 = arith.constant 0 : i32
      %cond3A_189 = arith.cmpi ne, %convert_element_type3A_187, %cond3A_188 : i32
      scf.if %cond3A_189 {
        %ge3A = arith.constant 4 : i32
        %ge3A_294 = arith.cmpi sge, %add3A_167, %ge3A : i32
        %convert_element_type3A_295 = arith.extui %ge3A_294 : i1 to i32
        %cond3A_296 = arith.constant 0 : i32
        %cond3A_297 = arith.cmpi ne, %convert_element_type3A_295, %cond3A_296 : i32
        scf.if %cond3A_297 {
          %dma_wait3A_307 = arith.constant 7 : i32
          %dma_wait3A_308 = arith.constant 0 : i32
          %dma_wait3A_309 = arith.constant 0 : i32
          %dma_wait3A_310 = tpu.memref_slice %arg15[%dma_wait3A_308, %dma_wait3A_309] : memref<10240x128xf32, #tpu.memory_space<vmem_shared>> -> memref<10240x128xf32, #tpu.memory_space<vmem_shared>>
          %dma_wait3A_311 = tpu.memref_slice %arg17[%dma_wait3A_307] : memref<8x!tpu.dma_semaphore, #tpu.memory_space<semaphore_mem>> -> memref<1x!tpu.dma_semaphore, #tpu.memory_space<semaphore_mem>>
          %dma_wait3A_312 = tpu.memref_squeeze %dma_wait3A_311 : memref<1x!tpu.dma_semaphore, #tpu.memory_space<semaphore_mem>> -> memref<!tpu.dma_semaphore, #tpu.memory_space<semaphore_mem>>
          tpu.wait_indirect_dma semaphore(%dma_wait3A_312 : memref<!tpu.dma_semaphore, #tpu.memory_space<semaphore_mem>>) src(%arg14 : memref<80x128xf32, #tpu.memory_space<vmem>>) dst(%dma_wait3A_310 : memref<10240x128xf32, #tpu.memory_space<vmem_shared>>)
        } else {
        }
        %mul3A_298 = arith.constant 80 : i32
        %mul3A_299 = arith.muli %add3A_184, %mul3A_298 : i32
        %add3A_300 = arith.addi %mul3A_4, %mul3A_299 : i32
        %multiple_of3A_301 = tpu.assume_multiple %add3A_300, 8 : i32
        %dma_start3A_302 = arith.constant 7 : i32
        %dma_start3A_303 = tpu.memref_slice %arg2[%multiple_of3A_301] : memref<327680xi32, #tpu.memory_space<hbm>> -> memref<80xi32, #tpu.memory_space<hbm>>
        %dma_start3A_304 = tpu.memref_slice %arg16[%dma_start3A_302] : memref<8x!tpu.dma_semaphore, #tpu.memory_space<semaphore_mem>> -> memref<1x!tpu.dma_semaphore, #tpu.memory_space<semaphore_mem>>
        %dma_start3A_305 = tpu.memref_squeeze %dma_start3A_304 : memref<1x!tpu.dma_semaphore, #tpu.memory_space<semaphore_mem>> -> memref<!tpu.dma_semaphore, #tpu.memory_space<semaphore_mem>>
        %dma_start3A_306 = tpu.memref_slice %arg2[%multiple_of3A_301] : memref<327680xi32, #tpu.memory_space<hbm>> -> memref<80xi32, #tpu.memory_space<hbm>>
        tpu.enqueue_dma source(%dma_start3A_306 : memref<80xi32, #tpu.memory_space<hbm>>) target(%arg13 : memref<80xi32, #tpu.memory_space<vmem>>) target_semaphore(%dma_start3A_305 : memref<!tpu.dma_semaphore, #tpu.memory_space<semaphore_mem>>)
      } else {
      }
      %mul3A_190 = arith.constant 8 : i32
      %mul3A_191 = arith.muli %scan3A_88, %mul3A_190 : i32
      %add3A_192 = arith.constant 4 : i32
      %add3A_193 = arith.addi %mul3A_191, %add3A_192 : i32
      %mul3A_194 = arith.constant 80 : i32
      %mul3A_195 = arith.muli %add3A_193, %mul3A_194 : i32
      %add3A_196 = arith.addi %mul3A_4, %mul3A_195 : i32
      %multiple_of3A_197 = tpu.assume_multiple %add3A_196, 8 : i32
      %dma_wait3A_198 = arith.constant 4 : i32
      %dma_wait3A_199 = tpu.memref_slice %arg2[%multiple_of3A_197] : memref<327680xi32, #tpu.memory_space<hbm>> -> memref<80xi32, #tpu.memory_space<hbm>>
      %dma_wait3A_200 = tpu.memref_slice %arg16[%dma_wait3A_198] : memref<8x!tpu.dma_semaphore, #tpu.memory_space<semaphore_mem>> -> memref<1x!tpu.dma_semaphore, #tpu.memory_space<semaphore_mem>>
      %dma_wait3A_201 = tpu.memref_squeeze %dma_wait3A_200 : memref<1x!tpu.dma_semaphore, #tpu.memory_space<semaphore_mem>> -> memref<!tpu.dma_semaphore, #tpu.memory_space<semaphore_mem>>
      %dma_wait3A_202 = tpu.memref_slice %arg2[%multiple_of3A_197] : memref<327680xi32, #tpu.memory_space<hbm>> -> memref<80xi32, #tpu.memory_space<hbm>>
      tpu.wait_dma2 semaphore(%dma_wait3A_201 : memref<!tpu.dma_semaphore, #tpu.memory_space<semaphore_mem>>) src(%dma_wait3A_202 : memref<80xi32, #tpu.memory_space<hbm>>) dst(%arg10 : memref<80xi32, #tpu.memory_space<vmem>>)
      %dma_start3A_203 = arith.constant 4 : i32
      %dma_start3A_204 = arith.constant 0 : i32
      %dma_start3A_205 = arith.constant 0 : i32
      %dma_start3A_206 = tpu.memref_slice %arg15[%dma_start3A_204, %dma_start3A_205] : memref<10240x128xf32, #tpu.memory_space<vmem_shared>> -> memref<10240x128xf32, #tpu.memory_space<vmem_shared>>
      %dma_start3A_207 = tpu.memref_slice %arg17[%dma_start3A_203] : memref<8x!tpu.dma_semaphore, #tpu.memory_space<semaphore_mem>> -> memref<1x!tpu.dma_semaphore, #tpu.memory_space<semaphore_mem>>
      %dma_start3A_208 = tpu.memref_squeeze %dma_start3A_207 : memref<1x!tpu.dma_semaphore, #tpu.memory_space<semaphore_mem>> -> memref<!tpu.dma_semaphore, #tpu.memory_space<semaphore_mem>>
      tpu.enqueue_indirect_dma source(%arg14 : memref<80x128xf32, #tpu.memory_space<vmem>>) target(%dma_start3A_206 : memref<10240x128xf32, #tpu.memory_space<vmem_shared>>) offsets(%arg10 : memref<80xi32, #tpu.memory_space<vmem>>) semaphore(%dma_start3A_208 : memref<!tpu.dma_semaphore, #tpu.memory_space<semaphore_mem>>) {add = true}
      %add3A_209 = arith.constant 4 : i32
      %add3A_210 = arith.addi %add3A_193, %add3A_209 : i32
      %lt3A_211 = arith.constant 128 : i32
      %lt3A_212 = arith.cmpi slt, %add3A_210, %lt3A_211 : i32
      %convert_element_type3A_213 = arith.extui %lt3A_212 : i1 to i32
      %cond3A_214 = arith.constant 0 : i32
      %cond3A_215 = arith.cmpi ne, %convert_element_type3A_213, %cond3A_214 : i32
      scf.if %cond3A_215 {
        %ge3A = arith.constant 4 : i32
        %ge3A_294 = arith.cmpi sge, %add3A_193, %ge3A : i32
        %convert_element_type3A_295 = arith.extui %ge3A_294 : i1 to i32
        %cond3A_296 = arith.constant 0 : i32
        %cond3A_297 = arith.cmpi ne, %convert_element_type3A_295, %cond3A_296 : i32
        scf.if %cond3A_297 {
          %dma_wait3A_307 = arith.constant 0 : i32
          %dma_wait3A_308 = arith.constant 0 : i32
          %dma_wait3A_309 = arith.constant 0 : i32
          %dma_wait3A_310 = tpu.memref_slice %arg15[%dma_wait3A_308, %dma_wait3A_309] : memref<10240x128xf32, #tpu.memory_space<vmem_shared>> -> memref<10240x128xf32, #tpu.memory_space<vmem_shared>>
          %dma_wait3A_311 = tpu.memref_slice %arg17[%dma_wait3A_307] : memref<8x!tpu.dma_semaphore, #tpu.memory_space<semaphore_mem>> -> memref<1x!tpu.dma_semaphore, #tpu.memory_space<semaphore_mem>>
          %dma_wait3A_312 = tpu.memref_squeeze %dma_wait3A_311 : memref<1x!tpu.dma_semaphore, #tpu.memory_space<semaphore_mem>> -> memref<!tpu.dma_semaphore, #tpu.memory_space<semaphore_mem>>
          tpu.wait_indirect_dma semaphore(%dma_wait3A_312 : memref<!tpu.dma_semaphore, #tpu.memory_space<semaphore_mem>>) src(%arg14 : memref<80x128xf32, #tpu.memory_space<vmem>>) dst(%dma_wait3A_310 : memref<10240x128xf32, #tpu.memory_space<vmem_shared>>)
        } else {
        }
        %mul3A_298 = arith.constant 80 : i32
        %mul3A_299 = arith.muli %add3A_210, %mul3A_298 : i32
        %add3A_300 = arith.addi %mul3A_4, %mul3A_299 : i32
        %multiple_of3A_301 = tpu.assume_multiple %add3A_300, 8 : i32
        %dma_start3A_302 = arith.constant 0 : i32
        %dma_start3A_303 = tpu.memref_slice %arg2[%multiple_of3A_301] : memref<327680xi32, #tpu.memory_space<hbm>> -> memref<80xi32, #tpu.memory_space<hbm>>
        %dma_start3A_304 = tpu.memref_slice %arg16[%dma_start3A_302] : memref<8x!tpu.dma_semaphore, #tpu.memory_space<semaphore_mem>> -> memref<1x!tpu.dma_semaphore, #tpu.memory_space<semaphore_mem>>
        %dma_start3A_305 = tpu.memref_squeeze %dma_start3A_304 : memref<1x!tpu.dma_semaphore, #tpu.memory_space<semaphore_mem>> -> memref<!tpu.dma_semaphore, #tpu.memory_space<semaphore_mem>>
        %dma_start3A_306 = tpu.memref_slice %arg2[%multiple_of3A_301] : memref<327680xi32, #tpu.memory_space<hbm>> -> memref<80xi32, #tpu.memory_space<hbm>>
        tpu.enqueue_dma source(%dma_start3A_306 : memref<80xi32, #tpu.memory_space<hbm>>) target(%arg6 : memref<80xi32, #tpu.memory_space<vmem>>) target_semaphore(%dma_start3A_305 : memref<!tpu.dma_semaphore, #tpu.memory_space<semaphore_mem>>)
      } else {
      }
      %mul3A_216 = arith.constant 8 : i32
      %mul3A_217 = arith.muli %scan3A_88, %mul3A_216 : i32
      %add3A_218 = arith.constant 5 : i32
      %add3A_219 = arith.addi %mul3A_217, %add3A_218 : i32
      %mul3A_220 = arith.constant 80 : i32
      %mul3A_221 = arith.muli %add3A_219, %mul3A_220 : i32
      %add3A_222 = arith.addi %mul3A_4, %mul3A_221 : i32
      %multiple_of3A_223 = tpu.assume_multiple %add3A_222, 8 : i32
      %dma_wait3A_224 = arith.constant 5 : i32
      %dma_wait3A_225 = tpu.memref_slice %arg2[%multiple_of3A_223] : memref<327680xi32, #tpu.memory_space<hbm>> -> memref<80xi32, #tpu.memory_space<hbm>>
      %dma_wait3A_226 = tpu.memref_slice %arg16[%dma_wait3A_224] : memref<8x!tpu.dma_semaphore, #tpu.memory_space<semaphore_mem>> -> memref<1x!tpu.dma_semaphore, #tpu.memory_space<semaphore_mem>>
      %dma_wait3A_227 = tpu.memref_squeeze %dma_wait3A_226 : memref<1x!tpu.dma_semaphore, #tpu.memory_space<semaphore_mem>> -> memref<!tpu.dma_semaphore, #tpu.memory_space<semaphore_mem>>
      %dma_wait3A_228 = tpu.memref_slice %arg2[%multiple_of3A_223] : memref<327680xi32, #tpu.memory_space<hbm>> -> memref<80xi32, #tpu.memory_space<hbm>>
      tpu.wait_dma2 semaphore(%dma_wait3A_227 : memref<!tpu.dma_semaphore, #tpu.memory_space<semaphore_mem>>) src(%dma_wait3A_228 : memref<80xi32, #tpu.memory_space<hbm>>) dst(%arg11 : memref<80xi32, #tpu.memory_space<vmem>>)
      %dma_start3A_229 = arith.constant 5 : i32
      %dma_start3A_230 = arith.constant 0 : i32
      %dma_start3A_231 = arith.constant 0 : i32
      %dma_start3A_232 = tpu.memref_slice %arg15[%dma_start3A_230, %dma_start3A_231] : memref<10240x128xf32, #tpu.memory_space<vmem_shared>> -> memref<10240x128xf32, #tpu.memory_space<vmem_shared>>
      %dma_start3A_233 = tpu.memref_slice %arg17[%dma_start3A_229] : memref<8x!tpu.dma_semaphore, #tpu.memory_space<semaphore_mem>> -> memref<1x!tpu.dma_semaphore, #tpu.memory_space<semaphore_mem>>
      %dma_start3A_234 = tpu.memref_squeeze %dma_start3A_233 : memref<1x!tpu.dma_semaphore, #tpu.memory_space<semaphore_mem>> -> memref<!tpu.dma_semaphore, #tpu.memory_space<semaphore_mem>>
      tpu.enqueue_indirect_dma source(%arg14 : memref<80x128xf32, #tpu.memory_space<vmem>>) target(%dma_start3A_232 : memref<10240x128xf32, #tpu.memory_space<vmem_shared>>) offsets(%arg11 : memref<80xi32, #tpu.memory_space<vmem>>) semaphore(%dma_start3A_234 : memref<!tpu.dma_semaphore, #tpu.memory_space<semaphore_mem>>) {add = true}
      %add3A_235 = arith.constant 4 : i32
      %add3A_236 = arith.addi %add3A_219, %add3A_235 : i32
      %lt3A_237 = arith.constant 128 : i32
      %lt3A_238 = arith.cmpi slt, %add3A_236, %lt3A_237 : i32
      %convert_element_type3A_239 = arith.extui %lt3A_238 : i1 to i32
      %cond3A_240 = arith.constant 0 : i32
      %cond3A_241 = arith.cmpi ne, %convert_element_type3A_239, %cond3A_240 : i32
      scf.if %cond3A_241 {
        %ge3A = arith.constant 4 : i32
        %ge3A_294 = arith.cmpi sge, %add3A_219, %ge3A : i32
        %convert_element_type3A_295 = arith.extui %ge3A_294 : i1 to i32
        %cond3A_296 = arith.constant 0 : i32
        %cond3A_297 = arith.cmpi ne, %convert_element_type3A_295, %cond3A_296 : i32
        scf.if %cond3A_297 {
          %dma_wait3A_307 = arith.constant 1 : i32
          %dma_wait3A_308 = arith.constant 0 : i32
          %dma_wait3A_309 = arith.constant 0 : i32
          %dma_wait3A_310 = tpu.memref_slice %arg15[%dma_wait3A_308, %dma_wait3A_309] : memref<10240x128xf32, #tpu.memory_space<vmem_shared>> -> memref<10240x128xf32, #tpu.memory_space<vmem_shared>>
          %dma_wait3A_311 = tpu.memref_slice %arg17[%dma_wait3A_307] : memref<8x!tpu.dma_semaphore, #tpu.memory_space<semaphore_mem>> -> memref<1x!tpu.dma_semaphore, #tpu.memory_space<semaphore_mem>>
          %dma_wait3A_312 = tpu.memref_squeeze %dma_wait3A_311 : memref<1x!tpu.dma_semaphore, #tpu.memory_space<semaphore_mem>> -> memref<!tpu.dma_semaphore, #tpu.memory_space<semaphore_mem>>
          tpu.wait_indirect_dma semaphore(%dma_wait3A_312 : memref<!tpu.dma_semaphore, #tpu.memory_space<semaphore_mem>>) src(%arg14 : memref<80x128xf32, #tpu.memory_space<vmem>>) dst(%dma_wait3A_310 : memref<10240x128xf32, #tpu.memory_space<vmem_shared>>)
        } else {
        }
        %mul3A_298 = arith.constant 80 : i32
        %mul3A_299 = arith.muli %add3A_236, %mul3A_298 : i32
        %add3A_300 = arith.addi %mul3A_4, %mul3A_299 : i32
        %multiple_of3A_301 = tpu.assume_multiple %add3A_300, 8 : i32
        %dma_start3A_302 = arith.constant 1 : i32
        %dma_start3A_303 = tpu.memref_slice %arg2[%multiple_of3A_301] : memref<327680xi32, #tpu.memory_space<hbm>> -> memref<80xi32, #tpu.memory_space<hbm>>
        %dma_start3A_304 = tpu.memref_slice %arg16[%dma_start3A_302] : memref<8x!tpu.dma_semaphore, #tpu.memory_space<semaphore_mem>> -> memref<1x!tpu.dma_semaphore, #tpu.memory_space<semaphore_mem>>
        %dma_start3A_305 = tpu.memref_squeeze %dma_start3A_304 : memref<1x!tpu.dma_semaphore, #tpu.memory_space<semaphore_mem>> -> memref<!tpu.dma_semaphore, #tpu.memory_space<semaphore_mem>>
        %dma_start3A_306 = tpu.memref_slice %arg2[%multiple_of3A_301] : memref<327680xi32, #tpu.memory_space<hbm>> -> memref<80xi32, #tpu.memory_space<hbm>>
        tpu.enqueue_dma source(%dma_start3A_306 : memref<80xi32, #tpu.memory_space<hbm>>) target(%arg7 : memref<80xi32, #tpu.memory_space<vmem>>) target_semaphore(%dma_start3A_305 : memref<!tpu.dma_semaphore, #tpu.memory_space<semaphore_mem>>)
      } else {
      }
      %mul3A_242 = arith.constant 8 : i32
      %mul3A_243 = arith.muli %scan3A_88, %mul3A_242 : i32
      %add3A_244 = arith.constant 6 : i32
      %add3A_245 = arith.addi %mul3A_243, %add3A_244 : i32
      %mul3A_246 = arith.constant 80 : i32
      %mul3A_247 = arith.muli %add3A_245, %mul3A_246 : i32
      %add3A_248 = arith.addi %mul3A_4, %mul3A_247 : i32
      %multiple_of3A_249 = tpu.assume_multiple %add3A_248, 8 : i32
      %dma_wait3A_250 = arith.constant 6 : i32
      %dma_wait3A_251 = tpu.memref_slice %arg2[%multiple_of3A_249] : memref<327680xi32, #tpu.memory_space<hbm>> -> memref<80xi32, #tpu.memory_space<hbm>>
      %dma_wait3A_252 = tpu.memref_slice %arg16[%dma_wait3A_250] : memref<8x!tpu.dma_semaphore, #tpu.memory_space<semaphore_mem>> -> memref<1x!tpu.dma_semaphore, #tpu.memory_space<semaphore_mem>>
      %dma_wait3A_253 = tpu.memref_squeeze %dma_wait3A_252 : memref<1x!tpu.dma_semaphore, #tpu.memory_space<semaphore_mem>> -> memref<!tpu.dma_semaphore, #tpu.memory_space<semaphore_mem>>
      %dma_wait3A_254 = tpu.memref_slice %arg2[%multiple_of3A_249] : memref<327680xi32, #tpu.memory_space<hbm>> -> memref<80xi32, #tpu.memory_space<hbm>>
      tpu.wait_dma2 semaphore(%dma_wait3A_253 : memref<!tpu.dma_semaphore, #tpu.memory_space<semaphore_mem>>) src(%dma_wait3A_254 : memref<80xi32, #tpu.memory_space<hbm>>) dst(%arg12 : memref<80xi32, #tpu.memory_space<vmem>>)
      %dma_start3A_255 = arith.constant 6 : i32
      %dma_start3A_256 = arith.constant 0 : i32
      %dma_start3A_257 = arith.constant 0 : i32
      %dma_start3A_258 = tpu.memref_slice %arg15[%dma_start3A_256, %dma_start3A_257] : memref<10240x128xf32, #tpu.memory_space<vmem_shared>> -> memref<10240x128xf32, #tpu.memory_space<vmem_shared>>
      %dma_start3A_259 = tpu.memref_slice %arg17[%dma_start3A_255] : memref<8x!tpu.dma_semaphore, #tpu.memory_space<semaphore_mem>> -> memref<1x!tpu.dma_semaphore, #tpu.memory_space<semaphore_mem>>
      %dma_start3A_260 = tpu.memref_squeeze %dma_start3A_259 : memref<1x!tpu.dma_semaphore, #tpu.memory_space<semaphore_mem>> -> memref<!tpu.dma_semaphore, #tpu.memory_space<semaphore_mem>>
      tpu.enqueue_indirect_dma source(%arg14 : memref<80x128xf32, #tpu.memory_space<vmem>>) target(%dma_start3A_258 : memref<10240x128xf32, #tpu.memory_space<vmem_shared>>) offsets(%arg12 : memref<80xi32, #tpu.memory_space<vmem>>) semaphore(%dma_start3A_260 : memref<!tpu.dma_semaphore, #tpu.memory_space<semaphore_mem>>) {add = true}
      %add3A_261 = arith.constant 4 : i32
      %add3A_262 = arith.addi %add3A_245, %add3A_261 : i32
      %lt3A_263 = arith.constant 128 : i32
      %lt3A_264 = arith.cmpi slt, %add3A_262, %lt3A_263 : i32
      %convert_element_type3A_265 = arith.extui %lt3A_264 : i1 to i32
      %cond3A_266 = arith.constant 0 : i32
      %cond3A_267 = arith.cmpi ne, %convert_element_type3A_265, %cond3A_266 : i32
      scf.if %cond3A_267 {
        %ge3A = arith.constant 4 : i32
        %ge3A_294 = arith.cmpi sge, %add3A_245, %ge3A : i32
        %convert_element_type3A_295 = arith.extui %ge3A_294 : i1 to i32
        %cond3A_296 = arith.constant 0 : i32
        %cond3A_297 = arith.cmpi ne, %convert_element_type3A_295, %cond3A_296 : i32
        scf.if %cond3A_297 {
          %dma_wait3A_307 = arith.constant 2 : i32
          %dma_wait3A_308 = arith.constant 0 : i32
          %dma_wait3A_309 = arith.constant 0 : i32
          %dma_wait3A_310 = tpu.memref_slice %arg15[%dma_wait3A_308, %dma_wait3A_309] : memref<10240x128xf32, #tpu.memory_space<vmem_shared>> -> memref<10240x128xf32, #tpu.memory_space<vmem_shared>>
          %dma_wait3A_311 = tpu.memref_slice %arg17[%dma_wait3A_307] : memref<8x!tpu.dma_semaphore, #tpu.memory_space<semaphore_mem>> -> memref<1x!tpu.dma_semaphore, #tpu.memory_space<semaphore_mem>>
          %dma_wait3A_312 = tpu.memref_squeeze %dma_wait3A_311 : memref<1x!tpu.dma_semaphore, #tpu.memory_space<semaphore_mem>> -> memref<!tpu.dma_semaphore, #tpu.memory_space<semaphore_mem>>
          tpu.wait_indirect_dma semaphore(%dma_wait3A_312 : memref<!tpu.dma_semaphore, #tpu.memory_space<semaphore_mem>>) src(%arg14 : memref<80x128xf32, #tpu.memory_space<vmem>>) dst(%dma_wait3A_310 : memref<10240x128xf32, #tpu.memory_space<vmem_shared>>)
        } else {
        }
        %mul3A_298 = arith.constant 80 : i32
        %mul3A_299 = arith.muli %add3A_262, %mul3A_298 : i32
        %add3A_300 = arith.addi %mul3A_4, %mul3A_299 : i32
        %multiple_of3A_301 = tpu.assume_multiple %add3A_300, 8 : i32
        %dma_start3A_302 = arith.constant 2 : i32
        %dma_start3A_303 = tpu.memref_slice %arg2[%multiple_of3A_301] : memref<327680xi32, #tpu.memory_space<hbm>> -> memref<80xi32, #tpu.memory_space<hbm>>
        %dma_start3A_304 = tpu.memref_slice %arg16[%dma_start3A_302] : memref<8x!tpu.dma_semaphore, #tpu.memory_space<semaphore_mem>> -> memref<1x!tpu.dma_semaphore, #tpu.memory_space<semaphore_mem>>
        %dma_start3A_305 = tpu.memref_squeeze %dma_start3A_304 : memref<1x!tpu.dma_semaphore, #tpu.memory_space<semaphore_mem>> -> memref<!tpu.dma_semaphore, #tpu.memory_space<semaphore_mem>>
        %dma_start3A_306 = tpu.memref_slice %arg2[%multiple_of3A_301] : memref<327680xi32, #tpu.memory_space<hbm>> -> memref<80xi32, #tpu.memory_space<hbm>>
        tpu.enqueue_dma source(%dma_start3A_306 : memref<80xi32, #tpu.memory_space<hbm>>) target(%arg8 : memref<80xi32, #tpu.memory_space<vmem>>) target_semaphore(%dma_start3A_305 : memref<!tpu.dma_semaphore, #tpu.memory_space<semaphore_mem>>)
      } else {
      }
      %mul3A_268 = arith.constant 8 : i32
      %mul3A_269 = arith.muli %scan3A_88, %mul3A_268 : i32
      %add3A_270 = arith.constant 7 : i32
      %add3A_271 = arith.addi %mul3A_269, %add3A_270 : i32
      %mul3A_272 = arith.constant 80 : i32
      %mul3A_273 = arith.muli %add3A_271, %mul3A_272 : i32
      %add3A_274 = arith.addi %mul3A_4, %mul3A_273 : i32
      %multiple_of3A_275 = tpu.assume_multiple %add3A_274, 8 : i32
      %dma_wait3A_276 = arith.constant 7 : i32
      %dma_wait3A_277 = tpu.memref_slice %arg2[%multiple_of3A_275] : memref<327680xi32, #tpu.memory_space<hbm>> -> memref<80xi32, #tpu.memory_space<hbm>>
      %dma_wait3A_278 = tpu.memref_slice %arg16[%dma_wait3A_276] : memref<8x!tpu.dma_semaphore, #tpu.memory_space<semaphore_mem>> -> memref<1x!tpu.dma_semaphore, #tpu.memory_space<semaphore_mem>>
      %dma_wait3A_279 = tpu.memref_squeeze %dma_wait3A_278 : memref<1x!tpu.dma_semaphore, #tpu.memory_space<semaphore_mem>> -> memref<!tpu.dma_semaphore, #tpu.memory_space<semaphore_mem>>
      %dma_wait3A_280 = tpu.memref_slice %arg2[%multiple_of3A_275] : memref<327680xi32, #tpu.memory_space<hbm>> -> memref<80xi32, #tpu.memory_space<hbm>>
      tpu.wait_dma2 semaphore(%dma_wait3A_279 : memref<!tpu.dma_semaphore, #tpu.memory_space<semaphore_mem>>) src(%dma_wait3A_280 : memref<80xi32, #tpu.memory_space<hbm>>) dst(%arg13 : memref<80xi32, #tpu.memory_space<vmem>>)
      %dma_start3A_281 = arith.constant 7 : i32
      %dma_start3A_282 = arith.constant 0 : i32
      %dma_start3A_283 = arith.constant 0 : i32
      %dma_start3A_284 = tpu.memref_slice %arg15[%dma_start3A_282, %dma_start3A_283] : memref<10240x128xf32, #tpu.memory_space<vmem_shared>> -> memref<10240x128xf32, #tpu.memory_space<vmem_shared>>
      %dma_start3A_285 = tpu.memref_slice %arg17[%dma_start3A_281] : memref<8x!tpu.dma_semaphore, #tpu.memory_space<semaphore_mem>> -> memref<1x!tpu.dma_semaphore, #tpu.memory_space<semaphore_mem>>
      %dma_start3A_286 = tpu.memref_squeeze %dma_start3A_285 : memref<1x!tpu.dma_semaphore, #tpu.memory_space<semaphore_mem>> -> memref<!tpu.dma_semaphore, #tpu.memory_space<semaphore_mem>>
      tpu.enqueue_indirect_dma source(%arg14 : memref<80x128xf32, #tpu.memory_space<vmem>>) target(%dma_start3A_284 : memref<10240x128xf32, #tpu.memory_space<vmem_shared>>) offsets(%arg13 : memref<80xi32, #tpu.memory_space<vmem>>) semaphore(%dma_start3A_286 : memref<!tpu.dma_semaphore, #tpu.memory_space<semaphore_mem>>) {add = true}
      %add3A_287 = arith.constant 4 : i32
      %add3A_288 = arith.addi %add3A_271, %add3A_287 : i32
      %lt3A_289 = arith.constant 128 : i32
      %lt3A_290 = arith.cmpi slt, %add3A_288, %lt3A_289 : i32
      %convert_element_type3A_291 = arith.extui %lt3A_290 : i1 to i32
      %cond3A_292 = arith.constant 0 : i32
      %cond3A_293 = arith.cmpi ne, %convert_element_type3A_291, %cond3A_292 : i32
      scf.if %cond3A_293 {
        %ge3A = arith.constant 4 : i32
        %ge3A_294 = arith.cmpi sge, %add3A_271, %ge3A : i32
        %convert_element_type3A_295 = arith.extui %ge3A_294 : i1 to i32
        %cond3A_296 = arith.constant 0 : i32
        %cond3A_297 = arith.cmpi ne, %convert_element_type3A_295, %cond3A_296 : i32
        scf.if %cond3A_297 {
          %dma_wait3A_307 = arith.constant 3 : i32
          %dma_wait3A_308 = arith.constant 0 : i32
          %dma_wait3A_309 = arith.constant 0 : i32
          %dma_wait3A_310 = tpu.memref_slice %arg15[%dma_wait3A_308, %dma_wait3A_309] : memref<10240x128xf32, #tpu.memory_space<vmem_shared>> -> memref<10240x128xf32, #tpu.memory_space<vmem_shared>>
          %dma_wait3A_311 = tpu.memref_slice %arg17[%dma_wait3A_307] : memref<8x!tpu.dma_semaphore, #tpu.memory_space<semaphore_mem>> -> memref<1x!tpu.dma_semaphore, #tpu.memory_space<semaphore_mem>>
          %dma_wait3A_312 = tpu.memref_squeeze %dma_wait3A_311 : memref<1x!tpu.dma_semaphore, #tpu.memory_space<semaphore_mem>> -> memref<!tpu.dma_semaphore, #tpu.memory_space<semaphore_mem>>
          tpu.wait_indirect_dma semaphore(%dma_wait3A_312 : memref<!tpu.dma_semaphore, #tpu.memory_space<semaphore_mem>>) src(%arg14 : memref<80x128xf32, #tpu.memory_space<vmem>>) dst(%dma_wait3A_310 : memref<10240x128xf32, #tpu.memory_space<vmem_shared>>)
        } else {
        }
        %mul3A_298 = arith.constant 80 : i32
        %mul3A_299 = arith.muli %add3A_288, %mul3A_298 : i32
        %add3A_300 = arith.addi %mul3A_4, %mul3A_299 : i32
        %multiple_of3A_301 = tpu.assume_multiple %add3A_300, 8 : i32
        %dma_start3A_302 = arith.constant 3 : i32
        %dma_start3A_303 = tpu.memref_slice %arg2[%multiple_of3A_301] : memref<327680xi32, #tpu.memory_space<hbm>> -> memref<80xi32, #tpu.memory_space<hbm>>
        %dma_start3A_304 = tpu.memref_slice %arg16[%dma_start3A_302] : memref<8x!tpu.dma_semaphore, #tpu.memory_space<semaphore_mem>> -> memref<1x!tpu.dma_semaphore, #tpu.memory_space<semaphore_mem>>
        %dma_start3A_305 = tpu.memref_squeeze %dma_start3A_304 : memref<1x!tpu.dma_semaphore, #tpu.memory_space<semaphore_mem>> -> memref<!tpu.dma_semaphore, #tpu.memory_space<semaphore_mem>>
        %dma_start3A_306 = tpu.memref_slice %arg2[%multiple_of3A_301] : memref<327680xi32, #tpu.memory_space<hbm>> -> memref<80xi32, #tpu.memory_space<hbm>>
        tpu.enqueue_dma source(%dma_start3A_306 : memref<80xi32, #tpu.memory_space<hbm>>) target(%arg9 : memref<80xi32, #tpu.memory_space<vmem>>) target_semaphore(%dma_start3A_305 : memref<!tpu.dma_semaphore, #tpu.memory_space<semaphore_mem>>)
      } else {
      }
    }
    %scan3A_39 = arith.constant 16 : i32
    %dma_wait3A = arith.constant 0 : i32
    %dma_wait3A_40 = arith.constant 0 : i32
    %dma_wait3A_41 = arith.constant 0 : i32
    %dma_wait3A_42 = tpu.memref_slice %arg15[%dma_wait3A_40, %dma_wait3A_41] : memref<10240x128xf32, #tpu.memory_space<vmem_shared>> -> memref<10240x128xf32, #tpu.memory_space<vmem_shared>>
    %dma_wait3A_43 = tpu.memref_slice %arg17[%dma_wait3A] : memref<8x!tpu.dma_semaphore, #tpu.memory_space<semaphore_mem>> -> memref<1x!tpu.dma_semaphore, #tpu.memory_space<semaphore_mem>>
    %dma_wait3A_44 = tpu.memref_squeeze %dma_wait3A_43 : memref<1x!tpu.dma_semaphore, #tpu.memory_space<semaphore_mem>> -> memref<!tpu.dma_semaphore, #tpu.memory_space<semaphore_mem>>
    tpu.wait_indirect_dma semaphore(%dma_wait3A_44 : memref<!tpu.dma_semaphore, #tpu.memory_space<semaphore_mem>>) src(%arg14 : memref<80x128xf32, #tpu.memory_space<vmem>>) dst(%dma_wait3A_42 : memref<10240x128xf32, #tpu.memory_space<vmem_shared>>)
    %dma_wait3A_45 = arith.constant 1 : i32
    %dma_wait3A_46 = arith.constant 0 : i32
    %dma_wait3A_47 = arith.constant 0 : i32
    %dma_wait3A_48 = tpu.memref_slice %arg15[%dma_wait3A_46, %dma_wait3A_47] : memref<10240x128xf32, #tpu.memory_space<vmem_shared>> -> memref<10240x128xf32, #tpu.memory_space<vmem_shared>>
    %dma_wait3A_49 = tpu.memref_slice %arg17[%dma_wait3A_45] : memref<8x!tpu.dma_semaphore, #tpu.memory_space<semaphore_mem>> -> memref<1x!tpu.dma_semaphore, #tpu.memory_space<semaphore_mem>>
    %dma_wait3A_50 = tpu.memref_squeeze %dma_wait3A_49 : memref<1x!tpu.dma_semaphore, #tpu.memory_space<semaphore_mem>> -> memref<!tpu.dma_semaphore, #tpu.memory_space<semaphore_mem>>
    tpu.wait_indirect_dma semaphore(%dma_wait3A_50 : memref<!tpu.dma_semaphore, #tpu.memory_space<semaphore_mem>>) src(%arg14 : memref<80x128xf32, #tpu.memory_space<vmem>>) dst(%dma_wait3A_48 : memref<10240x128xf32, #tpu.memory_space<vmem_shared>>)
    %dma_wait3A_51 = arith.constant 2 : i32
    %dma_wait3A_52 = arith.constant 0 : i32
    %dma_wait3A_53 = arith.constant 0 : i32
    %dma_wait3A_54 = tpu.memref_slice %arg15[%dma_wait3A_52, %dma_wait3A_53] : memref<10240x128xf32, #tpu.memory_space<vmem_shared>> -> memref<10240x128xf32, #tpu.memory_space<vmem_shared>>
    %dma_wait3A_55 = tpu.memref_slice %arg17[%dma_wait3A_51] : memref<8x!tpu.dma_semaphore, #tpu.memory_space<semaphore_mem>> -> memref<1x!tpu.dma_semaphore, #tpu.memory_space<semaphore_mem>>
    %dma_wait3A_56 = tpu.memref_squeeze %dma_wait3A_55 : memref<1x!tpu.dma_semaphore, #tpu.memory_space<semaphore_mem>> -> memref<!tpu.dma_semaphore, #tpu.memory_space<semaphore_mem>>
    tpu.wait_indirect_dma semaphore(%dma_wait3A_56 : memref<!tpu.dma_semaphore, #tpu.memory_space<semaphore_mem>>) src(%arg14 : memref<80x128xf32, #tpu.memory_space<vmem>>) dst(%dma_wait3A_54 : memref<10240x128xf32, #tpu.memory_space<vmem_shared>>)
    %dma_wait3A_57 = arith.constant 3 : i32
    %dma_wait3A_58 = arith.constant 0 : i32
    %dma_wait3A_59 = arith.constant 0 : i32
    %dma_wait3A_60 = tpu.memref_slice %arg15[%dma_wait3A_58, %dma_wait3A_59] : memref<10240x128xf32, #tpu.memory_space<vmem_shared>> -> memref<10240x128xf32, #tpu.memory_space<vmem_shared>>
    %dma_wait3A_61 = tpu.memref_slice %arg17[%dma_wait3A_57] : memref<8x!tpu.dma_semaphore, #tpu.memory_space<semaphore_mem>> -> memref<1x!tpu.dma_semaphore, #tpu.memory_space<semaphore_mem>>
    %dma_wait3A_62 = tpu.memref_squeeze %dma_wait3A_61 : memref<1x!tpu.dma_semaphore, #tpu.memory_space<semaphore_mem>> -> memref<!tpu.dma_semaphore, #tpu.memory_space<semaphore_mem>>
    tpu.wait_indirect_dma semaphore(%dma_wait3A_62 : memref<!tpu.dma_semaphore, #tpu.memory_space<semaphore_mem>>) src(%arg14 : memref<80x128xf32, #tpu.memory_space<vmem>>) dst(%dma_wait3A_60 : memref<10240x128xf32, #tpu.memory_space<vmem_shared>>)
    %dma_wait3A_63 = arith.constant 4 : i32
    %dma_wait3A_64 = arith.constant 0 : i32
    %dma_wait3A_65 = arith.constant 0 : i32
    %dma_wait3A_66 = tpu.memref_slice %arg15[%dma_wait3A_64, %dma_wait3A_65] : memref<10240x128xf32, #tpu.memory_space<vmem_shared>> -> memref<10240x128xf32, #tpu.memory_space<vmem_shared>>
    %dma_wait3A_67 = tpu.memref_slice %arg17[%dma_wait3A_63] : memref<8x!tpu.dma_semaphore, #tpu.memory_space<semaphore_mem>> -> memref<1x!tpu.dma_semaphore, #tpu.memory_space<semaphore_mem>>
    %dma_wait3A_68 = tpu.memref_squeeze %dma_wait3A_67 : memref<1x!tpu.dma_semaphore, #tpu.memory_space<semaphore_mem>> -> memref<!tpu.dma_semaphore, #tpu.memory_space<semaphore_mem>>
    tpu.wait_indirect_dma semaphore(%dma_wait3A_68 : memref<!tpu.dma_semaphore, #tpu.memory_space<semaphore_mem>>) src(%arg14 : memref<80x128xf32, #tpu.memory_space<vmem>>) dst(%dma_wait3A_66 : memref<10240x128xf32, #tpu.memory_space<vmem_shared>>)
    %dma_wait3A_69 = arith.constant 5 : i32
    %dma_wait3A_70 = arith.constant 0 : i32
    %dma_wait3A_71 = arith.constant 0 : i32
    %dma_wait3A_72 = tpu.memref_slice %arg15[%dma_wait3A_70, %dma_wait3A_71] : memref<10240x128xf32, #tpu.memory_space<vmem_shared>> -> memref<10240x128xf32, #tpu.memory_space<vmem_shared>>
    %dma_wait3A_73 = tpu.memref_slice %arg17[%dma_wait3A_69] : memref<8x!tpu.dma_semaphore, #tpu.memory_space<semaphore_mem>> -> memref<1x!tpu.dma_semaphore, #tpu.memory_space<semaphore_mem>>
    %dma_wait3A_74 = tpu.memref_squeeze %dma_wait3A_73 : memref<1x!tpu.dma_semaphore, #tpu.memory_space<semaphore_mem>> -> memref<!tpu.dma_semaphore, #tpu.memory_space<semaphore_mem>>
    tpu.wait_indirect_dma semaphore(%dma_wait3A_74 : memref<!tpu.dma_semaphore, #tpu.memory_space<semaphore_mem>>) src(%arg14 : memref<80x128xf32, #tpu.memory_space<vmem>>) dst(%dma_wait3A_72 : memref<10240x128xf32, #tpu.memory_space<vmem_shared>>)
    %dma_wait3A_75 = arith.constant 6 : i32
    %dma_wait3A_76 = arith.constant 0 : i32
    %dma_wait3A_77 = arith.constant 0 : i32
    %dma_wait3A_78 = tpu.memref_slice %arg15[%dma_wait3A_76, %dma_wait3A_77] : memref<10240x128xf32, #tpu.memory_space<vmem_shared>> -> memref<10240x128xf32, #tpu.memory_space<vmem_shared>>
    %dma_wait3A_79 = tpu.memref_slice %arg17[%dma_wait3A_75] : memref<8x!tpu.dma_semaphore, #tpu.memory_space<semaphore_mem>> -> memref<1x!tpu.dma_semaphore, #tpu.memory_space<semaphore_mem>>
    %dma_wait3A_80 = tpu.memref_squeeze %dma_wait3A_79 : memref<1x!tpu.dma_semaphore, #tpu.memory_space<semaphore_mem>> -> memref<!tpu.dma_semaphore, #tpu.memory_space<semaphore_mem>>
    tpu.wait_indirect_dma semaphore(%dma_wait3A_80 : memref<!tpu.dma_semaphore, #tpu.memory_space<semaphore_mem>>) src(%arg14 : memref<80x128xf32, #tpu.memory_space<vmem>>) dst(%dma_wait3A_78 : memref<10240x128xf32, #tpu.memory_space<vmem_shared>>)
    %dma_wait3A_81 = arith.constant 7 : i32
    %dma_wait3A_82 = arith.constant 0 : i32
    %dma_wait3A_83 = arith.constant 0 : i32
    %dma_wait3A_84 = tpu.memref_slice %arg15[%dma_wait3A_82, %dma_wait3A_83] : memref<10240x128xf32, #tpu.memory_space<vmem_shared>> -> memref<10240x128xf32, #tpu.memory_space<vmem_shared>>
    %dma_wait3A_85 = tpu.memref_slice %arg17[%dma_wait3A_81] : memref<8x!tpu.dma_semaphore, #tpu.memory_space<semaphore_mem>> -> memref<1x!tpu.dma_semaphore, #tpu.memory_space<semaphore_mem>>
    %dma_wait3A_86 = tpu.memref_squeeze %dma_wait3A_85 : memref<1x!tpu.dma_semaphore, #tpu.memory_space<semaphore_mem>> -> memref<!tpu.dma_semaphore, #tpu.memory_space<semaphore_mem>>
    tpu.wait_indirect_dma semaphore(%dma_wait3A_86 : memref<!tpu.dma_semaphore, #tpu.memory_space<semaphore_mem>>) src(%arg14 : memref<80x128xf32, #tpu.memory_space<vmem>>) dst(%dma_wait3A_84 : memref<10240x128xf32, #tpu.memory_space<vmem_shared>>)
    %barrier3A_87 = arith.constant 0 : index
    tpu.barrier barrier_id(%barrier3A_87)
    "tpu.region"() ({
      %run_scoped3A = tpu.sem_alloc : memref<!tpu.dma_semaphore, #tpu.memory_space<semaphore_mem>>
      %dma_start3A_88 = arith.constant 0 : i32
      %dma_start3A_89 = arith.constant 0 : i32
      %dma_start3A_90 = tpu.memref_slice %arg5[%arg0, %dma_start3A_88, %dma_start3A_89] : memref<2x10240x128xf32, #tpu.memory_space<hbm>> -> memref<1x10240x128xf32, #tpu.memory_space<hbm>>
      %dma_start3A_91 = tpu.memref_squeeze %dma_start3A_90 : memref<1x10240x128xf32, #tpu.memory_space<hbm>> -> memref<10240x128xf32, #tpu.memory_space<hbm>>
      %dma_start3A_92 = arith.constant 0 : i32
      %dma_start3A_93 = tpu.memref_slice %dma_start3A_91[%mul3A_2, %dma_start3A_92] : memref<10240x128xf32, #tpu.memory_space<hbm>> -> memref<640x128xf32, #tpu.memory_space<hbm>>
      %dma_start3A_94 = arith.constant 0 : i32
      %dma_start3A_95 = tpu.memref_slice %arg15[%mul3A_2, %dma_start3A_94] : memref<10240x128xf32, #tpu.memory_space<vmem_shared>> -> memref<640x128xf32, #tpu.memory_space<vmem_shared>>
      tpu.enqueue_dma source(%dma_start3A_95 : memref<640x128xf32, #tpu.memory_space<vmem_shared>>) target(%dma_start3A_93 : memref<640x128xf32, #tpu.memory_space<hbm>>) target_semaphore(%run_scoped3A : memref<!tpu.dma_semaphore, #tpu.memory_space<semaphore_mem>>)
      %dma_wait3A_96 = arith.constant 0 : i32
      %dma_wait3A_97 = arith.constant 0 : i32
      %dma_wait3A_98 = tpu.memref_slice %arg5[%arg0, %dma_wait3A_96, %dma_wait3A_97] : memref<2x10240x128xf32, #tpu.memory_space<hbm>> -> memref<1x10240x128xf32, #tpu.memory_space<hbm>>
      %dma_wait3A_99 = tpu.memref_squeeze %dma_wait3A_98 : memref<1x10240x128xf32, #tpu.memory_space<hbm>> -> memref<10240x128xf32, #tpu.memory_space<hbm>>
      %dma_wait3A_100 = arith.constant 0 : i32
      %dma_wait3A_101 = tpu.memref_slice %dma_wait3A_99[%mul3A_2, %dma_wait3A_100] : memref<10240x128xf32, #tpu.memory_space<hbm>> -> memref<640x128xf32, #tpu.memory_space<hbm>>
      %dma_wait3A_102 = arith.constant 0 : i32
      %dma_wait3A_103 = tpu.memref_slice %arg15[%mul3A_2, %dma_wait3A_102] : memref<10240x128xf32, #tpu.memory_space<vmem_shared>> -> memref<640x128xf32, #tpu.memory_space<vmem_shared>>
      tpu.wait_dma2 semaphore(%run_scoped3A : memref<!tpu.dma_semaphore, #tpu.memory_space<semaphore_mem>>) src(%dma_wait3A_103 : memref<640x128xf32, #tpu.memory_space<vmem_shared>>) dst(%dma_wait3A_101 : memref<640x128xf32, #tpu.memory_space<hbm>>)
      tpu.yield
    }) : () -> ()
    return
  }
}

#map = affine_map<(d0, d1) -> (0, 0)>
#map1 = affine_map<(d0, d1) -> (0)>
#map2 = affine_map<(d0, d1) -> (0, 0, 0)>
module attributes {stable_mosaic.version = 14 : i64} {
  func.func @k(%arg0: i32, %arg1: i32, %arg2: memref<10000x128xf32, #tpu.memory_space<hbm>>, %arg3: memref<327680xi32, #tpu.memory_space<hbm>>, %arg4: memref<327680xi32, #tpu.memory_space<hbm>>, %arg5: memref<640x128xf32, #tpu.memory_space<hbm>>, %arg6: memref<2x10240x128xf32, #tpu.memory_space<hbm>>, %arg7: memref<80xi32, #tpu.memory_space<vmem>>, %arg8: memref<80xi32, #tpu.memory_space<vmem>>, %arg9: memref<80xi32, #tpu.memory_space<vmem>>, %arg10: memref<80xi32, #tpu.memory_space<vmem>>, %arg11: memref<80xi32, #tpu.memory_space<vmem>>, %arg12: memref<80xi32, #tpu.memory_space<vmem>>, %arg13: memref<80xi32, #tpu.memory_space<vmem>>, %arg14: memref<80xi32, #tpu.memory_space<vmem>>, %arg15: memref<80x128xf32, #tpu.memory_space<vmem>>, %arg16: memref<80x128xf32, #tpu.memory_space<vmem>>, %arg17: memref<80x128xf32, #tpu.memory_space<vmem>>, %arg18: memref<80x128xf32, #tpu.memory_space<vmem>>, %arg19: memref<10240x128xf32, #tpu.memory_space<vmem_shared>>, %arg20: memref<4x!tpu.dma_semaphore, #tpu.memory_space<semaphore_mem>>, %arg21: memref<4x!tpu.dma_semaphore, #tpu.memory_space<semaphore_mem>>, %arg22: memref<4x!tpu.dma_semaphore, #tpu.memory_space<semaphore_mem>>) attributes {dimension_semantics = [#tpu.dimension_semantics<core_parallel>, #tpu.dimension_semantics<subcore_parallel>], iteration_bounds = array<i64: 2, 16>, scalar_prefetch = 0 : i64, scratch_operands = 16 : i64, tpu.core_type = #tpu.core_type<sc_vector_subcore>, window_params = [{transform_indices = #map}, {transform_indices = #map1}, {transform_indices = #map1}, {transform_indices = #map}, {transform_indices = #map2}]} {
    %mul3A = arith.constant 16 : i32
    %mul3A_0 = arith.muli %arg0, %mul3A : i32
    %add3A = arith.addi %mul3A_0, %arg1 : i32
    %mul3A_1 = arith.constant 640 : i32
    %mul3A_2 = arith.muli %arg1, %mul3A_1 : i32
    %mul3A_3 = arith.constant 10240 : i32
    %mul3A_4 = arith.muli %add3A, %mul3A_3 : i32
    %add3A_5 = arith.constant 0 : i32
    %add3A_6 = arith.addi %mul3A_4, %add3A_5 : i32
    %multiple_of3A = tpu.assume_multiple %add3A_6, 8 : i32
    %dma_start3A = arith.constant 0 : i32
    %dma_start3A_7 = tpu.memref_slice %arg3[%multiple_of3A] : memref<327680xi32, #tpu.memory_space<hbm>> -> memref<80xi32, #tpu.memory_space<hbm>>
    %dma_start3A_8 = tpu.memref_slice %arg20[%dma_start3A] : memref<4x!tpu.dma_semaphore, #tpu.memory_space<semaphore_mem>> -> memref<1x!tpu.dma_semaphore, #tpu.memory_space<semaphore_mem>>
    %dma_start3A_9 = tpu.memref_squeeze %dma_start3A_8 : memref<1x!tpu.dma_semaphore, #tpu.memory_space<semaphore_mem>> -> memref<!tpu.dma_semaphore, #tpu.memory_space<semaphore_mem>>
    %dma_start3A_10 = tpu.memref_slice %arg3[%multiple_of3A] : memref<327680xi32, #tpu.memory_space<hbm>> -> memref<80xi32, #tpu.memory_space<hbm>>
    tpu.enqueue_dma source(%dma_start3A_10 : memref<80xi32, #tpu.memory_space<hbm>>) target(%arg7 : memref<80xi32, #tpu.memory_space<vmem>>) target_semaphore(%dma_start3A_9 : memref<!tpu.dma_semaphore, #tpu.memory_space<semaphore_mem>>)
    %dma_start3A_11 = arith.constant 0 : i32
    %dma_start3A_12 = tpu.memref_slice %arg4[%multiple_of3A] : memref<327680xi32, #tpu.memory_space<hbm>> -> memref<80xi32, #tpu.memory_space<hbm>>
    %dma_start3A_13 = tpu.memref_slice %arg21[%dma_start3A_11] : memref<4x!tpu.dma_semaphore, #tpu.memory_space<semaphore_mem>> -> memref<1x!tpu.dma_semaphore, #tpu.memory_space<semaphore_mem>>
    %dma_start3A_14 = tpu.memref_squeeze %dma_start3A_13 : memref<1x!tpu.dma_semaphore, #tpu.memory_space<semaphore_mem>> -> memref<!tpu.dma_semaphore, #tpu.memory_space<semaphore_mem>>
    %dma_start3A_15 = tpu.memref_slice %arg4[%multiple_of3A] : memref<327680xi32, #tpu.memory_space<hbm>> -> memref<80xi32, #tpu.memory_space<hbm>>
    tpu.enqueue_dma source(%dma_start3A_15 : memref<80xi32, #tpu.memory_space<hbm>>) target(%arg11 : memref<80xi32, #tpu.memory_space<vmem>>) target_semaphore(%dma_start3A_14 : memref<!tpu.dma_semaphore, #tpu.memory_space<semaphore_mem>>)
    %add3A_16 = arith.constant 80 : i32
    %add3A_17 = arith.addi %mul3A_4, %add3A_16 : i32
    %multiple_of3A_18 = tpu.assume_multiple %add3A_17, 8 : i32
    %dma_start3A_19 = arith.constant 1 : i32
    %dma_start3A_20 = tpu.memref_slice %arg3[%multiple_of3A_18] : memref<327680xi32, #tpu.memory_space<hbm>> -> memref<80xi32, #tpu.memory_space<hbm>>
    %dma_start3A_21 = tpu.memref_slice %arg20[%dma_start3A_19] : memref<4x!tpu.dma_semaphore, #tpu.memory_space<semaphore_mem>> -> memref<1x!tpu.dma_semaphore, #tpu.memory_space<semaphore_mem>>
    %dma_start3A_22 = tpu.memref_squeeze %dma_start3A_21 : memref<1x!tpu.dma_semaphore, #tpu.memory_space<semaphore_mem>> -> memref<!tpu.dma_semaphore, #tpu.memory_space<semaphore_mem>>
    %dma_start3A_23 = tpu.memref_slice %arg3[%multiple_of3A_18] : memref<327680xi32, #tpu.memory_space<hbm>> -> memref<80xi32, #tpu.memory_space<hbm>>
    tpu.enqueue_dma source(%dma_start3A_23 : memref<80xi32, #tpu.memory_space<hbm>>) target(%arg8 : memref<80xi32, #tpu.memory_space<vmem>>) target_semaphore(%dma_start3A_22 : memref<!tpu.dma_semaphore, #tpu.memory_space<semaphore_mem>>)
    %dma_start3A_24 = arith.constant 1 : i32
    %dma_start3A_25 = tpu.memref_slice %arg4[%multiple_of3A_18] : memref<327680xi32, #tpu.memory_space<hbm>> -> memref<80xi32, #tpu.memory_space<hbm>>
    %dma_start3A_26 = tpu.memref_slice %arg21[%dma_start3A_24] : memref<4x!tpu.dma_semaphore, #tpu.memory_space<semaphore_mem>> -> memref<1x!tpu.dma_semaphore, #tpu.memory_space<semaphore_mem>>
    %dma_start3A_27 = tpu.memref_squeeze %dma_start3A_26 : memref<1x!tpu.dma_semaphore, #tpu.memory_space<semaphore_mem>> -> memref<!tpu.dma_semaphore, #tpu.memory_space<semaphore_mem>>
    %dma_start3A_28 = tpu.memref_slice %arg4[%multiple_of3A_18] : memref<327680xi32, #tpu.memory_space<hbm>> -> memref<80xi32, #tpu.memory_space<hbm>>
    tpu.enqueue_dma source(%dma_start3A_28 : memref<80xi32, #tpu.memory_space<hbm>>) target(%arg12 : memref<80xi32, #tpu.memory_space<vmem>>) target_semaphore(%dma_start3A_27 : memref<!tpu.dma_semaphore, #tpu.memory_space<semaphore_mem>>)
    %add3A_29 = arith.constant 160 : i32
    %add3A_30 = arith.addi %mul3A_4, %add3A_29 : i32
    %multiple_of3A_31 = tpu.assume_multiple %add3A_30, 8 : i32
    %dma_start3A_32 = arith.constant 2 : i32
    %dma_start3A_33 = tpu.memref_slice %arg3[%multiple_of3A_31] : memref<327680xi32, #tpu.memory_space<hbm>> -> memref<80xi32, #tpu.memory_space<hbm>>
    %dma_start3A_34 = tpu.memref_slice %arg20[%dma_start3A_32] : memref<4x!tpu.dma_semaphore, #tpu.memory_space<semaphore_mem>> -> memref<1x!tpu.dma_semaphore, #tpu.memory_space<semaphore_mem>>
    %dma_start3A_35 = tpu.memref_squeeze %dma_start3A_34 : memref<1x!tpu.dma_semaphore, #tpu.memory_space<semaphore_mem>> -> memref<!tpu.dma_semaphore, #tpu.memory_space<semaphore_mem>>
    %dma_start3A_36 = tpu.memref_slice %arg3[%multiple_of3A_31] : memref<327680xi32, #tpu.memory_space<hbm>> -> memref<80xi32, #tpu.memory_space<hbm>>
    tpu.enqueue_dma source(%dma_start3A_36 : memref<80xi32, #tpu.memory_space<hbm>>) target(%arg9 : memref<80xi32, #tpu.memory_space<vmem>>) target_semaphore(%dma_start3A_35 : memref<!tpu.dma_semaphore, #tpu.memory_space<semaphore_mem>>)
    %dma_start3A_37 = arith.constant 2 : i32
    %dma_start3A_38 = tpu.memref_slice %arg4[%multiple_of3A_31] : memref<327680xi32, #tpu.memory_space<hbm>> -> memref<80xi32, #tpu.memory_space<hbm>>
    %dma_start3A_39 = tpu.memref_slice %arg21[%dma_start3A_37] : memref<4x!tpu.dma_semaphore, #tpu.memory_space<semaphore_mem>> -> memref<1x!tpu.dma_semaphore, #tpu.memory_space<semaphore_mem>>
    %dma_start3A_40 = tpu.memref_squeeze %dma_start3A_39 : memref<1x!tpu.dma_semaphore, #tpu.memory_space<semaphore_mem>> -> memref<!tpu.dma_semaphore, #tpu.memory_space<semaphore_mem>>
    %dma_start3A_41 = tpu.memref_slice %arg4[%multiple_of3A_31] : memref<327680xi32, #tpu.memory_space<hbm>> -> memref<80xi32, #tpu.memory_space<hbm>>
    tpu.enqueue_dma source(%dma_start3A_41 : memref<80xi32, #tpu.memory_space<hbm>>) target(%arg13 : memref<80xi32, #tpu.memory_space<vmem>>) target_semaphore(%dma_start3A_40 : memref<!tpu.dma_semaphore, #tpu.memory_space<semaphore_mem>>)
    %add3A_42 = arith.constant 240 : i32
    %add3A_43 = arith.addi %mul3A_4, %add3A_42 : i32
    %multiple_of3A_44 = tpu.assume_multiple %add3A_43, 8 : i32
    %dma_start3A_45 = arith.constant 3 : i32
    %dma_start3A_46 = tpu.memref_slice %arg3[%multiple_of3A_44] : memref<327680xi32, #tpu.memory_space<hbm>> -> memref<80xi32, #tpu.memory_space<hbm>>
    %dma_start3A_47 = tpu.memref_slice %arg20[%dma_start3A_45] : memref<4x!tpu.dma_semaphore, #tpu.memory_space<semaphore_mem>> -> memref<1x!tpu.dma_semaphore, #tpu.memory_space<semaphore_mem>>
    %dma_start3A_48 = tpu.memref_squeeze %dma_start3A_47 : memref<1x!tpu.dma_semaphore, #tpu.memory_space<semaphore_mem>> -> memref<!tpu.dma_semaphore, #tpu.memory_space<semaphore_mem>>
    %dma_start3A_49 = tpu.memref_slice %arg3[%multiple_of3A_44] : memref<327680xi32, #tpu.memory_space<hbm>> -> memref<80xi32, #tpu.memory_space<hbm>>
    tpu.enqueue_dma source(%dma_start3A_49 : memref<80xi32, #tpu.memory_space<hbm>>) target(%arg10 : memref<80xi32, #tpu.memory_space<vmem>>) target_semaphore(%dma_start3A_48 : memref<!tpu.dma_semaphore, #tpu.memory_space<semaphore_mem>>)
    %dma_start3A_50 = arith.constant 3 : i32
    %dma_start3A_51 = tpu.memref_slice %arg4[%multiple_of3A_44] : memref<327680xi32, #tpu.memory_space<hbm>> -> memref<80xi32, #tpu.memory_space<hbm>>
    %dma_start3A_52 = tpu.memref_slice %arg21[%dma_start3A_50] : memref<4x!tpu.dma_semaphore, #tpu.memory_space<semaphore_mem>> -> memref<1x!tpu.dma_semaphore, #tpu.memory_space<semaphore_mem>>
    %dma_start3A_53 = tpu.memref_squeeze %dma_start3A_52 : memref<1x!tpu.dma_semaphore, #tpu.memory_space<semaphore_mem>> -> memref<!tpu.dma_semaphore, #tpu.memory_space<semaphore_mem>>
    %dma_start3A_54 = tpu.memref_slice %arg4[%multiple_of3A_44] : memref<327680xi32, #tpu.memory_space<hbm>> -> memref<80xi32, #tpu.memory_space<hbm>>
    tpu.enqueue_dma source(%dma_start3A_54 : memref<80xi32, #tpu.memory_space<hbm>>) target(%arg14 : memref<80xi32, #tpu.memory_space<vmem>>) target_semaphore(%dma_start3A_53 : memref<!tpu.dma_semaphore, #tpu.memory_space<semaphore_mem>>)
    "tpu.region"() ({
      %run_scoped3A = tpu.sem_alloc : memref<!tpu.dma_semaphore, #tpu.memory_space<semaphore_mem>>
      %dma_start3A_88 = arith.constant 0 : i32
      %dma_start3A_89 = tpu.memref_slice %arg19[%mul3A_2, %dma_start3A_88] : memref<10240x128xf32, #tpu.memory_space<vmem_shared>> -> memref<640x128xf32, #tpu.memory_space<vmem_shared>>
      tpu.enqueue_dma source(%arg5 : memref<640x128xf32, #tpu.memory_space<hbm>>) target(%dma_start3A_89 : memref<640x128xf32, #tpu.memory_space<vmem_shared>>) target_semaphore(%run_scoped3A : memref<!tpu.dma_semaphore, #tpu.memory_space<semaphore_mem>>)
      %dma_wait3A_90 = arith.constant 0 : i32
      %dma_wait3A_91 = tpu.memref_slice %arg19[%mul3A_2, %dma_wait3A_90] : memref<10240x128xf32, #tpu.memory_space<vmem_shared>> -> memref<640x128xf32, #tpu.memory_space<vmem_shared>>
      tpu.wait_dma2 semaphore(%run_scoped3A : memref<!tpu.dma_semaphore, #tpu.memory_space<semaphore_mem>>) src(%arg5 : memref<640x128xf32, #tpu.memory_space<hbm>>) dst(%dma_wait3A_91 : memref<640x128xf32, #tpu.memory_space<vmem_shared>>)
      tpu.yield
    }) : () -> ()
    %add3A_55 = arith.constant 0 : i32
    %add3A_56 = arith.addi %mul3A_4, %add3A_55 : i32
    %multiple_of3A_57 = tpu.assume_multiple %add3A_56, 8 : i32
    %dma_wait3A = arith.constant 0 : i32
    %dma_wait3A_58 = tpu.memref_slice %arg3[%multiple_of3A_57] : memref<327680xi32, #tpu.memory_space<hbm>> -> memref<80xi32, #tpu.memory_space<hbm>>
    %dma_wait3A_59 = tpu.memref_slice %arg20[%dma_wait3A] : memref<4x!tpu.dma_semaphore, #tpu.memory_space<semaphore_mem>> -> memref<1x!tpu.dma_semaphore, #tpu.memory_space<semaphore_mem>>
    %dma_wait3A_60 = tpu.memref_squeeze %dma_wait3A_59 : memref<1x!tpu.dma_semaphore, #tpu.memory_space<semaphore_mem>> -> memref<!tpu.dma_semaphore, #tpu.memory_space<semaphore_mem>>
    %dma_wait3A_61 = tpu.memref_slice %arg3[%multiple_of3A_57] : memref<327680xi32, #tpu.memory_space<hbm>> -> memref<80xi32, #tpu.memory_space<hbm>>
    tpu.wait_dma2 semaphore(%dma_wait3A_60 : memref<!tpu.dma_semaphore, #tpu.memory_space<semaphore_mem>>) src(%dma_wait3A_61 : memref<80xi32, #tpu.memory_space<hbm>>) dst(%arg7 : memref<80xi32, #tpu.memory_space<vmem>>)
    %dma_start3A_62 = arith.constant 0 : i32
    %dma_start3A_63 = arith.constant 0 : i32
    %dma_start3A_64 = arith.constant 0 : i32
    %dma_start3A_65 = tpu.memref_slice %arg2[%dma_start3A_63, %dma_start3A_64] : memref<10000x128xf32, #tpu.memory_space<hbm>> -> memref<10000x128xf32, #tpu.memory_space<hbm>>
    %dma_start3A_66 = tpu.memref_slice %arg22[%dma_start3A_62] : memref<4x!tpu.dma_semaphore, #tpu.memory_space<semaphore_mem>> -> memref<1x!tpu.dma_semaphore, #tpu.memory_space<semaphore_mem>>
    %dma_start3A_67 = tpu.memref_squeeze %dma_start3A_66 : memref<1x!tpu.dma_semaphore, #tpu.memory_space<semaphore_mem>> -> memref<!tpu.dma_semaphore, #tpu.memory_space<semaphore_mem>>
    tpu.enqueue_indirect_dma source(%dma_start3A_65 : memref<10000x128xf32, #tpu.memory_space<hbm>>) target(%arg15 : memref<80x128xf32, #tpu.memory_space<vmem>>) offsets(%arg7 : memref<80xi32, #tpu.memory_space<vmem>>) semaphore(%dma_start3A_67 : memref<!tpu.dma_semaphore, #tpu.memory_space<semaphore_mem>>)
    %add3A_68 = arith.constant 80 : i32
    %add3A_69 = arith.addi %mul3A_4, %add3A_68 : i32
    %multiple_of3A_70 = tpu.assume_multiple %add3A_69, 8 : i32
    %dma_wait3A_71 = arith.constant 1 : i32
    %dma_wait3A_72 = tpu.memref_slice %arg3[%multiple_of3A_70] : memref<327680xi32, #tpu.memory_space<hbm>> -> memref<80xi32, #tpu.memory_space<hbm>>
    %dma_wait3A_73 = tpu.memref_slice %arg20[%dma_wait3A_71] : memref<4x!tpu.dma_semaphore, #tpu.memory_space<semaphore_mem>> -> memref<1x!tpu.dma_semaphore, #tpu.memory_space<semaphore_mem>>
    %dma_wait3A_74 = tpu.memref_squeeze %dma_wait3A_73 : memref<1x!tpu.dma_semaphore, #tpu.memory_space<semaphore_mem>> -> memref<!tpu.dma_semaphore, #tpu.memory_space<semaphore_mem>>
    %dma_wait3A_75 = tpu.memref_slice %arg3[%multiple_of3A_70] : memref<327680xi32, #tpu.memory_space<hbm>> -> memref<80xi32, #tpu.memory_space<hbm>>
    tpu.wait_dma2 semaphore(%dma_wait3A_74 : memref<!tpu.dma_semaphore, #tpu.memory_space<semaphore_mem>>) src(%dma_wait3A_75 : memref<80xi32, #tpu.memory_space<hbm>>) dst(%arg8 : memref<80xi32, #tpu.memory_space<vmem>>)
    %dma_start3A_76 = arith.constant 1 : i32
    %dma_start3A_77 = arith.constant 0 : i32
    %dma_start3A_78 = arith.constant 0 : i32
    %dma_start3A_79 = tpu.memref_slice %arg2[%dma_start3A_77, %dma_start3A_78] : memref<10000x128xf32, #tpu.memory_space<hbm>> -> memref<10000x128xf32, #tpu.memory_space<hbm>>
    %dma_start3A_80 = tpu.memref_slice %arg22[%dma_start3A_76] : memref<4x!tpu.dma_semaphore, #tpu.memory_space<semaphore_mem>> -> memref<1x!tpu.dma_semaphore, #tpu.memory_space<semaphore_mem>>
    %dma_start3A_81 = tpu.memref_squeeze %dma_start3A_80 : memref<1x!tpu.dma_semaphore, #tpu.memory_space<semaphore_mem>> -> memref<!tpu.dma_semaphore, #tpu.memory_space<semaphore_mem>>
    tpu.enqueue_indirect_dma source(%dma_start3A_79 : memref<10000x128xf32, #tpu.memory_space<hbm>>) target(%arg16 : memref<80x128xf32, #tpu.memory_space<vmem>>) offsets(%arg8 : memref<80xi32, #tpu.memory_space<vmem>>) semaphore(%dma_start3A_81 : memref<!tpu.dma_semaphore, #tpu.memory_space<semaphore_mem>>)
    %barrier3A = arith.constant 0 : index
    tpu.barrier barrier_id(%barrier3A)
    %scan3A = arith.constant 0 : i32
    %scan3A_82 = arith.constant 0 : i32
    %scan3A_83 = arith.constant 32 : i32
    %scan3A_84 = arith.addi %scan3A_82, %scan3A_83 : i32
    %scan3A_85 = arith.constant 1 : i32
    scf.for %scan3A_88 = %scan3A_82 to %scan3A_84 step %scan3A_85  : i32 {
      %mul3A_89 = arith.constant 4 : i32
      %mul3A_90 = arith.muli %scan3A_88, %mul3A_89 : i32
      %add3A_91 = arith.constant 0 : i32
      %add3A_92 = arith.addi %mul3A_90, %add3A_91 : i32
      %add3A_93 = arith.constant 2 : i32
      %add3A_94 = arith.addi %add3A_92, %add3A_93 : i32
      %lt3A = arith.constant 128 : i32
      %lt3A_95 = arith.cmpi slt, %add3A_94, %lt3A : i32
      %convert_element_type3A = arith.extui %lt3A_95 : i1 to i32
      %cond3A = arith.constant 0 : i32
      %cond3A_96 = arith.cmpi ne, %convert_element_type3A, %cond3A : i32
      scf.if %cond3A_96 {
        %add3A_218 = arith.constant 2 : i32
        %add3A_219 = arith.addi %add3A_92, %add3A_218 : i32
        %mul3A_220 = arith.constant 80 : i32
        %mul3A_221 = arith.muli %add3A_219, %mul3A_220 : i32
        %add3A_222 = arith.addi %mul3A_4, %mul3A_221 : i32
        %multiple_of3A_223 = tpu.assume_multiple %add3A_222, 8 : i32
        %dma_wait3A_224 = arith.constant 2 : i32
        %dma_wait3A_225 = tpu.memref_slice %arg3[%multiple_of3A_223] : memref<327680xi32, #tpu.memory_space<hbm>> -> memref<80xi32, #tpu.memory_space<hbm>>
        %dma_wait3A_226 = tpu.memref_slice %arg20[%dma_wait3A_224] : memref<4x!tpu.dma_semaphore, #tpu.memory_space<semaphore_mem>> -> memref<1x!tpu.dma_semaphore, #tpu.memory_space<semaphore_mem>>
        %dma_wait3A_227 = tpu.memref_squeeze %dma_wait3A_226 : memref<1x!tpu.dma_semaphore, #tpu.memory_space<semaphore_mem>> -> memref<!tpu.dma_semaphore, #tpu.memory_space<semaphore_mem>>
        %dma_wait3A_228 = tpu.memref_slice %arg3[%multiple_of3A_223] : memref<327680xi32, #tpu.memory_space<hbm>> -> memref<80xi32, #tpu.memory_space<hbm>>
        tpu.wait_dma2 semaphore(%dma_wait3A_227 : memref<!tpu.dma_semaphore, #tpu.memory_space<semaphore_mem>>) src(%dma_wait3A_228 : memref<80xi32, #tpu.memory_space<hbm>>) dst(%arg9 : memref<80xi32, #tpu.memory_space<vmem>>)
        %dma_start3A_229 = arith.constant 2 : i32
        %dma_start3A_230 = arith.constant 0 : i32
        %dma_start3A_231 = arith.constant 0 : i32
        %dma_start3A_232 = tpu.memref_slice %arg2[%dma_start3A_230, %dma_start3A_231] : memref<10000x128xf32, #tpu.memory_space<hbm>> -> memref<10000x128xf32, #tpu.memory_space<hbm>>
        %dma_start3A_233 = tpu.memref_slice %arg22[%dma_start3A_229] : memref<4x!tpu.dma_semaphore, #tpu.memory_space<semaphore_mem>> -> memref<1x!tpu.dma_semaphore, #tpu.memory_space<semaphore_mem>>
        %dma_start3A_234 = tpu.memref_squeeze %dma_start3A_233 : memref<1x!tpu.dma_semaphore, #tpu.memory_space<semaphore_mem>> -> memref<!tpu.dma_semaphore, #tpu.memory_space<semaphore_mem>>
        tpu.enqueue_indirect_dma source(%dma_start3A_232 : memref<10000x128xf32, #tpu.memory_space<hbm>>) target(%arg17 : memref<80x128xf32, #tpu.memory_space<vmem>>) offsets(%arg9 : memref<80xi32, #tpu.memory_space<vmem>>) semaphore(%dma_start3A_234 : memref<!tpu.dma_semaphore, #tpu.memory_space<semaphore_mem>>)
      } else {
      }
      %dma_wait3A_97 = arith.constant 0 : i32
      %dma_wait3A_98 = arith.constant 0 : i32
      %dma_wait3A_99 = arith.constant 0 : i32
      %dma_wait3A_100 = tpu.memref_slice %arg2[%dma_wait3A_98, %dma_wait3A_99] : memref<10000x128xf32, #tpu.memory_space<hbm>> -> memref<10000x128xf32, #tpu.memory_space<hbm>>
      %dma_wait3A_101 = tpu.memref_slice %arg22[%dma_wait3A_97] : memref<4x!tpu.dma_semaphore, #tpu.memory_space<semaphore_mem>> -> memref<1x!tpu.dma_semaphore, #tpu.memory_space<semaphore_mem>>
      %dma_wait3A_102 = tpu.memref_squeeze %dma_wait3A_101 : memref<1x!tpu.dma_semaphore, #tpu.memory_space<semaphore_mem>> -> memref<!tpu.dma_semaphore, #tpu.memory_space<semaphore_mem>>
      tpu.wait_indirect_dma semaphore(%dma_wait3A_102 : memref<!tpu.dma_semaphore, #tpu.memory_space<semaphore_mem>>) src(%dma_wait3A_100 : memref<10000x128xf32, #tpu.memory_space<hbm>>) dst(%arg15 : memref<80x128xf32, #tpu.memory_space<vmem>>)
      %mul3A_103 = arith.constant 80 : i32
      %mul3A_104 = arith.muli %add3A_92, %mul3A_103 : i32
      %add3A_105 = arith.addi %mul3A_4, %mul3A_104 : i32
      %multiple_of3A_106 = tpu.assume_multiple %add3A_105, 8 : i32
      %dma_wait3A_107 = arith.constant 0 : i32
      %dma_wait3A_108 = tpu.memref_slice %arg4[%multiple_of3A_106] : memref<327680xi32, #tpu.memory_space<hbm>> -> memref<80xi32, #tpu.memory_space<hbm>>
      %dma_wait3A_109 = tpu.memref_slice %arg21[%dma_wait3A_107] : memref<4x!tpu.dma_semaphore, #tpu.memory_space<semaphore_mem>> -> memref<1x!tpu.dma_semaphore, #tpu.memory_space<semaphore_mem>>
      %dma_wait3A_110 = tpu.memref_squeeze %dma_wait3A_109 : memref<1x!tpu.dma_semaphore, #tpu.memory_space<semaphore_mem>> -> memref<!tpu.dma_semaphore, #tpu.memory_space<semaphore_mem>>
      %dma_wait3A_111 = tpu.memref_slice %arg4[%multiple_of3A_106] : memref<327680xi32, #tpu.memory_space<hbm>> -> memref<80xi32, #tpu.memory_space<hbm>>
      tpu.wait_dma2 semaphore(%dma_wait3A_110 : memref<!tpu.dma_semaphore, #tpu.memory_space<semaphore_mem>>) src(%dma_wait3A_111 : memref<80xi32, #tpu.memory_space<hbm>>) dst(%arg11 : memref<80xi32, #tpu.memory_space<vmem>>)
      "tpu.region"() ({
        %run_scoped3A = tpu.sem_alloc : memref<!tpu.dma_semaphore, #tpu.memory_space<semaphore_mem>>
        %dma_start3A_218 = arith.constant 0 : i32
        %dma_start3A_219 = arith.constant 0 : i32
        %dma_start3A_220 = tpu.memref_slice %arg19[%dma_start3A_218, %dma_start3A_219] : memref<10240x128xf32, #tpu.memory_space<vmem_shared>> -> memref<10240x128xf32, #tpu.memory_space<vmem_shared>>
        tpu.enqueue_indirect_dma source(%arg15 : memref<80x128xf32, #tpu.memory_space<vmem>>) target(%dma_start3A_220 : memref<10240x128xf32, #tpu.memory_space<vmem_shared>>) offsets(%arg11 : memref<80xi32, #tpu.memory_space<vmem>>) semaphore(%run_scoped3A : memref<!tpu.dma_semaphore, #tpu.memory_space<semaphore_mem>>) {add = true}
        %dma_wait3A_221 = arith.constant 0 : i32
        %dma_wait3A_222 = arith.constant 0 : i32
        %dma_wait3A_223 = tpu.memref_slice %arg19[%dma_wait3A_221, %dma_wait3A_222] : memref<10240x128xf32, #tpu.memory_space<vmem_shared>> -> memref<10240x128xf32, #tpu.memory_space<vmem_shared>>
        tpu.wait_indirect_dma semaphore(%run_scoped3A : memref<!tpu.dma_semaphore, #tpu.memory_space<semaphore_mem>>) src(%arg15 : memref<80x128xf32, #tpu.memory_space<vmem>>) dst(%dma_wait3A_223 : memref<10240x128xf32, #tpu.memory_space<vmem_shared>>)
        tpu.yield
      }) : () -> ()
      %add3A_112 = arith.constant 4 : i32
      %add3A_113 = arith.addi %add3A_92, %add3A_112 : i32
      %lt3A_114 = arith.constant 128 : i32
      %lt3A_115 = arith.cmpi slt, %add3A_113, %lt3A_114 : i32
      %convert_element_type3A_116 = arith.extui %lt3A_115 : i1 to i32
      %cond3A_117 = arith.constant 0 : i32
      %cond3A_118 = arith.cmpi ne, %convert_element_type3A_116, %cond3A_117 : i32
      scf.if %cond3A_118 {
        %add3A_218 = arith.constant 4 : i32
        %add3A_219 = arith.addi %add3A_92, %add3A_218 : i32
        %mul3A_220 = arith.constant 80 : i32
        %mul3A_221 = arith.muli %add3A_219, %mul3A_220 : i32
        %add3A_222 = arith.addi %mul3A_4, %mul3A_221 : i32
        %multiple_of3A_223 = tpu.assume_multiple %add3A_222, 8 : i32
        %dma_start3A_224 = arith.constant 0 : i32
        %dma_start3A_225 = tpu.memref_slice %arg3[%multiple_of3A_223] : memref<327680xi32, #tpu.memory_space<hbm>> -> memref<80xi32, #tpu.memory_space<hbm>>
        %dma_start3A_226 = tpu.memref_slice %arg20[%dma_start3A_224] : memref<4x!tpu.dma_semaphore, #tpu.memory_space<semaphore_mem>> -> memref<1x!tpu.dma_semaphore, #tpu.memory_space<semaphore_mem>>
        %dma_start3A_227 = tpu.memref_squeeze %dma_start3A_226 : memref<1x!tpu.dma_semaphore, #tpu.memory_space<semaphore_mem>> -> memref<!tpu.dma_semaphore, #tpu.memory_space<semaphore_mem>>
        %dma_start3A_228 = tpu.memref_slice %arg3[%multiple_of3A_223] : memref<327680xi32, #tpu.memory_space<hbm>> -> memref<80xi32, #tpu.memory_space<hbm>>
        tpu.enqueue_dma source(%dma_start3A_228 : memref<80xi32, #tpu.memory_space<hbm>>) target(%arg7 : memref<80xi32, #tpu.memory_space<vmem>>) target_semaphore(%dma_start3A_227 : memref<!tpu.dma_semaphore, #tpu.memory_space<semaphore_mem>>)
        %dma_start3A_229 = arith.constant 0 : i32
        %dma_start3A_230 = tpu.memref_slice %arg4[%multiple_of3A_223] : memref<327680xi32, #tpu.memory_space<hbm>> -> memref<80xi32, #tpu.memory_space<hbm>>
        %dma_start3A_231 = tpu.memref_slice %arg21[%dma_start3A_229] : memref<4x!tpu.dma_semaphore, #tpu.memory_space<semaphore_mem>> -> memref<1x!tpu.dma_semaphore, #tpu.memory_space<semaphore_mem>>
        %dma_start3A_232 = tpu.memref_squeeze %dma_start3A_231 : memref<1x!tpu.dma_semaphore, #tpu.memory_space<semaphore_mem>> -> memref<!tpu.dma_semaphore, #tpu.memory_space<semaphore_mem>>
        %dma_start3A_233 = tpu.memref_slice %arg4[%multiple_of3A_223] : memref<327680xi32, #tpu.memory_space<hbm>> -> memref<80xi32, #tpu.memory_space<hbm>>
        tpu.enqueue_dma source(%dma_start3A_233 : memref<80xi32, #tpu.memory_space<hbm>>) target(%arg11 : memref<80xi32, #tpu.memory_space<vmem>>) target_semaphore(%dma_start3A_232 : memref<!tpu.dma_semaphore, #tpu.memory_space<semaphore_mem>>)
      } else {
      }
      %mul3A_119 = arith.constant 4 : i32
      %mul3A_120 = arith.muli %scan3A_88, %mul3A_119 : i32
      %add3A_121 = arith.constant 1 : i32
      %add3A_122 = arith.addi %mul3A_120, %add3A_121 : i32
      %add3A_123 = arith.constant 2 : i32
      %add3A_124 = arith.addi %add3A_122, %add3A_123 : i32
      %lt3A_125 = arith.constant 128 : i32
      %lt3A_126 = arith.cmpi slt, %add3A_124, %lt3A_125 : i32
      %convert_element_type3A_127 = arith.extui %lt3A_126 : i1 to i32
      %cond3A_128 = arith.constant 0 : i32
      %cond3A_129 = arith.cmpi ne, %convert_element_type3A_127, %cond3A_128 : i32
      scf.if %cond3A_129 {
        %add3A_218 = arith.constant 2 : i32
        %add3A_219 = arith.addi %add3A_122, %add3A_218 : i32
        %mul3A_220 = arith.constant 80 : i32
        %mul3A_221 = arith.muli %add3A_219, %mul3A_220 : i32
        %add3A_222 = arith.addi %mul3A_4, %mul3A_221 : i32
        %multiple_of3A_223 = tpu.assume_multiple %add3A_222, 8 : i32
        %dma_wait3A_224 = arith.constant 3 : i32
        %dma_wait3A_225 = tpu.memref_slice %arg3[%multiple_of3A_223] : memref<327680xi32, #tpu.memory_space<hbm>> -> memref<80xi32, #tpu.memory_space<hbm>>
        %dma_wait3A_226 = tpu.memref_slice %arg20[%dma_wait3A_224] : memref<4x!tpu.dma_semaphore, #tpu.memory_space<semaphore_mem>> -> memref<1x!tpu.dma_semaphore, #tpu.memory_space<semaphore_mem>>
        %dma_wait3A_227 = tpu.memref_squeeze %dma_wait3A_226 : memref<1x!tpu.dma_semaphore, #tpu.memory_space<semaphore_mem>> -> memref<!tpu.dma_semaphore, #tpu.memory_space<semaphore_mem>>
        %dma_wait3A_228 = tpu.memref_slice %arg3[%multiple_of3A_223] : memref<327680xi32, #tpu.memory_space<hbm>> -> memref<80xi32, #tpu.memory_space<hbm>>
        tpu.wait_dma2 semaphore(%dma_wait3A_227 : memref<!tpu.dma_semaphore, #tpu.memory_space<semaphore_mem>>) src(%dma_wait3A_228 : memref<80xi32, #tpu.memory_space<hbm>>) dst(%arg10 : memref<80xi32, #tpu.memory_space<vmem>>)
        %dma_start3A_229 = arith.constant 3 : i32
        %dma_start3A_230 = arith.constant 0 : i32
        %dma_start3A_231 = arith.constant 0 : i32
        %dma_start3A_232 = tpu.memref_slice %arg2[%dma_start3A_230, %dma_start3A_231] : memref<10000x128xf32, #tpu.memory_space<hbm>> -> memref<10000x128xf32, #tpu.memory_space<hbm>>
        %dma_start3A_233 = tpu.memref_slice %arg22[%dma_start3A_229] : memref<4x!tpu.dma_semaphore, #tpu.memory_space<semaphore_mem>> -> memref<1x!tpu.dma_semaphore, #tpu.memory_space<semaphore_mem>>
        %dma_start3A_234 = tpu.memref_squeeze %dma_start3A_233 : memref<1x!tpu.dma_semaphore, #tpu.memory_space<semaphore_mem>> -> memref<!tpu.dma_semaphore, #tpu.memory_space<semaphore_mem>>
        tpu.enqueue_indirect_dma source(%dma_start3A_232 : memref<10000x128xf32, #tpu.memory_space<hbm>>) target(%arg18 : memref<80x128xf32, #tpu.memory_space<vmem>>) offsets(%arg10 : memref<80xi32, #tpu.memory_space<vmem>>) semaphore(%dma_start3A_234 : memref<!tpu.dma_semaphore, #tpu.memory_space<semaphore_mem>>)
      } else {
      }
      %dma_wait3A_130 = arith.constant 1 : i32
      %dma_wait3A_131 = arith.constant 0 : i32
      %dma_wait3A_132 = arith.constant 0 : i32
      %dma_wait3A_133 = tpu.memref_slice %arg2[%dma_wait3A_131, %dma_wait3A_132] : memref<10000x128xf32, #tpu.memory_space<hbm>> -> memref<10000x128xf32, #tpu.memory_space<hbm>>
      %dma_wait3A_134 = tpu.memref_slice %arg22[%dma_wait3A_130] : memref<4x!tpu.dma_semaphore, #tpu.memory_space<semaphore_mem>> -> memref<1x!tpu.dma_semaphore, #tpu.memory_space<semaphore_mem>>
      %dma_wait3A_135 = tpu.memref_squeeze %dma_wait3A_134 : memref<1x!tpu.dma_semaphore, #tpu.memory_space<semaphore_mem>> -> memref<!tpu.dma_semaphore, #tpu.memory_space<semaphore_mem>>
      tpu.wait_indirect_dma semaphore(%dma_wait3A_135 : memref<!tpu.dma_semaphore, #tpu.memory_space<semaphore_mem>>) src(%dma_wait3A_133 : memref<10000x128xf32, #tpu.memory_space<hbm>>) dst(%arg16 : memref<80x128xf32, #tpu.memory_space<vmem>>)
      %mul3A_136 = arith.constant 80 : i32
      %mul3A_137 = arith.muli %add3A_122, %mul3A_136 : i32
      %add3A_138 = arith.addi %mul3A_4, %mul3A_137 : i32
      %multiple_of3A_139 = tpu.assume_multiple %add3A_138, 8 : i32
      %dma_wait3A_140 = arith.constant 1 : i32
      %dma_wait3A_141 = tpu.memref_slice %arg4[%multiple_of3A_139] : memref<327680xi32, #tpu.memory_space<hbm>> -> memref<80xi32, #tpu.memory_space<hbm>>
      %dma_wait3A_142 = tpu.memref_slice %arg21[%dma_wait3A_140] : memref<4x!tpu.dma_semaphore, #tpu.memory_space<semaphore_mem>> -> memref<1x!tpu.dma_semaphore, #tpu.memory_space<semaphore_mem>>
      %dma_wait3A_143 = tpu.memref_squeeze %dma_wait3A_142 : memref<1x!tpu.dma_semaphore, #tpu.memory_space<semaphore_mem>> -> memref<!tpu.dma_semaphore, #tpu.memory_space<semaphore_mem>>
      %dma_wait3A_144 = tpu.memref_slice %arg4[%multiple_of3A_139] : memref<327680xi32, #tpu.memory_space<hbm>> -> memref<80xi32, #tpu.memory_space<hbm>>
      tpu.wait_dma2 semaphore(%dma_wait3A_143 : memref<!tpu.dma_semaphore, #tpu.memory_space<semaphore_mem>>) src(%dma_wait3A_144 : memref<80xi32, #tpu.memory_space<hbm>>) dst(%arg12 : memref<80xi32, #tpu.memory_space<vmem>>)
      "tpu.region"() ({
        %run_scoped3A = tpu.sem_alloc : memref<!tpu.dma_semaphore, #tpu.memory_space<semaphore_mem>>
        %dma_start3A_218 = arith.constant 0 : i32
        %dma_start3A_219 = arith.constant 0 : i32
        %dma_start3A_220 = tpu.memref_slice %arg19[%dma_start3A_218, %dma_start3A_219] : memref<10240x128xf32, #tpu.memory_space<vmem_shared>> -> memref<10240x128xf32, #tpu.memory_space<vmem_shared>>
        tpu.enqueue_indirect_dma source(%arg16 : memref<80x128xf32, #tpu.memory_space<vmem>>) target(%dma_start3A_220 : memref<10240x128xf32, #tpu.memory_space<vmem_shared>>) offsets(%arg12 : memref<80xi32, #tpu.memory_space<vmem>>) semaphore(%run_scoped3A : memref<!tpu.dma_semaphore, #tpu.memory_space<semaphore_mem>>) {add = true}
        %dma_wait3A_221 = arith.constant 0 : i32
        %dma_wait3A_222 = arith.constant 0 : i32
        %dma_wait3A_223 = tpu.memref_slice %arg19[%dma_wait3A_221, %dma_wait3A_222] : memref<10240x128xf32, #tpu.memory_space<vmem_shared>> -> memref<10240x128xf32, #tpu.memory_space<vmem_shared>>
        tpu.wait_indirect_dma semaphore(%run_scoped3A : memref<!tpu.dma_semaphore, #tpu.memory_space<semaphore_mem>>) src(%arg16 : memref<80x128xf32, #tpu.memory_space<vmem>>) dst(%dma_wait3A_223 : memref<10240x128xf32, #tpu.memory_space<vmem_shared>>)
        tpu.yield
      }) : () -> ()
      %add3A_145 = arith.constant 4 : i32
      %add3A_146 = arith.addi %add3A_122, %add3A_145 : i32
      %lt3A_147 = arith.constant 128 : i32
      %lt3A_148 = arith.cmpi slt, %add3A_146, %lt3A_147 : i32
      %convert_element_type3A_149 = arith.extui %lt3A_148 : i1 to i32
      %cond3A_150 = arith.constant 0 : i32
      %cond3A_151 = arith.cmpi ne, %convert_element_type3A_149, %cond3A_150 : i32
      scf.if %cond3A_151 {
        %add3A_218 = arith.constant 4 : i32
        %add3A_219 = arith.addi %add3A_122, %add3A_218 : i32
        %mul3A_220 = arith.constant 80 : i32
        %mul3A_221 = arith.muli %add3A_219, %mul3A_220 : i32
        %add3A_222 = arith.addi %mul3A_4, %mul3A_221 : i32
        %multiple_of3A_223 = tpu.assume_multiple %add3A_222, 8 : i32
        %dma_start3A_224 = arith.constant 1 : i32
        %dma_start3A_225 = tpu.memref_slice %arg3[%multiple_of3A_223] : memref<327680xi32, #tpu.memory_space<hbm>> -> memref<80xi32, #tpu.memory_space<hbm>>
        %dma_start3A_226 = tpu.memref_slice %arg20[%dma_start3A_224] : memref<4x!tpu.dma_semaphore, #tpu.memory_space<semaphore_mem>> -> memref<1x!tpu.dma_semaphore, #tpu.memory_space<semaphore_mem>>
        %dma_start3A_227 = tpu.memref_squeeze %dma_start3A_226 : memref<1x!tpu.dma_semaphore, #tpu.memory_space<semaphore_mem>> -> memref<!tpu.dma_semaphore, #tpu.memory_space<semaphore_mem>>
        %dma_start3A_228 = tpu.memref_slice %arg3[%multiple_of3A_223] : memref<327680xi32, #tpu.memory_space<hbm>> -> memref<80xi32, #tpu.memory_space<hbm>>
        tpu.enqueue_dma source(%dma_start3A_228 : memref<80xi32, #tpu.memory_space<hbm>>) target(%arg8 : memref<80xi32, #tpu.memory_space<vmem>>) target_semaphore(%dma_start3A_227 : memref<!tpu.dma_semaphore, #tpu.memory_space<semaphore_mem>>)
        %dma_start3A_229 = arith.constant 1 : i32
        %dma_start3A_230 = tpu.memref_slice %arg4[%multiple_of3A_223] : memref<327680xi32, #tpu.memory_space<hbm>> -> memref<80xi32, #tpu.memory_space<hbm>>
        %dma_start3A_231 = tpu.memref_slice %arg21[%dma_start3A_229] : memref<4x!tpu.dma_semaphore, #tpu.memory_space<semaphore_mem>> -> memref<1x!tpu.dma_semaphore, #tpu.memory_space<semaphore_mem>>
        %dma_start3A_232 = tpu.memref_squeeze %dma_start3A_231 : memref<1x!tpu.dma_semaphore, #tpu.memory_space<semaphore_mem>> -> memref<!tpu.dma_semaphore, #tpu.memory_space<semaphore_mem>>
        %dma_start3A_233 = tpu.memref_slice %arg4[%multiple_of3A_223] : memref<327680xi32, #tpu.memory_space<hbm>> -> memref<80xi32, #tpu.memory_space<hbm>>
        tpu.enqueue_dma source(%dma_start3A_233 : memref<80xi32, #tpu.memory_space<hbm>>) target(%arg12 : memref<80xi32, #tpu.memory_space<vmem>>) target_semaphore(%dma_start3A_232 : memref<!tpu.dma_semaphore, #tpu.memory_space<semaphore_mem>>)
      } else {
      }
      %mul3A_152 = arith.constant 4 : i32
      %mul3A_153 = arith.muli %scan3A_88, %mul3A_152 : i32
      %add3A_154 = arith.constant 2 : i32
      %add3A_155 = arith.addi %mul3A_153, %add3A_154 : i32
      %add3A_156 = arith.constant 2 : i32
      %add3A_157 = arith.addi %add3A_155, %add3A_156 : i32
      %lt3A_158 = arith.constant 128 : i32
      %lt3A_159 = arith.cmpi slt, %add3A_157, %lt3A_158 : i32
      %convert_element_type3A_160 = arith.extui %lt3A_159 : i1 to i32
      %cond3A_161 = arith.constant 0 : i32
      %cond3A_162 = arith.cmpi ne, %convert_element_type3A_160, %cond3A_161 : i32
      scf.if %cond3A_162 {
        %add3A_218 = arith.constant 2 : i32
        %add3A_219 = arith.addi %add3A_155, %add3A_218 : i32
        %mul3A_220 = arith.constant 80 : i32
        %mul3A_221 = arith.muli %add3A_219, %mul3A_220 : i32
        %add3A_222 = arith.addi %mul3A_4, %mul3A_221 : i32
        %multiple_of3A_223 = tpu.assume_multiple %add3A_222, 8 : i32
        %dma_wait3A_224 = arith.constant 0 : i32
        %dma_wait3A_225 = tpu.memref_slice %arg3[%multiple_of3A_223] : memref<327680xi32, #tpu.memory_space<hbm>> -> memref<80xi32, #tpu.memory_space<hbm>>
        %dma_wait3A_226 = tpu.memref_slice %arg20[%dma_wait3A_224] : memref<4x!tpu.dma_semaphore, #tpu.memory_space<semaphore_mem>> -> memref<1x!tpu.dma_semaphore, #tpu.memory_space<semaphore_mem>>
        %dma_wait3A_227 = tpu.memref_squeeze %dma_wait3A_226 : memref<1x!tpu.dma_semaphore, #tpu.memory_space<semaphore_mem>> -> memref<!tpu.dma_semaphore, #tpu.memory_space<semaphore_mem>>
        %dma_wait3A_228 = tpu.memref_slice %arg3[%multiple_of3A_223] : memref<327680xi32, #tpu.memory_space<hbm>> -> memref<80xi32, #tpu.memory_space<hbm>>
        tpu.wait_dma2 semaphore(%dma_wait3A_227 : memref<!tpu.dma_semaphore, #tpu.memory_space<semaphore_mem>>) src(%dma_wait3A_228 : memref<80xi32, #tpu.memory_space<hbm>>) dst(%arg7 : memref<80xi32, #tpu.memory_space<vmem>>)
        %dma_start3A_229 = arith.constant 0 : i32
        %dma_start3A_230 = arith.constant 0 : i32
        %dma_start3A_231 = arith.constant 0 : i32
        %dma_start3A_232 = tpu.memref_slice %arg2[%dma_start3A_230, %dma_start3A_231] : memref<10000x128xf32, #tpu.memory_space<hbm>> -> memref<10000x128xf32, #tpu.memory_space<hbm>>
        %dma_start3A_233 = tpu.memref_slice %arg22[%dma_start3A_229] : memref<4x!tpu.dma_semaphore, #tpu.memory_space<semaphore_mem>> -> memref<1x!tpu.dma_semaphore, #tpu.memory_space<semaphore_mem>>
        %dma_start3A_234 = tpu.memref_squeeze %dma_start3A_233 : memref<1x!tpu.dma_semaphore, #tpu.memory_space<semaphore_mem>> -> memref<!tpu.dma_semaphore, #tpu.memory_space<semaphore_mem>>
        tpu.enqueue_indirect_dma source(%dma_start3A_232 : memref<10000x128xf32, #tpu.memory_space<hbm>>) target(%arg15 : memref<80x128xf32, #tpu.memory_space<vmem>>) offsets(%arg7 : memref<80xi32, #tpu.memory_space<vmem>>) semaphore(%dma_start3A_234 : memref<!tpu.dma_semaphore, #tpu.memory_space<semaphore_mem>>)
      } else {
      }
      %dma_wait3A_163 = arith.constant 2 : i32
      %dma_wait3A_164 = arith.constant 0 : i32
      %dma_wait3A_165 = arith.constant 0 : i32
      %dma_wait3A_166 = tpu.memref_slice %arg2[%dma_wait3A_164, %dma_wait3A_165] : memref<10000x128xf32, #tpu.memory_space<hbm>> -> memref<10000x128xf32, #tpu.memory_space<hbm>>
      %dma_wait3A_167 = tpu.memref_slice %arg22[%dma_wait3A_163] : memref<4x!tpu.dma_semaphore, #tpu.memory_space<semaphore_mem>> -> memref<1x!tpu.dma_semaphore, #tpu.memory_space<semaphore_mem>>
      %dma_wait3A_168 = tpu.memref_squeeze %dma_wait3A_167 : memref<1x!tpu.dma_semaphore, #tpu.memory_space<semaphore_mem>> -> memref<!tpu.dma_semaphore, #tpu.memory_space<semaphore_mem>>
      tpu.wait_indirect_dma semaphore(%dma_wait3A_168 : memref<!tpu.dma_semaphore, #tpu.memory_space<semaphore_mem>>) src(%dma_wait3A_166 : memref<10000x128xf32, #tpu.memory_space<hbm>>) dst(%arg17 : memref<80x128xf32, #tpu.memory_space<vmem>>)
      %mul3A_169 = arith.constant 80 : i32
      %mul3A_170 = arith.muli %add3A_155, %mul3A_169 : i32
      %add3A_171 = arith.addi %mul3A_4, %mul3A_170 : i32
      %multiple_of3A_172 = tpu.assume_multiple %add3A_171, 8 : i32
      %dma_wait3A_173 = arith.constant 2 : i32
      %dma_wait3A_174 = tpu.memref_slice %arg4[%multiple_of3A_172] : memref<327680xi32, #tpu.memory_space<hbm>> -> memref<80xi32, #tpu.memory_space<hbm>>
      %dma_wait3A_175 = tpu.memref_slice %arg21[%dma_wait3A_173] : memref<4x!tpu.dma_semaphore, #tpu.memory_space<semaphore_mem>> -> memref<1x!tpu.dma_semaphore, #tpu.memory_space<semaphore_mem>>
      %dma_wait3A_176 = tpu.memref_squeeze %dma_wait3A_175 : memref<1x!tpu.dma_semaphore, #tpu.memory_space<semaphore_mem>> -> memref<!tpu.dma_semaphore, #tpu.memory_space<semaphore_mem>>
      %dma_wait3A_177 = tpu.memref_slice %arg4[%multiple_of3A_172] : memref<327680xi32, #tpu.memory_space<hbm>> -> memref<80xi32, #tpu.memory_space<hbm>>
      tpu.wait_dma2 semaphore(%dma_wait3A_176 : memref<!tpu.dma_semaphore, #tpu.memory_space<semaphore_mem>>) src(%dma_wait3A_177 : memref<80xi32, #tpu.memory_space<hbm>>) dst(%arg13 : memref<80xi32, #tpu.memory_space<vmem>>)
      "tpu.region"() ({
        %run_scoped3A = tpu.sem_alloc : memref<!tpu.dma_semaphore, #tpu.memory_space<semaphore_mem>>
        %dma_start3A_218 = arith.constant 0 : i32
        %dma_start3A_219 = arith.constant 0 : i32
        %dma_start3A_220 = tpu.memref_slice %arg19[%dma_start3A_218, %dma_start3A_219] : memref<10240x128xf32, #tpu.memory_space<vmem_shared>> -> memref<10240x128xf32, #tpu.memory_space<vmem_shared>>
        tpu.enqueue_indirect_dma source(%arg17 : memref<80x128xf32, #tpu.memory_space<vmem>>) target(%dma_start3A_220 : memref<10240x128xf32, #tpu.memory_space<vmem_shared>>) offsets(%arg13 : memref<80xi32, #tpu.memory_space<vmem>>) semaphore(%run_scoped3A : memref<!tpu.dma_semaphore, #tpu.memory_space<semaphore_mem>>) {add = true}
        %dma_wait3A_221 = arith.constant 0 : i32
        %dma_wait3A_222 = arith.constant 0 : i32
        %dma_wait3A_223 = tpu.memref_slice %arg19[%dma_wait3A_221, %dma_wait3A_222] : memref<10240x128xf32, #tpu.memory_space<vmem_shared>> -> memref<10240x128xf32, #tpu.memory_space<vmem_shared>>
        tpu.wait_indirect_dma semaphore(%run_scoped3A : memref<!tpu.dma_semaphore, #tpu.memory_space<semaphore_mem>>) src(%arg17 : memref<80x128xf32, #tpu.memory_space<vmem>>) dst(%dma_wait3A_223 : memref<10240x128xf32, #tpu.memory_space<vmem_shared>>)
        tpu.yield
      }) : () -> ()
      %add3A_178 = arith.constant 4 : i32
      %add3A_179 = arith.addi %add3A_155, %add3A_178 : i32
      %lt3A_180 = arith.constant 128 : i32
      %lt3A_181 = arith.cmpi slt, %add3A_179, %lt3A_180 : i32
      %convert_element_type3A_182 = arith.extui %lt3A_181 : i1 to i32
      %cond3A_183 = arith.constant 0 : i32
      %cond3A_184 = arith.cmpi ne, %convert_element_type3A_182, %cond3A_183 : i32
      scf.if %cond3A_184 {
        %add3A_218 = arith.constant 4 : i32
        %add3A_219 = arith.addi %add3A_155, %add3A_218 : i32
        %mul3A_220 = arith.constant 80 : i32
        %mul3A_221 = arith.muli %add3A_219, %mul3A_220 : i32
        %add3A_222 = arith.addi %mul3A_4, %mul3A_221 : i32
        %multiple_of3A_223 = tpu.assume_multiple %add3A_222, 8 : i32
        %dma_start3A_224 = arith.constant 2 : i32
        %dma_start3A_225 = tpu.memref_slice %arg3[%multiple_of3A_223] : memref<327680xi32, #tpu.memory_space<hbm>> -> memref<80xi32, #tpu.memory_space<hbm>>
        %dma_start3A_226 = tpu.memref_slice %arg20[%dma_start3A_224] : memref<4x!tpu.dma_semaphore, #tpu.memory_space<semaphore_mem>> -> memref<1x!tpu.dma_semaphore, #tpu.memory_space<semaphore_mem>>
        %dma_start3A_227 = tpu.memref_squeeze %dma_start3A_226 : memref<1x!tpu.dma_semaphore, #tpu.memory_space<semaphore_mem>> -> memref<!tpu.dma_semaphore, #tpu.memory_space<semaphore_mem>>
        %dma_start3A_228 = tpu.memref_slice %arg3[%multiple_of3A_223] : memref<327680xi32, #tpu.memory_space<hbm>> -> memref<80xi32, #tpu.memory_space<hbm>>
        tpu.enqueue_dma source(%dma_start3A_228 : memref<80xi32, #tpu.memory_space<hbm>>) target(%arg9 : memref<80xi32, #tpu.memory_space<vmem>>) target_semaphore(%dma_start3A_227 : memref<!tpu.dma_semaphore, #tpu.memory_space<semaphore_mem>>)
        %dma_start3A_229 = arith.constant 2 : i32
        %dma_start3A_230 = tpu.memref_slice %arg4[%multiple_of3A_223] : memref<327680xi32, #tpu.memory_space<hbm>> -> memref<80xi32, #tpu.memory_space<hbm>>
        %dma_start3A_231 = tpu.memref_slice %arg21[%dma_start3A_229] : memref<4x!tpu.dma_semaphore, #tpu.memory_space<semaphore_mem>> -> memref<1x!tpu.dma_semaphore, #tpu.memory_space<semaphore_mem>>
        %dma_start3A_232 = tpu.memref_squeeze %dma_start3A_231 : memref<1x!tpu.dma_semaphore, #tpu.memory_space<semaphore_mem>> -> memref<!tpu.dma_semaphore, #tpu.memory_space<semaphore_mem>>
        %dma_start3A_233 = tpu.memref_slice %arg4[%multiple_of3A_223] : memref<327680xi32, #tpu.memory_space<hbm>> -> memref<80xi32, #tpu.memory_space<hbm>>
        tpu.enqueue_dma source(%dma_start3A_233 : memref<80xi32, #tpu.memory_space<hbm>>) target(%arg13 : memref<80xi32, #tpu.memory_space<vmem>>) target_semaphore(%dma_start3A_232 : memref<!tpu.dma_semaphore, #tpu.memory_space<semaphore_mem>>)
      } else {
      }
      %mul3A_185 = arith.constant 4 : i32
      %mul3A_186 = arith.muli %scan3A_88, %mul3A_185 : i32
      %add3A_187 = arith.constant 3 : i32
      %add3A_188 = arith.addi %mul3A_186, %add3A_187 : i32
      %add3A_189 = arith.constant 2 : i32
      %add3A_190 = arith.addi %add3A_188, %add3A_189 : i32
      %lt3A_191 = arith.constant 128 : i32
      %lt3A_192 = arith.cmpi slt, %add3A_190, %lt3A_191 : i32
      %convert_element_type3A_193 = arith.extui %lt3A_192 : i1 to i32
      %cond3A_194 = arith.constant 0 : i32
      %cond3A_195 = arith.cmpi ne, %convert_element_type3A_193, %cond3A_194 : i32
      scf.if %cond3A_195 {
        %add3A_218 = arith.constant 2 : i32
        %add3A_219 = arith.addi %add3A_188, %add3A_218 : i32
        %mul3A_220 = arith.constant 80 : i32
        %mul3A_221 = arith.muli %add3A_219, %mul3A_220 : i32
        %add3A_222 = arith.addi %mul3A_4, %mul3A_221 : i32
        %multiple_of3A_223 = tpu.assume_multiple %add3A_222, 8 : i32
        %dma_wait3A_224 = arith.constant 1 : i32
        %dma_wait3A_225 = tpu.memref_slice %arg3[%multiple_of3A_223] : memref<327680xi32, #tpu.memory_space<hbm>> -> memref<80xi32, #tpu.memory_space<hbm>>
        %dma_wait3A_226 = tpu.memref_slice %arg20[%dma_wait3A_224] : memref<4x!tpu.dma_semaphore, #tpu.memory_space<semaphore_mem>> -> memref<1x!tpu.dma_semaphore, #tpu.memory_space<semaphore_mem>>
        %dma_wait3A_227 = tpu.memref_squeeze %dma_wait3A_226 : memref<1x!tpu.dma_semaphore, #tpu.memory_space<semaphore_mem>> -> memref<!tpu.dma_semaphore, #tpu.memory_space<semaphore_mem>>
        %dma_wait3A_228 = tpu.memref_slice %arg3[%multiple_of3A_223] : memref<327680xi32, #tpu.memory_space<hbm>> -> memref<80xi32, #tpu.memory_space<hbm>>
        tpu.wait_dma2 semaphore(%dma_wait3A_227 : memref<!tpu.dma_semaphore, #tpu.memory_space<semaphore_mem>>) src(%dma_wait3A_228 : memref<80xi32, #tpu.memory_space<hbm>>) dst(%arg8 : memref<80xi32, #tpu.memory_space<vmem>>)
        %dma_start3A_229 = arith.constant 1 : i32
        %dma_start3A_230 = arith.constant 0 : i32
        %dma_start3A_231 = arith.constant 0 : i32
        %dma_start3A_232 = tpu.memref_slice %arg2[%dma_start3A_230, %dma_start3A_231] : memref<10000x128xf32, #tpu.memory_space<hbm>> -> memref<10000x128xf32, #tpu.memory_space<hbm>>
        %dma_start3A_233 = tpu.memref_slice %arg22[%dma_start3A_229] : memref<4x!tpu.dma_semaphore, #tpu.memory_space<semaphore_mem>> -> memref<1x!tpu.dma_semaphore, #tpu.memory_space<semaphore_mem>>
        %dma_start3A_234 = tpu.memref_squeeze %dma_start3A_233 : memref<1x!tpu.dma_semaphore, #tpu.memory_space<semaphore_mem>> -> memref<!tpu.dma_semaphore, #tpu.memory_space<semaphore_mem>>
        tpu.enqueue_indirect_dma source(%dma_start3A_232 : memref<10000x128xf32, #tpu.memory_space<hbm>>) target(%arg16 : memref<80x128xf32, #tpu.memory_space<vmem>>) offsets(%arg8 : memref<80xi32, #tpu.memory_space<vmem>>) semaphore(%dma_start3A_234 : memref<!tpu.dma_semaphore, #tpu.memory_space<semaphore_mem>>)
      } else {
      }
      %dma_wait3A_196 = arith.constant 3 : i32
      %dma_wait3A_197 = arith.constant 0 : i32
      %dma_wait3A_198 = arith.constant 0 : i32
      %dma_wait3A_199 = tpu.memref_slice %arg2[%dma_wait3A_197, %dma_wait3A_198] : memref<10000x128xf32, #tpu.memory_space<hbm>> -> memref<10000x128xf32, #tpu.memory_space<hbm>>
      %dma_wait3A_200 = tpu.memref_slice %arg22[%dma_wait3A_196] : memref<4x!tpu.dma_semaphore, #tpu.memory_space<semaphore_mem>> -> memref<1x!tpu.dma_semaphore, #tpu.memory_space<semaphore_mem>>
      %dma_wait3A_201 = tpu.memref_squeeze %dma_wait3A_200 : memref<1x!tpu.dma_semaphore, #tpu.memory_space<semaphore_mem>> -> memref<!tpu.dma_semaphore, #tpu.memory_space<semaphore_mem>>
      tpu.wait_indirect_dma semaphore(%dma_wait3A_201 : memref<!tpu.dma_semaphore, #tpu.memory_space<semaphore_mem>>) src(%dma_wait3A_199 : memref<10000x128xf32, #tpu.memory_space<hbm>>) dst(%arg18 : memref<80x128xf32, #tpu.memory_space<vmem>>)
      %mul3A_202 = arith.constant 80 : i32
      %mul3A_203 = arith.muli %add3A_188, %mul3A_202 : i32
      %add3A_204 = arith.addi %mul3A_4, %mul3A_203 : i32
      %multiple_of3A_205 = tpu.assume_multiple %add3A_204, 8 : i32
      %dma_wait3A_206 = arith.constant 3 : i32
      %dma_wait3A_207 = tpu.memref_slice %arg4[%multiple_of3A_205] : memref<327680xi32, #tpu.memory_space<hbm>> -> memref<80xi32, #tpu.memory_space<hbm>>
      %dma_wait3A_208 = tpu.memref_slice %arg21[%dma_wait3A_206] : memref<4x!tpu.dma_semaphore, #tpu.memory_space<semaphore_mem>> -> memref<1x!tpu.dma_semaphore, #tpu.memory_space<semaphore_mem>>
      %dma_wait3A_209 = tpu.memref_squeeze %dma_wait3A_208 : memref<1x!tpu.dma_semaphore, #tpu.memory_space<semaphore_mem>> -> memref<!tpu.dma_semaphore, #tpu.memory_space<semaphore_mem>>
      %dma_wait3A_210 = tpu.memref_slice %arg4[%multiple_of3A_205] : memref<327680xi32, #tpu.memory_space<hbm>> -> memref<80xi32, #tpu.memory_space<hbm>>
      tpu.wait_dma2 semaphore(%dma_wait3A_209 : memref<!tpu.dma_semaphore, #tpu.memory_space<semaphore_mem>>) src(%dma_wait3A_210 : memref<80xi32, #tpu.memory_space<hbm>>) dst(%arg14 : memref<80xi32, #tpu.memory_space<vmem>>)
      "tpu.region"() ({
        %run_scoped3A = tpu.sem_alloc : memref<!tpu.dma_semaphore, #tpu.memory_space<semaphore_mem>>
        %dma_start3A_218 = arith.constant 0 : i32
        %dma_start3A_219 = arith.constant 0 : i32
        %dma_start3A_220 = tpu.memref_slice %arg19[%dma_start3A_218, %dma_start3A_219] : memref<10240x128xf32, #tpu.memory_space<vmem_shared>> -> memref<10240x128xf32, #tpu.memory_space<vmem_shared>>
        tpu.enqueue_indirect_dma source(%arg18 : memref<80x128xf32, #tpu.memory_space<vmem>>) target(%dma_start3A_220 : memref<10240x128xf32, #tpu.memory_space<vmem_shared>>) offsets(%arg14 : memref<80xi32, #tpu.memory_space<vmem>>) semaphore(%run_scoped3A : memref<!tpu.dma_semaphore, #tpu.memory_space<semaphore_mem>>) {add = true}
        %dma_wait3A_221 = arith.constant 0 : i32
        %dma_wait3A_222 = arith.constant 0 : i32
        %dma_wait3A_223 = tpu.memref_slice %arg19[%dma_wait3A_221, %dma_wait3A_222] : memref<10240x128xf32, #tpu.memory_space<vmem_shared>> -> memref<10240x128xf32, #tpu.memory_space<vmem_shared>>
        tpu.wait_indirect_dma semaphore(%run_scoped3A : memref<!tpu.dma_semaphore, #tpu.memory_space<semaphore_mem>>) src(%arg18 : memref<80x128xf32, #tpu.memory_space<vmem>>) dst(%dma_wait3A_223 : memref<10240x128xf32, #tpu.memory_space<vmem_shared>>)
        tpu.yield
      }) : () -> ()
      %add3A_211 = arith.constant 4 : i32
      %add3A_212 = arith.addi %add3A_188, %add3A_211 : i32
      %lt3A_213 = arith.constant 128 : i32
      %lt3A_214 = arith.cmpi slt, %add3A_212, %lt3A_213 : i32
      %convert_element_type3A_215 = arith.extui %lt3A_214 : i1 to i32
      %cond3A_216 = arith.constant 0 : i32
      %cond3A_217 = arith.cmpi ne, %convert_element_type3A_215, %cond3A_216 : i32
      scf.if %cond3A_217 {
        %add3A_218 = arith.constant 4 : i32
        %add3A_219 = arith.addi %add3A_188, %add3A_218 : i32
        %mul3A_220 = arith.constant 80 : i32
        %mul3A_221 = arith.muli %add3A_219, %mul3A_220 : i32
        %add3A_222 = arith.addi %mul3A_4, %mul3A_221 : i32
        %multiple_of3A_223 = tpu.assume_multiple %add3A_222, 8 : i32
        %dma_start3A_224 = arith.constant 3 : i32
        %dma_start3A_225 = tpu.memref_slice %arg3[%multiple_of3A_223] : memref<327680xi32, #tpu.memory_space<hbm>> -> memref<80xi32, #tpu.memory_space<hbm>>
        %dma_start3A_226 = tpu.memref_slice %arg20[%dma_start3A_224] : memref<4x!tpu.dma_semaphore, #tpu.memory_space<semaphore_mem>> -> memref<1x!tpu.dma_semaphore, #tpu.memory_space<semaphore_mem>>
        %dma_start3A_227 = tpu.memref_squeeze %dma_start3A_226 : memref<1x!tpu.dma_semaphore, #tpu.memory_space<semaphore_mem>> -> memref<!tpu.dma_semaphore, #tpu.memory_space<semaphore_mem>>
        %dma_start3A_228 = tpu.memref_slice %arg3[%multiple_of3A_223] : memref<327680xi32, #tpu.memory_space<hbm>> -> memref<80xi32, #tpu.memory_space<hbm>>
        tpu.enqueue_dma source(%dma_start3A_228 : memref<80xi32, #tpu.memory_space<hbm>>) target(%arg10 : memref<80xi32, #tpu.memory_space<vmem>>) target_semaphore(%dma_start3A_227 : memref<!tpu.dma_semaphore, #tpu.memory_space<semaphore_mem>>)
        %dma_start3A_229 = arith.constant 3 : i32
        %dma_start3A_230 = tpu.memref_slice %arg4[%multiple_of3A_223] : memref<327680xi32, #tpu.memory_space<hbm>> -> memref<80xi32, #tpu.memory_space<hbm>>
        %dma_start3A_231 = tpu.memref_slice %arg21[%dma_start3A_229] : memref<4x!tpu.dma_semaphore, #tpu.memory_space<semaphore_mem>> -> memref<1x!tpu.dma_semaphore, #tpu.memory_space<semaphore_mem>>
        %dma_start3A_232 = tpu.memref_squeeze %dma_start3A_231 : memref<1x!tpu.dma_semaphore, #tpu.memory_space<semaphore_mem>> -> memref<!tpu.dma_semaphore, #tpu.memory_space<semaphore_mem>>
        %dma_start3A_233 = tpu.memref_slice %arg4[%multiple_of3A_223] : memref<327680xi32, #tpu.memory_space<hbm>> -> memref<80xi32, #tpu.memory_space<hbm>>
        tpu.enqueue_dma source(%dma_start3A_233 : memref<80xi32, #tpu.memory_space<hbm>>) target(%arg14 : memref<80xi32, #tpu.memory_space<vmem>>) target_semaphore(%dma_start3A_232 : memref<!tpu.dma_semaphore, #tpu.memory_space<semaphore_mem>>)
      } else {
      }
    }
    %scan3A_86 = arith.constant 32 : i32
    %barrier3A_87 = arith.constant 0 : index
    tpu.barrier barrier_id(%barrier3A_87)
    "tpu.region"() ({
      %run_scoped3A = tpu.sem_alloc : memref<!tpu.dma_semaphore, #tpu.memory_space<semaphore_mem>>
      %dma_start3A_88 = arith.constant 0 : i32
      %dma_start3A_89 = arith.constant 0 : i32
      %dma_start3A_90 = tpu.memref_slice %arg6[%arg0, %dma_start3A_88, %dma_start3A_89] : memref<2x10240x128xf32, #tpu.memory_space<hbm>> -> memref<1x10240x128xf32, #tpu.memory_space<hbm>>
      %dma_start3A_91 = tpu.memref_squeeze %dma_start3A_90 : memref<1x10240x128xf32, #tpu.memory_space<hbm>> -> memref<10240x128xf32, #tpu.memory_space<hbm>>
      %dma_start3A_92 = arith.constant 0 : i32
      %dma_start3A_93 = tpu.memref_slice %dma_start3A_91[%mul3A_2, %dma_start3A_92] : memref<10240x128xf32, #tpu.memory_space<hbm>> -> memref<640x128xf32, #tpu.memory_space<hbm>>
      %dma_start3A_94 = arith.constant 0 : i32
      %dma_start3A_95 = tpu.memref_slice %arg19[%mul3A_2, %dma_start3A_94] : memref<10240x128xf32, #tpu.memory_space<vmem_shared>> -> memref<640x128xf32, #tpu.memory_space<vmem_shared>>
      tpu.enqueue_dma source(%dma_start3A_95 : memref<640x128xf32, #tpu.memory_space<vmem_shared>>) target(%dma_start3A_93 : memref<640x128xf32, #tpu.memory_space<hbm>>) target_semaphore(%run_scoped3A : memref<!tpu.dma_semaphore, #tpu.memory_space<semaphore_mem>>)
      %dma_wait3A_96 = arith.constant 0 : i32
      %dma_wait3A_97 = arith.constant 0 : i32
      %dma_wait3A_98 = tpu.memref_slice %arg6[%arg0, %dma_wait3A_96, %dma_wait3A_97] : memref<2x10240x128xf32, #tpu.memory_space<hbm>> -> memref<1x10240x128xf32, #tpu.memory_space<hbm>>
      %dma_wait3A_99 = tpu.memref_squeeze %dma_wait3A_98 : memref<1x10240x128xf32, #tpu.memory_space<hbm>> -> memref<10240x128xf32, #tpu.memory_space<hbm>>
      %dma_wait3A_100 = arith.constant 0 : i32
      %dma_wait3A_101 = tpu.memref_slice %dma_wait3A_99[%mul3A_2, %dma_wait3A_100] : memref<10240x128xf32, #tpu.memory_space<hbm>> -> memref<640x128xf32, #tpu.memory_space<hbm>>
      %dma_wait3A_102 = arith.constant 0 : i32
      %dma_wait3A_103 = tpu.memref_slice %arg19[%mul3A_2, %dma_wait3A_102] : memref<10240x128xf32, #tpu.memory_space<vmem_shared>> -> memref<640x128xf32, #tpu.memory_space<vmem_shared>>
      tpu.wait_dma2 semaphore(%run_scoped3A : memref<!tpu.dma_semaphore, #tpu.memory_space<semaphore_mem>>) src(%dma_wait3A_103 : memref<640x128xf32, #tpu.memory_space<vmem_shared>>) dst(%dma_wait3A_101 : memref<640x128xf32, #tpu.memory_space<hbm>>)
      tpu.yield
    }) : () -> ()
    return
  }
}

#map = affine_map<(d0, d1) -> (0, 0)>
#map1 = affine_map<(d0, d1) -> (0)>
#map2 = affine_map<(d0, d1) -> (0, 0, 0)>
module attributes {stable_mosaic.version = 14 : i64} {
  func.func @k(%arg0: i32, %arg1: i32, %arg2: memref<10000x128xf32, #tpu.memory_space<hbm>>, %arg3: memref<327680xi32, #tpu.memory_space<hbm>>, %arg4: memref<327680xi32, #tpu.memory_space<hbm>>, %arg5: memref<640x128xf32, #tpu.memory_space<hbm>>, %arg6: memref<2x10240x128xf32, #tpu.memory_space<hbm>>, %arg7: memref<80xi32, #tpu.memory_space<vmem>>, %arg8: memref<80xi32, #tpu.memory_space<vmem>>, %arg9: memref<80xi32, #tpu.memory_space<vmem>>, %arg10: memref<80xi32, #tpu.memory_space<vmem>>, %arg11: memref<80xi32, #tpu.memory_space<vmem>>, %arg12: memref<80xi32, #tpu.memory_space<vmem>>, %arg13: memref<80xi32, #tpu.memory_space<vmem>>, %arg14: memref<80xi32, #tpu.memory_space<vmem>>, %arg15: memref<80x128xf32, #tpu.memory_space<vmem>>, %arg16: memref<80x128xf32, #tpu.memory_space<vmem>>, %arg17: memref<80x128xf32, #tpu.memory_space<vmem>>, %arg18: memref<80x128xf32, #tpu.memory_space<vmem>>, %arg19: memref<10240x128xf32, #tpu.memory_space<vmem_shared>>, %arg20: memref<4x!tpu.dma_semaphore, #tpu.memory_space<semaphore_mem>>, %arg21: memref<4x!tpu.dma_semaphore, #tpu.memory_space<semaphore_mem>>, %arg22: memref<4x!tpu.dma_semaphore, #tpu.memory_space<semaphore_mem>>) attributes {dimension_semantics = [#tpu.dimension_semantics<core_parallel>, #tpu.dimension_semantics<subcore_parallel>], iteration_bounds = array<i64: 2, 16>, scalar_prefetch = 0 : i64, scratch_operands = 16 : i64, tpu.core_type = #tpu.core_type<sc_vector_subcore>, window_params = [{transform_indices = #map}, {transform_indices = #map1}, {transform_indices = #map1}, {transform_indices = #map}, {transform_indices = #map2}]} {
    %mul3A = arith.constant 16 : i32
    %mul3A_0 = arith.muli %arg0, %mul3A : i32
    %add3A = arith.addi %mul3A_0, %arg1 : i32
    %mul3A_1 = arith.constant 640 : i32
    %mul3A_2 = arith.muli %arg1, %mul3A_1 : i32
    %mul3A_3 = arith.constant 10240 : i32
    %mul3A_4 = arith.muli %add3A, %mul3A_3 : i32
    %add3A_5 = arith.constant 0 : i32
    %add3A_6 = arith.addi %mul3A_4, %add3A_5 : i32
    %multiple_of3A = tpu.assume_multiple %add3A_6, 8 : i32
    %dma_start3A = arith.constant 0 : i32
    %dma_start3A_7 = tpu.memref_slice %arg3[%multiple_of3A] : memref<327680xi32, #tpu.memory_space<hbm>> -> memref<80xi32, #tpu.memory_space<hbm>>
    %dma_start3A_8 = tpu.memref_slice %arg20[%dma_start3A] : memref<4x!tpu.dma_semaphore, #tpu.memory_space<semaphore_mem>> -> memref<1x!tpu.dma_semaphore, #tpu.memory_space<semaphore_mem>>
    %dma_start3A_9 = tpu.memref_squeeze %dma_start3A_8 : memref<1x!tpu.dma_semaphore, #tpu.memory_space<semaphore_mem>> -> memref<!tpu.dma_semaphore, #tpu.memory_space<semaphore_mem>>
    %dma_start3A_10 = tpu.memref_slice %arg3[%multiple_of3A] : memref<327680xi32, #tpu.memory_space<hbm>> -> memref<80xi32, #tpu.memory_space<hbm>>
    tpu.enqueue_dma source(%dma_start3A_10 : memref<80xi32, #tpu.memory_space<hbm>>) target(%arg7 : memref<80xi32, #tpu.memory_space<vmem>>) target_semaphore(%dma_start3A_9 : memref<!tpu.dma_semaphore, #tpu.memory_space<semaphore_mem>>)
    %dma_start3A_11 = arith.constant 0 : i32
    %dma_start3A_12 = tpu.memref_slice %arg4[%multiple_of3A] : memref<327680xi32, #tpu.memory_space<hbm>> -> memref<80xi32, #tpu.memory_space<hbm>>
    %dma_start3A_13 = tpu.memref_slice %arg21[%dma_start3A_11] : memref<4x!tpu.dma_semaphore, #tpu.memory_space<semaphore_mem>> -> memref<1x!tpu.dma_semaphore, #tpu.memory_space<semaphore_mem>>
    %dma_start3A_14 = tpu.memref_squeeze %dma_start3A_13 : memref<1x!tpu.dma_semaphore, #tpu.memory_space<semaphore_mem>> -> memref<!tpu.dma_semaphore, #tpu.memory_space<semaphore_mem>>
    %dma_start3A_15 = tpu.memref_slice %arg4[%multiple_of3A] : memref<327680xi32, #tpu.memory_space<hbm>> -> memref<80xi32, #tpu.memory_space<hbm>>
    tpu.enqueue_dma source(%dma_start3A_15 : memref<80xi32, #tpu.memory_space<hbm>>) target(%arg11 : memref<80xi32, #tpu.memory_space<vmem>>) target_semaphore(%dma_start3A_14 : memref<!tpu.dma_semaphore, #tpu.memory_space<semaphore_mem>>)
    %add3A_16 = arith.constant 80 : i32
    %add3A_17 = arith.addi %mul3A_4, %add3A_16 : i32
    %multiple_of3A_18 = tpu.assume_multiple %add3A_17, 8 : i32
    %dma_start3A_19 = arith.constant 1 : i32
    %dma_start3A_20 = tpu.memref_slice %arg3[%multiple_of3A_18] : memref<327680xi32, #tpu.memory_space<hbm>> -> memref<80xi32, #tpu.memory_space<hbm>>
    %dma_start3A_21 = tpu.memref_slice %arg20[%dma_start3A_19] : memref<4x!tpu.dma_semaphore, #tpu.memory_space<semaphore_mem>> -> memref<1x!tpu.dma_semaphore, #tpu.memory_space<semaphore_mem>>
    %dma_start3A_22 = tpu.memref_squeeze %dma_start3A_21 : memref<1x!tpu.dma_semaphore, #tpu.memory_space<semaphore_mem>> -> memref<!tpu.dma_semaphore, #tpu.memory_space<semaphore_mem>>
    %dma_start3A_23 = tpu.memref_slice %arg3[%multiple_of3A_18] : memref<327680xi32, #tpu.memory_space<hbm>> -> memref<80xi32, #tpu.memory_space<hbm>>
    tpu.enqueue_dma source(%dma_start3A_23 : memref<80xi32, #tpu.memory_space<hbm>>) target(%arg8 : memref<80xi32, #tpu.memory_space<vmem>>) target_semaphore(%dma_start3A_22 : memref<!tpu.dma_semaphore, #tpu.memory_space<semaphore_mem>>)
    %dma_start3A_24 = arith.constant 1 : i32
    %dma_start3A_25 = tpu.memref_slice %arg4[%multiple_of3A_18] : memref<327680xi32, #tpu.memory_space<hbm>> -> memref<80xi32, #tpu.memory_space<hbm>>
    %dma_start3A_26 = tpu.memref_slice %arg21[%dma_start3A_24] : memref<4x!tpu.dma_semaphore, #tpu.memory_space<semaphore_mem>> -> memref<1x!tpu.dma_semaphore, #tpu.memory_space<semaphore_mem>>
    %dma_start3A_27 = tpu.memref_squeeze %dma_start3A_26 : memref<1x!tpu.dma_semaphore, #tpu.memory_space<semaphore_mem>> -> memref<!tpu.dma_semaphore, #tpu.memory_space<semaphore_mem>>
    %dma_start3A_28 = tpu.memref_slice %arg4[%multiple_of3A_18] : memref<327680xi32, #tpu.memory_space<hbm>> -> memref<80xi32, #tpu.memory_space<hbm>>
    tpu.enqueue_dma source(%dma_start3A_28 : memref<80xi32, #tpu.memory_space<hbm>>) target(%arg12 : memref<80xi32, #tpu.memory_space<vmem>>) target_semaphore(%dma_start3A_27 : memref<!tpu.dma_semaphore, #tpu.memory_space<semaphore_mem>>)
    %add3A_29 = arith.constant 160 : i32
    %add3A_30 = arith.addi %mul3A_4, %add3A_29 : i32
    %multiple_of3A_31 = tpu.assume_multiple %add3A_30, 8 : i32
    %dma_start3A_32 = arith.constant 2 : i32
    %dma_start3A_33 = tpu.memref_slice %arg3[%multiple_of3A_31] : memref<327680xi32, #tpu.memory_space<hbm>> -> memref<80xi32, #tpu.memory_space<hbm>>
    %dma_start3A_34 = tpu.memref_slice %arg20[%dma_start3A_32] : memref<4x!tpu.dma_semaphore, #tpu.memory_space<semaphore_mem>> -> memref<1x!tpu.dma_semaphore, #tpu.memory_space<semaphore_mem>>
    %dma_start3A_35 = tpu.memref_squeeze %dma_start3A_34 : memref<1x!tpu.dma_semaphore, #tpu.memory_space<semaphore_mem>> -> memref<!tpu.dma_semaphore, #tpu.memory_space<semaphore_mem>>
    %dma_start3A_36 = tpu.memref_slice %arg3[%multiple_of3A_31] : memref<327680xi32, #tpu.memory_space<hbm>> -> memref<80xi32, #tpu.memory_space<hbm>>
    tpu.enqueue_dma source(%dma_start3A_36 : memref<80xi32, #tpu.memory_space<hbm>>) target(%arg9 : memref<80xi32, #tpu.memory_space<vmem>>) target_semaphore(%dma_start3A_35 : memref<!tpu.dma_semaphore, #tpu.memory_space<semaphore_mem>>)
    %dma_start3A_37 = arith.constant 2 : i32
    %dma_start3A_38 = tpu.memref_slice %arg4[%multiple_of3A_31] : memref<327680xi32, #tpu.memory_space<hbm>> -> memref<80xi32, #tpu.memory_space<hbm>>
    %dma_start3A_39 = tpu.memref_slice %arg21[%dma_start3A_37] : memref<4x!tpu.dma_semaphore, #tpu.memory_space<semaphore_mem>> -> memref<1x!tpu.dma_semaphore, #tpu.memory_space<semaphore_mem>>
    %dma_start3A_40 = tpu.memref_squeeze %dma_start3A_39 : memref<1x!tpu.dma_semaphore, #tpu.memory_space<semaphore_mem>> -> memref<!tpu.dma_semaphore, #tpu.memory_space<semaphore_mem>>
    %dma_start3A_41 = tpu.memref_slice %arg4[%multiple_of3A_31] : memref<327680xi32, #tpu.memory_space<hbm>> -> memref<80xi32, #tpu.memory_space<hbm>>
    tpu.enqueue_dma source(%dma_start3A_41 : memref<80xi32, #tpu.memory_space<hbm>>) target(%arg13 : memref<80xi32, #tpu.memory_space<vmem>>) target_semaphore(%dma_start3A_40 : memref<!tpu.dma_semaphore, #tpu.memory_space<semaphore_mem>>)
    %add3A_42 = arith.constant 240 : i32
    %add3A_43 = arith.addi %mul3A_4, %add3A_42 : i32
    %multiple_of3A_44 = tpu.assume_multiple %add3A_43, 8 : i32
    %dma_start3A_45 = arith.constant 3 : i32
    %dma_start3A_46 = tpu.memref_slice %arg3[%multiple_of3A_44] : memref<327680xi32, #tpu.memory_space<hbm>> -> memref<80xi32, #tpu.memory_space<hbm>>
    %dma_start3A_47 = tpu.memref_slice %arg20[%dma_start3A_45] : memref<4x!tpu.dma_semaphore, #tpu.memory_space<semaphore_mem>> -> memref<1x!tpu.dma_semaphore, #tpu.memory_space<semaphore_mem>>
    %dma_start3A_48 = tpu.memref_squeeze %dma_start3A_47 : memref<1x!tpu.dma_semaphore, #tpu.memory_space<semaphore_mem>> -> memref<!tpu.dma_semaphore, #tpu.memory_space<semaphore_mem>>
    %dma_start3A_49 = tpu.memref_slice %arg3[%multiple_of3A_44] : memref<327680xi32, #tpu.memory_space<hbm>> -> memref<80xi32, #tpu.memory_space<hbm>>
    tpu.enqueue_dma source(%dma_start3A_49 : memref<80xi32, #tpu.memory_space<hbm>>) target(%arg10 : memref<80xi32, #tpu.memory_space<vmem>>) target_semaphore(%dma_start3A_48 : memref<!tpu.dma_semaphore, #tpu.memory_space<semaphore_mem>>)
    %dma_start3A_50 = arith.constant 3 : i32
    %dma_start3A_51 = tpu.memref_slice %arg4[%multiple_of3A_44] : memref<327680xi32, #tpu.memory_space<hbm>> -> memref<80xi32, #tpu.memory_space<hbm>>
    %dma_start3A_52 = tpu.memref_slice %arg21[%dma_start3A_50] : memref<4x!tpu.dma_semaphore, #tpu.memory_space<semaphore_mem>> -> memref<1x!tpu.dma_semaphore, #tpu.memory_space<semaphore_mem>>
    %dma_start3A_53 = tpu.memref_squeeze %dma_start3A_52 : memref<1x!tpu.dma_semaphore, #tpu.memory_space<semaphore_mem>> -> memref<!tpu.dma_semaphore, #tpu.memory_space<semaphore_mem>>
    %dma_start3A_54 = tpu.memref_slice %arg4[%multiple_of3A_44] : memref<327680xi32, #tpu.memory_space<hbm>> -> memref<80xi32, #tpu.memory_space<hbm>>
    tpu.enqueue_dma source(%dma_start3A_54 : memref<80xi32, #tpu.memory_space<hbm>>) target(%arg14 : memref<80xi32, #tpu.memory_space<vmem>>) target_semaphore(%dma_start3A_53 : memref<!tpu.dma_semaphore, #tpu.memory_space<semaphore_mem>>)
    "tpu.region"() ({
      %run_scoped3A = tpu.sem_alloc : memref<!tpu.dma_semaphore, #tpu.memory_space<semaphore_mem>>
      %dma_start3A_88 = arith.constant 0 : i32
      %dma_start3A_89 = tpu.memref_slice %arg19[%mul3A_2, %dma_start3A_88] : memref<10240x128xf32, #tpu.memory_space<vmem_shared>> -> memref<640x128xf32, #tpu.memory_space<vmem_shared>>
      tpu.enqueue_dma source(%arg5 : memref<640x128xf32, #tpu.memory_space<hbm>>) target(%dma_start3A_89 : memref<640x128xf32, #tpu.memory_space<vmem_shared>>) target_semaphore(%run_scoped3A : memref<!tpu.dma_semaphore, #tpu.memory_space<semaphore_mem>>)
      %dma_wait3A_90 = arith.constant 0 : i32
      %dma_wait3A_91 = tpu.memref_slice %arg19[%mul3A_2, %dma_wait3A_90] : memref<10240x128xf32, #tpu.memory_space<vmem_shared>> -> memref<640x128xf32, #tpu.memory_space<vmem_shared>>
      tpu.wait_dma2 semaphore(%run_scoped3A : memref<!tpu.dma_semaphore, #tpu.memory_space<semaphore_mem>>) src(%arg5 : memref<640x128xf32, #tpu.memory_space<hbm>>) dst(%dma_wait3A_91 : memref<640x128xf32, #tpu.memory_space<vmem_shared>>)
      tpu.yield
    }) : () -> ()
    %add3A_55 = arith.constant 0 : i32
    %add3A_56 = arith.addi %mul3A_4, %add3A_55 : i32
    %multiple_of3A_57 = tpu.assume_multiple %add3A_56, 8 : i32
    %dma_wait3A = arith.constant 0 : i32
    %dma_wait3A_58 = tpu.memref_slice %arg3[%multiple_of3A_57] : memref<327680xi32, #tpu.memory_space<hbm>> -> memref<80xi32, #tpu.memory_space<hbm>>
    %dma_wait3A_59 = tpu.memref_slice %arg20[%dma_wait3A] : memref<4x!tpu.dma_semaphore, #tpu.memory_space<semaphore_mem>> -> memref<1x!tpu.dma_semaphore, #tpu.memory_space<semaphore_mem>>
    %dma_wait3A_60 = tpu.memref_squeeze %dma_wait3A_59 : memref<1x!tpu.dma_semaphore, #tpu.memory_space<semaphore_mem>> -> memref<!tpu.dma_semaphore, #tpu.memory_space<semaphore_mem>>
    %dma_wait3A_61 = tpu.memref_slice %arg3[%multiple_of3A_57] : memref<327680xi32, #tpu.memory_space<hbm>> -> memref<80xi32, #tpu.memory_space<hbm>>
    tpu.wait_dma2 semaphore(%dma_wait3A_60 : memref<!tpu.dma_semaphore, #tpu.memory_space<semaphore_mem>>) src(%dma_wait3A_61 : memref<80xi32, #tpu.memory_space<hbm>>) dst(%arg7 : memref<80xi32, #tpu.memory_space<vmem>>)
    %dma_start3A_62 = arith.constant 0 : i32
    %dma_start3A_63 = arith.constant 0 : i32
    %dma_start3A_64 = arith.constant 0 : i32
    %dma_start3A_65 = tpu.memref_slice %arg2[%dma_start3A_63, %dma_start3A_64] : memref<10000x128xf32, #tpu.memory_space<hbm>> -> memref<10000x128xf32, #tpu.memory_space<hbm>>
    %dma_start3A_66 = tpu.memref_slice %arg22[%dma_start3A_62] : memref<4x!tpu.dma_semaphore, #tpu.memory_space<semaphore_mem>> -> memref<1x!tpu.dma_semaphore, #tpu.memory_space<semaphore_mem>>
    %dma_start3A_67 = tpu.memref_squeeze %dma_start3A_66 : memref<1x!tpu.dma_semaphore, #tpu.memory_space<semaphore_mem>> -> memref<!tpu.dma_semaphore, #tpu.memory_space<semaphore_mem>>
    tpu.enqueue_indirect_dma source(%dma_start3A_65 : memref<10000x128xf32, #tpu.memory_space<hbm>>) target(%arg15 : memref<80x128xf32, #tpu.memory_space<vmem>>) offsets(%arg7 : memref<80xi32, #tpu.memory_space<vmem>>) semaphore(%dma_start3A_67 : memref<!tpu.dma_semaphore, #tpu.memory_space<semaphore_mem>>)
    %add3A_68 = arith.constant 80 : i32
    %add3A_69 = arith.addi %mul3A_4, %add3A_68 : i32
    %multiple_of3A_70 = tpu.assume_multiple %add3A_69, 8 : i32
    %dma_wait3A_71 = arith.constant 1 : i32
    %dma_wait3A_72 = tpu.memref_slice %arg3[%multiple_of3A_70] : memref<327680xi32, #tpu.memory_space<hbm>> -> memref<80xi32, #tpu.memory_space<hbm>>
    %dma_wait3A_73 = tpu.memref_slice %arg20[%dma_wait3A_71] : memref<4x!tpu.dma_semaphore, #tpu.memory_space<semaphore_mem>> -> memref<1x!tpu.dma_semaphore, #tpu.memory_space<semaphore_mem>>
    %dma_wait3A_74 = tpu.memref_squeeze %dma_wait3A_73 : memref<1x!tpu.dma_semaphore, #tpu.memory_space<semaphore_mem>> -> memref<!tpu.dma_semaphore, #tpu.memory_space<semaphore_mem>>
    %dma_wait3A_75 = tpu.memref_slice %arg3[%multiple_of3A_70] : memref<327680xi32, #tpu.memory_space<hbm>> -> memref<80xi32, #tpu.memory_space<hbm>>
    tpu.wait_dma2 semaphore(%dma_wait3A_74 : memref<!tpu.dma_semaphore, #tpu.memory_space<semaphore_mem>>) src(%dma_wait3A_75 : memref<80xi32, #tpu.memory_space<hbm>>) dst(%arg8 : memref<80xi32, #tpu.memory_space<vmem>>)
    %dma_start3A_76 = arith.constant 1 : i32
    %dma_start3A_77 = arith.constant 0 : i32
    %dma_start3A_78 = arith.constant 0 : i32
    %dma_start3A_79 = tpu.memref_slice %arg2[%dma_start3A_77, %dma_start3A_78] : memref<10000x128xf32, #tpu.memory_space<hbm>> -> memref<10000x128xf32, #tpu.memory_space<hbm>>
    %dma_start3A_80 = tpu.memref_slice %arg22[%dma_start3A_76] : memref<4x!tpu.dma_semaphore, #tpu.memory_space<semaphore_mem>> -> memref<1x!tpu.dma_semaphore, #tpu.memory_space<semaphore_mem>>
    %dma_start3A_81 = tpu.memref_squeeze %dma_start3A_80 : memref<1x!tpu.dma_semaphore, #tpu.memory_space<semaphore_mem>> -> memref<!tpu.dma_semaphore, #tpu.memory_space<semaphore_mem>>
    tpu.enqueue_indirect_dma source(%dma_start3A_79 : memref<10000x128xf32, #tpu.memory_space<hbm>>) target(%arg16 : memref<80x128xf32, #tpu.memory_space<vmem>>) offsets(%arg8 : memref<80xi32, #tpu.memory_space<vmem>>) semaphore(%dma_start3A_81 : memref<!tpu.dma_semaphore, #tpu.memory_space<semaphore_mem>>)
    %barrier3A = arith.constant 0 : index
    tpu.barrier barrier_id(%barrier3A)
    %scan3A = arith.constant 0 : i32
    %scan3A_82 = arith.constant 0 : i32
    %scan3A_83 = arith.constant 32 : i32
    %scan3A_84 = arith.addi %scan3A_82, %scan3A_83 : i32
    %scan3A_85 = arith.constant 1 : i32
    scf.for %scan3A_88 = %scan3A_82 to %scan3A_84 step %scan3A_85  : i32 {
      %mul3A_89 = arith.constant 4 : i32
      %mul3A_90 = arith.muli %scan3A_88, %mul3A_89 : i32
      %add3A_91 = arith.constant 0 : i32
      %add3A_92 = arith.addi %mul3A_90, %add3A_91 : i32
      %add3A_93 = arith.constant 2 : i32
      %add3A_94 = arith.addi %add3A_92, %add3A_93 : i32
      %lt3A = arith.constant 128 : i32
      %lt3A_95 = arith.cmpi slt, %add3A_94, %lt3A : i32
      %convert_element_type3A = arith.extui %lt3A_95 : i1 to i32
      %cond3A = arith.constant 0 : i32
      %cond3A_96 = arith.cmpi ne, %convert_element_type3A, %cond3A : i32
      scf.if %cond3A_96 {
        %add3A_218 = arith.constant 2 : i32
        %add3A_219 = arith.addi %add3A_92, %add3A_218 : i32
        %mul3A_220 = arith.constant 80 : i32
        %mul3A_221 = arith.muli %add3A_219, %mul3A_220 : i32
        %add3A_222 = arith.addi %mul3A_4, %mul3A_221 : i32
        %multiple_of3A_223 = tpu.assume_multiple %add3A_222, 8 : i32
        %dma_wait3A_224 = arith.constant 2 : i32
        %dma_wait3A_225 = tpu.memref_slice %arg3[%multiple_of3A_223] : memref<327680xi32, #tpu.memory_space<hbm>> -> memref<80xi32, #tpu.memory_space<hbm>>
        %dma_wait3A_226 = tpu.memref_slice %arg20[%dma_wait3A_224] : memref<4x!tpu.dma_semaphore, #tpu.memory_space<semaphore_mem>> -> memref<1x!tpu.dma_semaphore, #tpu.memory_space<semaphore_mem>>
        %dma_wait3A_227 = tpu.memref_squeeze %dma_wait3A_226 : memref<1x!tpu.dma_semaphore, #tpu.memory_space<semaphore_mem>> -> memref<!tpu.dma_semaphore, #tpu.memory_space<semaphore_mem>>
        %dma_wait3A_228 = tpu.memref_slice %arg3[%multiple_of3A_223] : memref<327680xi32, #tpu.memory_space<hbm>> -> memref<80xi32, #tpu.memory_space<hbm>>
        tpu.wait_dma2 semaphore(%dma_wait3A_227 : memref<!tpu.dma_semaphore, #tpu.memory_space<semaphore_mem>>) src(%dma_wait3A_228 : memref<80xi32, #tpu.memory_space<hbm>>) dst(%arg9 : memref<80xi32, #tpu.memory_space<vmem>>)
        %dma_start3A_229 = arith.constant 2 : i32
        %dma_start3A_230 = arith.constant 0 : i32
        %dma_start3A_231 = arith.constant 0 : i32
        %dma_start3A_232 = tpu.memref_slice %arg2[%dma_start3A_230, %dma_start3A_231] : memref<10000x128xf32, #tpu.memory_space<hbm>> -> memref<10000x128xf32, #tpu.memory_space<hbm>>
        %dma_start3A_233 = tpu.memref_slice %arg22[%dma_start3A_229] : memref<4x!tpu.dma_semaphore, #tpu.memory_space<semaphore_mem>> -> memref<1x!tpu.dma_semaphore, #tpu.memory_space<semaphore_mem>>
        %dma_start3A_234 = tpu.memref_squeeze %dma_start3A_233 : memref<1x!tpu.dma_semaphore, #tpu.memory_space<semaphore_mem>> -> memref<!tpu.dma_semaphore, #tpu.memory_space<semaphore_mem>>
        tpu.enqueue_indirect_dma source(%dma_start3A_232 : memref<10000x128xf32, #tpu.memory_space<hbm>>) target(%arg17 : memref<80x128xf32, #tpu.memory_space<vmem>>) offsets(%arg9 : memref<80xi32, #tpu.memory_space<vmem>>) semaphore(%dma_start3A_234 : memref<!tpu.dma_semaphore, #tpu.memory_space<semaphore_mem>>)
      } else {
      }
      %dma_wait3A_97 = arith.constant 0 : i32
      %dma_wait3A_98 = arith.constant 0 : i32
      %dma_wait3A_99 = arith.constant 0 : i32
      %dma_wait3A_100 = tpu.memref_slice %arg2[%dma_wait3A_98, %dma_wait3A_99] : memref<10000x128xf32, #tpu.memory_space<hbm>> -> memref<10000x128xf32, #tpu.memory_space<hbm>>
      %dma_wait3A_101 = tpu.memref_slice %arg22[%dma_wait3A_97] : memref<4x!tpu.dma_semaphore, #tpu.memory_space<semaphore_mem>> -> memref<1x!tpu.dma_semaphore, #tpu.memory_space<semaphore_mem>>
      %dma_wait3A_102 = tpu.memref_squeeze %dma_wait3A_101 : memref<1x!tpu.dma_semaphore, #tpu.memory_space<semaphore_mem>> -> memref<!tpu.dma_semaphore, #tpu.memory_space<semaphore_mem>>
      tpu.wait_indirect_dma semaphore(%dma_wait3A_102 : memref<!tpu.dma_semaphore, #tpu.memory_space<semaphore_mem>>) src(%dma_wait3A_100 : memref<10000x128xf32, #tpu.memory_space<hbm>>) dst(%arg15 : memref<80x128xf32, #tpu.memory_space<vmem>>)
      %mul3A_103 = arith.constant 80 : i32
      %mul3A_104 = arith.muli %add3A_92, %mul3A_103 : i32
      %add3A_105 = arith.addi %mul3A_4, %mul3A_104 : i32
      %multiple_of3A_106 = tpu.assume_multiple %add3A_105, 8 : i32
      %dma_wait3A_107 = arith.constant 0 : i32
      %dma_wait3A_108 = tpu.memref_slice %arg4[%multiple_of3A_106] : memref<327680xi32, #tpu.memory_space<hbm>> -> memref<80xi32, #tpu.memory_space<hbm>>
      %dma_wait3A_109 = tpu.memref_slice %arg21[%dma_wait3A_107] : memref<4x!tpu.dma_semaphore, #tpu.memory_space<semaphore_mem>> -> memref<1x!tpu.dma_semaphore, #tpu.memory_space<semaphore_mem>>
      %dma_wait3A_110 = tpu.memref_squeeze %dma_wait3A_109 : memref<1x!tpu.dma_semaphore, #tpu.memory_space<semaphore_mem>> -> memref<!tpu.dma_semaphore, #tpu.memory_space<semaphore_mem>>
      %dma_wait3A_111 = tpu.memref_slice %arg4[%multiple_of3A_106] : memref<327680xi32, #tpu.memory_space<hbm>> -> memref<80xi32, #tpu.memory_space<hbm>>
      tpu.wait_dma2 semaphore(%dma_wait3A_110 : memref<!tpu.dma_semaphore, #tpu.memory_space<semaphore_mem>>) src(%dma_wait3A_111 : memref<80xi32, #tpu.memory_space<hbm>>) dst(%arg11 : memref<80xi32, #tpu.memory_space<vmem>>)
      "tpu.region"() ({
        %run_scoped3A = tpu.sem_alloc : memref<!tpu.dma_semaphore, #tpu.memory_space<semaphore_mem>>
        %dma_start3A_218 = arith.constant 0 : i32
        %dma_start3A_219 = arith.constant 0 : i32
        %dma_start3A_220 = tpu.memref_slice %arg19[%dma_start3A_218, %dma_start3A_219] : memref<10240x128xf32, #tpu.memory_space<vmem_shared>> -> memref<10240x128xf32, #tpu.memory_space<vmem_shared>>
        tpu.enqueue_indirect_dma source(%arg15 : memref<80x128xf32, #tpu.memory_space<vmem>>) target(%dma_start3A_220 : memref<10240x128xf32, #tpu.memory_space<vmem_shared>>) offsets(%arg11 : memref<80xi32, #tpu.memory_space<vmem>>) semaphore(%run_scoped3A : memref<!tpu.dma_semaphore, #tpu.memory_space<semaphore_mem>>) {add = true}
        %dma_wait3A_221 = arith.constant 0 : i32
        %dma_wait3A_222 = arith.constant 0 : i32
        %dma_wait3A_223 = tpu.memref_slice %arg19[%dma_wait3A_221, %dma_wait3A_222] : memref<10240x128xf32, #tpu.memory_space<vmem_shared>> -> memref<10240x128xf32, #tpu.memory_space<vmem_shared>>
        tpu.wait_indirect_dma semaphore(%run_scoped3A : memref<!tpu.dma_semaphore, #tpu.memory_space<semaphore_mem>>) src(%arg15 : memref<80x128xf32, #tpu.memory_space<vmem>>) dst(%dma_wait3A_223 : memref<10240x128xf32, #tpu.memory_space<vmem_shared>>)
        tpu.yield
      }) : () -> ()
      %add3A_112 = arith.constant 4 : i32
      %add3A_113 = arith.addi %add3A_92, %add3A_112 : i32
      %lt3A_114 = arith.constant 128 : i32
      %lt3A_115 = arith.cmpi slt, %add3A_113, %lt3A_114 : i32
      %convert_element_type3A_116 = arith.extui %lt3A_115 : i1 to i32
      %cond3A_117 = arith.constant 0 : i32
      %cond3A_118 = arith.cmpi ne, %convert_element_type3A_116, %cond3A_117 : i32
      scf.if %cond3A_118 {
        %add3A_218 = arith.constant 4 : i32
        %add3A_219 = arith.addi %add3A_92, %add3A_218 : i32
        %mul3A_220 = arith.constant 80 : i32
        %mul3A_221 = arith.muli %add3A_219, %mul3A_220 : i32
        %add3A_222 = arith.addi %mul3A_4, %mul3A_221 : i32
        %multiple_of3A_223 = tpu.assume_multiple %add3A_222, 8 : i32
        %dma_start3A_224 = arith.constant 0 : i32
        %dma_start3A_225 = tpu.memref_slice %arg3[%multiple_of3A_223] : memref<327680xi32, #tpu.memory_space<hbm>> -> memref<80xi32, #tpu.memory_space<hbm>>
        %dma_start3A_226 = tpu.memref_slice %arg20[%dma_start3A_224] : memref<4x!tpu.dma_semaphore, #tpu.memory_space<semaphore_mem>> -> memref<1x!tpu.dma_semaphore, #tpu.memory_space<semaphore_mem>>
        %dma_start3A_227 = tpu.memref_squeeze %dma_start3A_226 : memref<1x!tpu.dma_semaphore, #tpu.memory_space<semaphore_mem>> -> memref<!tpu.dma_semaphore, #tpu.memory_space<semaphore_mem>>
        %dma_start3A_228 = tpu.memref_slice %arg3[%multiple_of3A_223] : memref<327680xi32, #tpu.memory_space<hbm>> -> memref<80xi32, #tpu.memory_space<hbm>>
        tpu.enqueue_dma source(%dma_start3A_228 : memref<80xi32, #tpu.memory_space<hbm>>) target(%arg7 : memref<80xi32, #tpu.memory_space<vmem>>) target_semaphore(%dma_start3A_227 : memref<!tpu.dma_semaphore, #tpu.memory_space<semaphore_mem>>)
        %dma_start3A_229 = arith.constant 0 : i32
        %dma_start3A_230 = tpu.memref_slice %arg4[%multiple_of3A_223] : memref<327680xi32, #tpu.memory_space<hbm>> -> memref<80xi32, #tpu.memory_space<hbm>>
        %dma_start3A_231 = tpu.memref_slice %arg21[%dma_start3A_229] : memref<4x!tpu.dma_semaphore, #tpu.memory_space<semaphore_mem>> -> memref<1x!tpu.dma_semaphore, #tpu.memory_space<semaphore_mem>>
        %dma_start3A_232 = tpu.memref_squeeze %dma_start3A_231 : memref<1x!tpu.dma_semaphore, #tpu.memory_space<semaphore_mem>> -> memref<!tpu.dma_semaphore, #tpu.memory_space<semaphore_mem>>
        %dma_start3A_233 = tpu.memref_slice %arg4[%multiple_of3A_223] : memref<327680xi32, #tpu.memory_space<hbm>> -> memref<80xi32, #tpu.memory_space<hbm>>
        tpu.enqueue_dma source(%dma_start3A_233 : memref<80xi32, #tpu.memory_space<hbm>>) target(%arg11 : memref<80xi32, #tpu.memory_space<vmem>>) target_semaphore(%dma_start3A_232 : memref<!tpu.dma_semaphore, #tpu.memory_space<semaphore_mem>>)
      } else {
      }
      %mul3A_119 = arith.constant 4 : i32
      %mul3A_120 = arith.muli %scan3A_88, %mul3A_119 : i32
      %add3A_121 = arith.constant 1 : i32
      %add3A_122 = arith.addi %mul3A_120, %add3A_121 : i32
      %add3A_123 = arith.constant 2 : i32
      %add3A_124 = arith.addi %add3A_122, %add3A_123 : i32
      %lt3A_125 = arith.constant 128 : i32
      %lt3A_126 = arith.cmpi slt, %add3A_124, %lt3A_125 : i32
      %convert_element_type3A_127 = arith.extui %lt3A_126 : i1 to i32
      %cond3A_128 = arith.constant 0 : i32
      %cond3A_129 = arith.cmpi ne, %convert_element_type3A_127, %cond3A_128 : i32
      scf.if %cond3A_129 {
        %add3A_218 = arith.constant 2 : i32
        %add3A_219 = arith.addi %add3A_122, %add3A_218 : i32
        %mul3A_220 = arith.constant 80 : i32
        %mul3A_221 = arith.muli %add3A_219, %mul3A_220 : i32
        %add3A_222 = arith.addi %mul3A_4, %mul3A_221 : i32
        %multiple_of3A_223 = tpu.assume_multiple %add3A_222, 8 : i32
        %dma_wait3A_224 = arith.constant 3 : i32
        %dma_wait3A_225 = tpu.memref_slice %arg3[%multiple_of3A_223] : memref<327680xi32, #tpu.memory_space<hbm>> -> memref<80xi32, #tpu.memory_space<hbm>>
        %dma_wait3A_226 = tpu.memref_slice %arg20[%dma_wait3A_224] : memref<4x!tpu.dma_semaphore, #tpu.memory_space<semaphore_mem>> -> memref<1x!tpu.dma_semaphore, #tpu.memory_space<semaphore_mem>>
        %dma_wait3A_227 = tpu.memref_squeeze %dma_wait3A_226 : memref<1x!tpu.dma_semaphore, #tpu.memory_space<semaphore_mem>> -> memref<!tpu.dma_semaphore, #tpu.memory_space<semaphore_mem>>
        %dma_wait3A_228 = tpu.memref_slice %arg3[%multiple_of3A_223] : memref<327680xi32, #tpu.memory_space<hbm>> -> memref<80xi32, #tpu.memory_space<hbm>>
        tpu.wait_dma2 semaphore(%dma_wait3A_227 : memref<!tpu.dma_semaphore, #tpu.memory_space<semaphore_mem>>) src(%dma_wait3A_228 : memref<80xi32, #tpu.memory_space<hbm>>) dst(%arg10 : memref<80xi32, #tpu.memory_space<vmem>>)
        %dma_start3A_229 = arith.constant 3 : i32
        %dma_start3A_230 = arith.constant 0 : i32
        %dma_start3A_231 = arith.constant 0 : i32
        %dma_start3A_232 = tpu.memref_slice %arg2[%dma_start3A_230, %dma_start3A_231] : memref<10000x128xf32, #tpu.memory_space<hbm>> -> memref<10000x128xf32, #tpu.memory_space<hbm>>
        %dma_start3A_233 = tpu.memref_slice %arg22[%dma_start3A_229] : memref<4x!tpu.dma_semaphore, #tpu.memory_space<semaphore_mem>> -> memref<1x!tpu.dma_semaphore, #tpu.memory_space<semaphore_mem>>
        %dma_start3A_234 = tpu.memref_squeeze %dma_start3A_233 : memref<1x!tpu.dma_semaphore, #tpu.memory_space<semaphore_mem>> -> memref<!tpu.dma_semaphore, #tpu.memory_space<semaphore_mem>>
        tpu.enqueue_indirect_dma source(%dma_start3A_232 : memref<10000x128xf32, #tpu.memory_space<hbm>>) target(%arg18 : memref<80x128xf32, #tpu.memory_space<vmem>>) offsets(%arg10 : memref<80xi32, #tpu.memory_space<vmem>>) semaphore(%dma_start3A_234 : memref<!tpu.dma_semaphore, #tpu.memory_space<semaphore_mem>>)
      } else {
      }
      %dma_wait3A_130 = arith.constant 1 : i32
      %dma_wait3A_131 = arith.constant 0 : i32
      %dma_wait3A_132 = arith.constant 0 : i32
      %dma_wait3A_133 = tpu.memref_slice %arg2[%dma_wait3A_131, %dma_wait3A_132] : memref<10000x128xf32, #tpu.memory_space<hbm>> -> memref<10000x128xf32, #tpu.memory_space<hbm>>
      %dma_wait3A_134 = tpu.memref_slice %arg22[%dma_wait3A_130] : memref<4x!tpu.dma_semaphore, #tpu.memory_space<semaphore_mem>> -> memref<1x!tpu.dma_semaphore, #tpu.memory_space<semaphore_mem>>
      %dma_wait3A_135 = tpu.memref_squeeze %dma_wait3A_134 : memref<1x!tpu.dma_semaphore, #tpu.memory_space<semaphore_mem>> -> memref<!tpu.dma_semaphore, #tpu.memory_space<semaphore_mem>>
      tpu.wait_indirect_dma semaphore(%dma_wait3A_135 : memref<!tpu.dma_semaphore, #tpu.memory_space<semaphore_mem>>) src(%dma_wait3A_133 : memref<10000x128xf32, #tpu.memory_space<hbm>>) dst(%arg16 : memref<80x128xf32, #tpu.memory_space<vmem>>)
      %mul3A_136 = arith.constant 80 : i32
      %mul3A_137 = arith.muli %add3A_122, %mul3A_136 : i32
      %add3A_138 = arith.addi %mul3A_4, %mul3A_137 : i32
      %multiple_of3A_139 = tpu.assume_multiple %add3A_138, 8 : i32
      %dma_wait3A_140 = arith.constant 1 : i32
      %dma_wait3A_141 = tpu.memref_slice %arg4[%multiple_of3A_139] : memref<327680xi32, #tpu.memory_space<hbm>> -> memref<80xi32, #tpu.memory_space<hbm>>
      %dma_wait3A_142 = tpu.memref_slice %arg21[%dma_wait3A_140] : memref<4x!tpu.dma_semaphore, #tpu.memory_space<semaphore_mem>> -> memref<1x!tpu.dma_semaphore, #tpu.memory_space<semaphore_mem>>
      %dma_wait3A_143 = tpu.memref_squeeze %dma_wait3A_142 : memref<1x!tpu.dma_semaphore, #tpu.memory_space<semaphore_mem>> -> memref<!tpu.dma_semaphore, #tpu.memory_space<semaphore_mem>>
      %dma_wait3A_144 = tpu.memref_slice %arg4[%multiple_of3A_139] : memref<327680xi32, #tpu.memory_space<hbm>> -> memref<80xi32, #tpu.memory_space<hbm>>
      tpu.wait_dma2 semaphore(%dma_wait3A_143 : memref<!tpu.dma_semaphore, #tpu.memory_space<semaphore_mem>>) src(%dma_wait3A_144 : memref<80xi32, #tpu.memory_space<hbm>>) dst(%arg12 : memref<80xi32, #tpu.memory_space<vmem>>)
      "tpu.region"() ({
        %run_scoped3A = tpu.sem_alloc : memref<!tpu.dma_semaphore, #tpu.memory_space<semaphore_mem>>
        %dma_start3A_218 = arith.constant 0 : i32
        %dma_start3A_219 = arith.constant 0 : i32
        %dma_start3A_220 = tpu.memref_slice %arg19[%dma_start3A_218, %dma_start3A_219] : memref<10240x128xf32, #tpu.memory_space<vmem_shared>> -> memref<10240x128xf32, #tpu.memory_space<vmem_shared>>
        tpu.enqueue_indirect_dma source(%arg16 : memref<80x128xf32, #tpu.memory_space<vmem>>) target(%dma_start3A_220 : memref<10240x128xf32, #tpu.memory_space<vmem_shared>>) offsets(%arg12 : memref<80xi32, #tpu.memory_space<vmem>>) semaphore(%run_scoped3A : memref<!tpu.dma_semaphore, #tpu.memory_space<semaphore_mem>>) {add = true}
        %dma_wait3A_221 = arith.constant 0 : i32
        %dma_wait3A_222 = arith.constant 0 : i32
        %dma_wait3A_223 = tpu.memref_slice %arg19[%dma_wait3A_221, %dma_wait3A_222] : memref<10240x128xf32, #tpu.memory_space<vmem_shared>> -> memref<10240x128xf32, #tpu.memory_space<vmem_shared>>
        tpu.wait_indirect_dma semaphore(%run_scoped3A : memref<!tpu.dma_semaphore, #tpu.memory_space<semaphore_mem>>) src(%arg16 : memref<80x128xf32, #tpu.memory_space<vmem>>) dst(%dma_wait3A_223 : memref<10240x128xf32, #tpu.memory_space<vmem_shared>>)
        tpu.yield
      }) : () -> ()
      %add3A_145 = arith.constant 4 : i32
      %add3A_146 = arith.addi %add3A_122, %add3A_145 : i32
      %lt3A_147 = arith.constant 128 : i32
      %lt3A_148 = arith.cmpi slt, %add3A_146, %lt3A_147 : i32
      %convert_element_type3A_149 = arith.extui %lt3A_148 : i1 to i32
      %cond3A_150 = arith.constant 0 : i32
      %cond3A_151 = arith.cmpi ne, %convert_element_type3A_149, %cond3A_150 : i32
      scf.if %cond3A_151 {
        %add3A_218 = arith.constant 4 : i32
        %add3A_219 = arith.addi %add3A_122, %add3A_218 : i32
        %mul3A_220 = arith.constant 80 : i32
        %mul3A_221 = arith.muli %add3A_219, %mul3A_220 : i32
        %add3A_222 = arith.addi %mul3A_4, %mul3A_221 : i32
        %multiple_of3A_223 = tpu.assume_multiple %add3A_222, 8 : i32
        %dma_start3A_224 = arith.constant 1 : i32
        %dma_start3A_225 = tpu.memref_slice %arg3[%multiple_of3A_223] : memref<327680xi32, #tpu.memory_space<hbm>> -> memref<80xi32, #tpu.memory_space<hbm>>
        %dma_start3A_226 = tpu.memref_slice %arg20[%dma_start3A_224] : memref<4x!tpu.dma_semaphore, #tpu.memory_space<semaphore_mem>> -> memref<1x!tpu.dma_semaphore, #tpu.memory_space<semaphore_mem>>
        %dma_start3A_227 = tpu.memref_squeeze %dma_start3A_226 : memref<1x!tpu.dma_semaphore, #tpu.memory_space<semaphore_mem>> -> memref<!tpu.dma_semaphore, #tpu.memory_space<semaphore_mem>>
        %dma_start3A_228 = tpu.memref_slice %arg3[%multiple_of3A_223] : memref<327680xi32, #tpu.memory_space<hbm>> -> memref<80xi32, #tpu.memory_space<hbm>>
        tpu.enqueue_dma source(%dma_start3A_228 : memref<80xi32, #tpu.memory_space<hbm>>) target(%arg8 : memref<80xi32, #tpu.memory_space<vmem>>) target_semaphore(%dma_start3A_227 : memref<!tpu.dma_semaphore, #tpu.memory_space<semaphore_mem>>)
        %dma_start3A_229 = arith.constant 1 : i32
        %dma_start3A_230 = tpu.memref_slice %arg4[%multiple_of3A_223] : memref<327680xi32, #tpu.memory_space<hbm>> -> memref<80xi32, #tpu.memory_space<hbm>>
        %dma_start3A_231 = tpu.memref_slice %arg21[%dma_start3A_229] : memref<4x!tpu.dma_semaphore, #tpu.memory_space<semaphore_mem>> -> memref<1x!tpu.dma_semaphore, #tpu.memory_space<semaphore_mem>>
        %dma_start3A_232 = tpu.memref_squeeze %dma_start3A_231 : memref<1x!tpu.dma_semaphore, #tpu.memory_space<semaphore_mem>> -> memref<!tpu.dma_semaphore, #tpu.memory_space<semaphore_mem>>
        %dma_start3A_233 = tpu.memref_slice %arg4[%multiple_of3A_223] : memref<327680xi32, #tpu.memory_space<hbm>> -> memref<80xi32, #tpu.memory_space<hbm>>
        tpu.enqueue_dma source(%dma_start3A_233 : memref<80xi32, #tpu.memory_space<hbm>>) target(%arg12 : memref<80xi32, #tpu.memory_space<vmem>>) target_semaphore(%dma_start3A_232 : memref<!tpu.dma_semaphore, #tpu.memory_space<semaphore_mem>>)
      } else {
      }
      %mul3A_152 = arith.constant 4 : i32
      %mul3A_153 = arith.muli %scan3A_88, %mul3A_152 : i32
      %add3A_154 = arith.constant 2 : i32
      %add3A_155 = arith.addi %mul3A_153, %add3A_154 : i32
      %add3A_156 = arith.constant 2 : i32
      %add3A_157 = arith.addi %add3A_155, %add3A_156 : i32
      %lt3A_158 = arith.constant 128 : i32
      %lt3A_159 = arith.cmpi slt, %add3A_157, %lt3A_158 : i32
      %convert_element_type3A_160 = arith.extui %lt3A_159 : i1 to i32
      %cond3A_161 = arith.constant 0 : i32
      %cond3A_162 = arith.cmpi ne, %convert_element_type3A_160, %cond3A_161 : i32
      scf.if %cond3A_162 {
        %add3A_218 = arith.constant 2 : i32
        %add3A_219 = arith.addi %add3A_155, %add3A_218 : i32
        %mul3A_220 = arith.constant 80 : i32
        %mul3A_221 = arith.muli %add3A_219, %mul3A_220 : i32
        %add3A_222 = arith.addi %mul3A_4, %mul3A_221 : i32
        %multiple_of3A_223 = tpu.assume_multiple %add3A_222, 8 : i32
        %dma_wait3A_224 = arith.constant 0 : i32
        %dma_wait3A_225 = tpu.memref_slice %arg3[%multiple_of3A_223] : memref<327680xi32, #tpu.memory_space<hbm>> -> memref<80xi32, #tpu.memory_space<hbm>>
        %dma_wait3A_226 = tpu.memref_slice %arg20[%dma_wait3A_224] : memref<4x!tpu.dma_semaphore, #tpu.memory_space<semaphore_mem>> -> memref<1x!tpu.dma_semaphore, #tpu.memory_space<semaphore_mem>>
        %dma_wait3A_227 = tpu.memref_squeeze %dma_wait3A_226 : memref<1x!tpu.dma_semaphore, #tpu.memory_space<semaphore_mem>> -> memref<!tpu.dma_semaphore, #tpu.memory_space<semaphore_mem>>
        %dma_wait3A_228 = tpu.memref_slice %arg3[%multiple_of3A_223] : memref<327680xi32, #tpu.memory_space<hbm>> -> memref<80xi32, #tpu.memory_space<hbm>>
        tpu.wait_dma2 semaphore(%dma_wait3A_227 : memref<!tpu.dma_semaphore, #tpu.memory_space<semaphore_mem>>) src(%dma_wait3A_228 : memref<80xi32, #tpu.memory_space<hbm>>) dst(%arg7 : memref<80xi32, #tpu.memory_space<vmem>>)
        %dma_start3A_229 = arith.constant 0 : i32
        %dma_start3A_230 = arith.constant 0 : i32
        %dma_start3A_231 = arith.constant 0 : i32
        %dma_start3A_232 = tpu.memref_slice %arg2[%dma_start3A_230, %dma_start3A_231] : memref<10000x128xf32, #tpu.memory_space<hbm>> -> memref<10000x128xf32, #tpu.memory_space<hbm>>
        %dma_start3A_233 = tpu.memref_slice %arg22[%dma_start3A_229] : memref<4x!tpu.dma_semaphore, #tpu.memory_space<semaphore_mem>> -> memref<1x!tpu.dma_semaphore, #tpu.memory_space<semaphore_mem>>
        %dma_start3A_234 = tpu.memref_squeeze %dma_start3A_233 : memref<1x!tpu.dma_semaphore, #tpu.memory_space<semaphore_mem>> -> memref<!tpu.dma_semaphore, #tpu.memory_space<semaphore_mem>>
        tpu.enqueue_indirect_dma source(%dma_start3A_232 : memref<10000x128xf32, #tpu.memory_space<hbm>>) target(%arg15 : memref<80x128xf32, #tpu.memory_space<vmem>>) offsets(%arg7 : memref<80xi32, #tpu.memory_space<vmem>>) semaphore(%dma_start3A_234 : memref<!tpu.dma_semaphore, #tpu.memory_space<semaphore_mem>>)
      } else {
      }
      %dma_wait3A_163 = arith.constant 2 : i32
      %dma_wait3A_164 = arith.constant 0 : i32
      %dma_wait3A_165 = arith.constant 0 : i32
      %dma_wait3A_166 = tpu.memref_slice %arg2[%dma_wait3A_164, %dma_wait3A_165] : memref<10000x128xf32, #tpu.memory_space<hbm>> -> memref<10000x128xf32, #tpu.memory_space<hbm>>
      %dma_wait3A_167 = tpu.memref_slice %arg22[%dma_wait3A_163] : memref<4x!tpu.dma_semaphore, #tpu.memory_space<semaphore_mem>> -> memref<1x!tpu.dma_semaphore, #tpu.memory_space<semaphore_mem>>
      %dma_wait3A_168 = tpu.memref_squeeze %dma_wait3A_167 : memref<1x!tpu.dma_semaphore, #tpu.memory_space<semaphore_mem>> -> memref<!tpu.dma_semaphore, #tpu.memory_space<semaphore_mem>>
      tpu.wait_indirect_dma semaphore(%dma_wait3A_168 : memref<!tpu.dma_semaphore, #tpu.memory_space<semaphore_mem>>) src(%dma_wait3A_166 : memref<10000x128xf32, #tpu.memory_space<hbm>>) dst(%arg17 : memref<80x128xf32, #tpu.memory_space<vmem>>)
      %mul3A_169 = arith.constant 80 : i32
      %mul3A_170 = arith.muli %add3A_155, %mul3A_169 : i32
      %add3A_171 = arith.addi %mul3A_4, %mul3A_170 : i32
      %multiple_of3A_172 = tpu.assume_multiple %add3A_171, 8 : i32
      %dma_wait3A_173 = arith.constant 2 : i32
      %dma_wait3A_174 = tpu.memref_slice %arg4[%multiple_of3A_172] : memref<327680xi32, #tpu.memory_space<hbm>> -> memref<80xi32, #tpu.memory_space<hbm>>
      %dma_wait3A_175 = tpu.memref_slice %arg21[%dma_wait3A_173] : memref<4x!tpu.dma_semaphore, #tpu.memory_space<semaphore_mem>> -> memref<1x!tpu.dma_semaphore, #tpu.memory_space<semaphore_mem>>
      %dma_wait3A_176 = tpu.memref_squeeze %dma_wait3A_175 : memref<1x!tpu.dma_semaphore, #tpu.memory_space<semaphore_mem>> -> memref<!tpu.dma_semaphore, #tpu.memory_space<semaphore_mem>>
      %dma_wait3A_177 = tpu.memref_slice %arg4[%multiple_of3A_172] : memref<327680xi32, #tpu.memory_space<hbm>> -> memref<80xi32, #tpu.memory_space<hbm>>
      tpu.wait_dma2 semaphore(%dma_wait3A_176 : memref<!tpu.dma_semaphore, #tpu.memory_space<semaphore_mem>>) src(%dma_wait3A_177 : memref<80xi32, #tpu.memory_space<hbm>>) dst(%arg13 : memref<80xi32, #tpu.memory_space<vmem>>)
      "tpu.region"() ({
        %run_scoped3A = tpu.sem_alloc : memref<!tpu.dma_semaphore, #tpu.memory_space<semaphore_mem>>
        %dma_start3A_218 = arith.constant 0 : i32
        %dma_start3A_219 = arith.constant 0 : i32
        %dma_start3A_220 = tpu.memref_slice %arg19[%dma_start3A_218, %dma_start3A_219] : memref<10240x128xf32, #tpu.memory_space<vmem_shared>> -> memref<10240x128xf32, #tpu.memory_space<vmem_shared>>
        tpu.enqueue_indirect_dma source(%arg17 : memref<80x128xf32, #tpu.memory_space<vmem>>) target(%dma_start3A_220 : memref<10240x128xf32, #tpu.memory_space<vmem_shared>>) offsets(%arg13 : memref<80xi32, #tpu.memory_space<vmem>>) semaphore(%run_scoped3A : memref<!tpu.dma_semaphore, #tpu.memory_space<semaphore_mem>>) {add = true}
        %dma_wait3A_221 = arith.constant 0 : i32
        %dma_wait3A_222 = arith.constant 0 : i32
        %dma_wait3A_223 = tpu.memref_slice %arg19[%dma_wait3A_221, %dma_wait3A_222] : memref<10240x128xf32, #tpu.memory_space<vmem_shared>> -> memref<10240x128xf32, #tpu.memory_space<vmem_shared>>
        tpu.wait_indirect_dma semaphore(%run_scoped3A : memref<!tpu.dma_semaphore, #tpu.memory_space<semaphore_mem>>) src(%arg17 : memref<80x128xf32, #tpu.memory_space<vmem>>) dst(%dma_wait3A_223 : memref<10240x128xf32, #tpu.memory_space<vmem_shared>>)
        tpu.yield
      }) : () -> ()
      %add3A_178 = arith.constant 4 : i32
      %add3A_179 = arith.addi %add3A_155, %add3A_178 : i32
      %lt3A_180 = arith.constant 128 : i32
      %lt3A_181 = arith.cmpi slt, %add3A_179, %lt3A_180 : i32
      %convert_element_type3A_182 = arith.extui %lt3A_181 : i1 to i32
      %cond3A_183 = arith.constant 0 : i32
      %cond3A_184 = arith.cmpi ne, %convert_element_type3A_182, %cond3A_183 : i32
      scf.if %cond3A_184 {
        %add3A_218 = arith.constant 4 : i32
        %add3A_219 = arith.addi %add3A_155, %add3A_218 : i32
        %mul3A_220 = arith.constant 80 : i32
        %mul3A_221 = arith.muli %add3A_219, %mul3A_220 : i32
        %add3A_222 = arith.addi %mul3A_4, %mul3A_221 : i32
        %multiple_of3A_223 = tpu.assume_multiple %add3A_222, 8 : i32
        %dma_start3A_224 = arith.constant 2 : i32
        %dma_start3A_225 = tpu.memref_slice %arg3[%multiple_of3A_223] : memref<327680xi32, #tpu.memory_space<hbm>> -> memref<80xi32, #tpu.memory_space<hbm>>
        %dma_start3A_226 = tpu.memref_slice %arg20[%dma_start3A_224] : memref<4x!tpu.dma_semaphore, #tpu.memory_space<semaphore_mem>> -> memref<1x!tpu.dma_semaphore, #tpu.memory_space<semaphore_mem>>
        %dma_start3A_227 = tpu.memref_squeeze %dma_start3A_226 : memref<1x!tpu.dma_semaphore, #tpu.memory_space<semaphore_mem>> -> memref<!tpu.dma_semaphore, #tpu.memory_space<semaphore_mem>>
        %dma_start3A_228 = tpu.memref_slice %arg3[%multiple_of3A_223] : memref<327680xi32, #tpu.memory_space<hbm>> -> memref<80xi32, #tpu.memory_space<hbm>>
        tpu.enqueue_dma source(%dma_start3A_228 : memref<80xi32, #tpu.memory_space<hbm>>) target(%arg9 : memref<80xi32, #tpu.memory_space<vmem>>) target_semaphore(%dma_start3A_227 : memref<!tpu.dma_semaphore, #tpu.memory_space<semaphore_mem>>)
        %dma_start3A_229 = arith.constant 2 : i32
        %dma_start3A_230 = tpu.memref_slice %arg4[%multiple_of3A_223] : memref<327680xi32, #tpu.memory_space<hbm>> -> memref<80xi32, #tpu.memory_space<hbm>>
        %dma_start3A_231 = tpu.memref_slice %arg21[%dma_start3A_229] : memref<4x!tpu.dma_semaphore, #tpu.memory_space<semaphore_mem>> -> memref<1x!tpu.dma_semaphore, #tpu.memory_space<semaphore_mem>>
        %dma_start3A_232 = tpu.memref_squeeze %dma_start3A_231 : memref<1x!tpu.dma_semaphore, #tpu.memory_space<semaphore_mem>> -> memref<!tpu.dma_semaphore, #tpu.memory_space<semaphore_mem>>
        %dma_start3A_233 = tpu.memref_slice %arg4[%multiple_of3A_223] : memref<327680xi32, #tpu.memory_space<hbm>> -> memref<80xi32, #tpu.memory_space<hbm>>
        tpu.enqueue_dma source(%dma_start3A_233 : memref<80xi32, #tpu.memory_space<hbm>>) target(%arg13 : memref<80xi32, #tpu.memory_space<vmem>>) target_semaphore(%dma_start3A_232 : memref<!tpu.dma_semaphore, #tpu.memory_space<semaphore_mem>>)
      } else {
      }
      %mul3A_185 = arith.constant 4 : i32
      %mul3A_186 = arith.muli %scan3A_88, %mul3A_185 : i32
      %add3A_187 = arith.constant 3 : i32
      %add3A_188 = arith.addi %mul3A_186, %add3A_187 : i32
      %add3A_189 = arith.constant 2 : i32
      %add3A_190 = arith.addi %add3A_188, %add3A_189 : i32
      %lt3A_191 = arith.constant 128 : i32
      %lt3A_192 = arith.cmpi slt, %add3A_190, %lt3A_191 : i32
      %convert_element_type3A_193 = arith.extui %lt3A_192 : i1 to i32
      %cond3A_194 = arith.constant 0 : i32
      %cond3A_195 = arith.cmpi ne, %convert_element_type3A_193, %cond3A_194 : i32
      scf.if %cond3A_195 {
        %add3A_218 = arith.constant 2 : i32
        %add3A_219 = arith.addi %add3A_188, %add3A_218 : i32
        %mul3A_220 = arith.constant 80 : i32
        %mul3A_221 = arith.muli %add3A_219, %mul3A_220 : i32
        %add3A_222 = arith.addi %mul3A_4, %mul3A_221 : i32
        %multiple_of3A_223 = tpu.assume_multiple %add3A_222, 8 : i32
        %dma_wait3A_224 = arith.constant 1 : i32
        %dma_wait3A_225 = tpu.memref_slice %arg3[%multiple_of3A_223] : memref<327680xi32, #tpu.memory_space<hbm>> -> memref<80xi32, #tpu.memory_space<hbm>>
        %dma_wait3A_226 = tpu.memref_slice %arg20[%dma_wait3A_224] : memref<4x!tpu.dma_semaphore, #tpu.memory_space<semaphore_mem>> -> memref<1x!tpu.dma_semaphore, #tpu.memory_space<semaphore_mem>>
        %dma_wait3A_227 = tpu.memref_squeeze %dma_wait3A_226 : memref<1x!tpu.dma_semaphore, #tpu.memory_space<semaphore_mem>> -> memref<!tpu.dma_semaphore, #tpu.memory_space<semaphore_mem>>
        %dma_wait3A_228 = tpu.memref_slice %arg3[%multiple_of3A_223] : memref<327680xi32, #tpu.memory_space<hbm>> -> memref<80xi32, #tpu.memory_space<hbm>>
        tpu.wait_dma2 semaphore(%dma_wait3A_227 : memref<!tpu.dma_semaphore, #tpu.memory_space<semaphore_mem>>) src(%dma_wait3A_228 : memref<80xi32, #tpu.memory_space<hbm>>) dst(%arg8 : memref<80xi32, #tpu.memory_space<vmem>>)
        %dma_start3A_229 = arith.constant 1 : i32
        %dma_start3A_230 = arith.constant 0 : i32
        %dma_start3A_231 = arith.constant 0 : i32
        %dma_start3A_232 = tpu.memref_slice %arg2[%dma_start3A_230, %dma_start3A_231] : memref<10000x128xf32, #tpu.memory_space<hbm>> -> memref<10000x128xf32, #tpu.memory_space<hbm>>
        %dma_start3A_233 = tpu.memref_slice %arg22[%dma_start3A_229] : memref<4x!tpu.dma_semaphore, #tpu.memory_space<semaphore_mem>> -> memref<1x!tpu.dma_semaphore, #tpu.memory_space<semaphore_mem>>
        %dma_start3A_234 = tpu.memref_squeeze %dma_start3A_233 : memref<1x!tpu.dma_semaphore, #tpu.memory_space<semaphore_mem>> -> memref<!tpu.dma_semaphore, #tpu.memory_space<semaphore_mem>>
        tpu.enqueue_indirect_dma source(%dma_start3A_232 : memref<10000x128xf32, #tpu.memory_space<hbm>>) target(%arg16 : memref<80x128xf32, #tpu.memory_space<vmem>>) offsets(%arg8 : memref<80xi32, #tpu.memory_space<vmem>>) semaphore(%dma_start3A_234 : memref<!tpu.dma_semaphore, #tpu.memory_space<semaphore_mem>>)
      } else {
      }
      %dma_wait3A_196 = arith.constant 3 : i32
      %dma_wait3A_197 = arith.constant 0 : i32
      %dma_wait3A_198 = arith.constant 0 : i32
      %dma_wait3A_199 = tpu.memref_slice %arg2[%dma_wait3A_197, %dma_wait3A_198] : memref<10000x128xf32, #tpu.memory_space<hbm>> -> memref<10000x128xf32, #tpu.memory_space<hbm>>
      %dma_wait3A_200 = tpu.memref_slice %arg22[%dma_wait3A_196] : memref<4x!tpu.dma_semaphore, #tpu.memory_space<semaphore_mem>> -> memref<1x!tpu.dma_semaphore, #tpu.memory_space<semaphore_mem>>
      %dma_wait3A_201 = tpu.memref_squeeze %dma_wait3A_200 : memref<1x!tpu.dma_semaphore, #tpu.memory_space<semaphore_mem>> -> memref<!tpu.dma_semaphore, #tpu.memory_space<semaphore_mem>>
      tpu.wait_indirect_dma semaphore(%dma_wait3A_201 : memref<!tpu.dma_semaphore, #tpu.memory_space<semaphore_mem>>) src(%dma_wait3A_199 : memref<10000x128xf32, #tpu.memory_space<hbm>>) dst(%arg18 : memref<80x128xf32, #tpu.memory_space<vmem>>)
      %mul3A_202 = arith.constant 80 : i32
      %mul3A_203 = arith.muli %add3A_188, %mul3A_202 : i32
      %add3A_204 = arith.addi %mul3A_4, %mul3A_203 : i32
      %multiple_of3A_205 = tpu.assume_multiple %add3A_204, 8 : i32
      %dma_wait3A_206 = arith.constant 3 : i32
      %dma_wait3A_207 = tpu.memref_slice %arg4[%multiple_of3A_205] : memref<327680xi32, #tpu.memory_space<hbm>> -> memref<80xi32, #tpu.memory_space<hbm>>
      %dma_wait3A_208 = tpu.memref_slice %arg21[%dma_wait3A_206] : memref<4x!tpu.dma_semaphore, #tpu.memory_space<semaphore_mem>> -> memref<1x!tpu.dma_semaphore, #tpu.memory_space<semaphore_mem>>
      %dma_wait3A_209 = tpu.memref_squeeze %dma_wait3A_208 : memref<1x!tpu.dma_semaphore, #tpu.memory_space<semaphore_mem>> -> memref<!tpu.dma_semaphore, #tpu.memory_space<semaphore_mem>>
      %dma_wait3A_210 = tpu.memref_slice %arg4[%multiple_of3A_205] : memref<327680xi32, #tpu.memory_space<hbm>> -> memref<80xi32, #tpu.memory_space<hbm>>
      tpu.wait_dma2 semaphore(%dma_wait3A_209 : memref<!tpu.dma_semaphore, #tpu.memory_space<semaphore_mem>>) src(%dma_wait3A_210 : memref<80xi32, #tpu.memory_space<hbm>>) dst(%arg14 : memref<80xi32, #tpu.memory_space<vmem>>)
      "tpu.region"() ({
        %run_scoped3A = tpu.sem_alloc : memref<!tpu.dma_semaphore, #tpu.memory_space<semaphore_mem>>
        %dma_start3A_218 = arith.constant 0 : i32
        %dma_start3A_219 = arith.constant 0 : i32
        %dma_start3A_220 = tpu.memref_slice %arg19[%dma_start3A_218, %dma_start3A_219] : memref<10240x128xf32, #tpu.memory_space<vmem_shared>> -> memref<10240x128xf32, #tpu.memory_space<vmem_shared>>
        tpu.enqueue_indirect_dma source(%arg18 : memref<80x128xf32, #tpu.memory_space<vmem>>) target(%dma_start3A_220 : memref<10240x128xf32, #tpu.memory_space<vmem_shared>>) offsets(%arg14 : memref<80xi32, #tpu.memory_space<vmem>>) semaphore(%run_scoped3A : memref<!tpu.dma_semaphore, #tpu.memory_space<semaphore_mem>>) {add = true}
        %dma_wait3A_221 = arith.constant 0 : i32
        %dma_wait3A_222 = arith.constant 0 : i32
        %dma_wait3A_223 = tpu.memref_slice %arg19[%dma_wait3A_221, %dma_wait3A_222] : memref<10240x128xf32, #tpu.memory_space<vmem_shared>> -> memref<10240x128xf32, #tpu.memory_space<vmem_shared>>
        tpu.wait_indirect_dma semaphore(%run_scoped3A : memref<!tpu.dma_semaphore, #tpu.memory_space<semaphore_mem>>) src(%arg18 : memref<80x128xf32, #tpu.memory_space<vmem>>) dst(%dma_wait3A_223 : memref<10240x128xf32, #tpu.memory_space<vmem_shared>>)
        tpu.yield
      }) : () -> ()
      %add3A_211 = arith.constant 4 : i32
      %add3A_212 = arith.addi %add3A_188, %add3A_211 : i32
      %lt3A_213 = arith.constant 128 : i32
      %lt3A_214 = arith.cmpi slt, %add3A_212, %lt3A_213 : i32
      %convert_element_type3A_215 = arith.extui %lt3A_214 : i1 to i32
      %cond3A_216 = arith.constant 0 : i32
      %cond3A_217 = arith.cmpi ne, %convert_element_type3A_215, %cond3A_216 : i32
      scf.if %cond3A_217 {
        %add3A_218 = arith.constant 4 : i32
        %add3A_219 = arith.addi %add3A_188, %add3A_218 : i32
        %mul3A_220 = arith.constant 80 : i32
        %mul3A_221 = arith.muli %add3A_219, %mul3A_220 : i32
        %add3A_222 = arith.addi %mul3A_4, %mul3A_221 : i32
        %multiple_of3A_223 = tpu.assume_multiple %add3A_222, 8 : i32
        %dma_start3A_224 = arith.constant 3 : i32
        %dma_start3A_225 = tpu.memref_slice %arg3[%multiple_of3A_223] : memref<327680xi32, #tpu.memory_space<hbm>> -> memref<80xi32, #tpu.memory_space<hbm>>
        %dma_start3A_226 = tpu.memref_slice %arg20[%dma_start3A_224] : memref<4x!tpu.dma_semaphore, #tpu.memory_space<semaphore_mem>> -> memref<1x!tpu.dma_semaphore, #tpu.memory_space<semaphore_mem>>
        %dma_start3A_227 = tpu.memref_squeeze %dma_start3A_226 : memref<1x!tpu.dma_semaphore, #tpu.memory_space<semaphore_mem>> -> memref<!tpu.dma_semaphore, #tpu.memory_space<semaphore_mem>>
        %dma_start3A_228 = tpu.memref_slice %arg3[%multiple_of3A_223] : memref<327680xi32, #tpu.memory_space<hbm>> -> memref<80xi32, #tpu.memory_space<hbm>>
        tpu.enqueue_dma source(%dma_start3A_228 : memref<80xi32, #tpu.memory_space<hbm>>) target(%arg10 : memref<80xi32, #tpu.memory_space<vmem>>) target_semaphore(%dma_start3A_227 : memref<!tpu.dma_semaphore, #tpu.memory_space<semaphore_mem>>)
        %dma_start3A_229 = arith.constant 3 : i32
        %dma_start3A_230 = tpu.memref_slice %arg4[%multiple_of3A_223] : memref<327680xi32, #tpu.memory_space<hbm>> -> memref<80xi32, #tpu.memory_space<hbm>>
        %dma_start3A_231 = tpu.memref_slice %arg21[%dma_start3A_229] : memref<4x!tpu.dma_semaphore, #tpu.memory_space<semaphore_mem>> -> memref<1x!tpu.dma_semaphore, #tpu.memory_space<semaphore_mem>>
        %dma_start3A_232 = tpu.memref_squeeze %dma_start3A_231 : memref<1x!tpu.dma_semaphore, #tpu.memory_space<semaphore_mem>> -> memref<!tpu.dma_semaphore, #tpu.memory_space<semaphore_mem>>
        %dma_start3A_233 = tpu.memref_slice %arg4[%multiple_of3A_223] : memref<327680xi32, #tpu.memory_space<hbm>> -> memref<80xi32, #tpu.memory_space<hbm>>
        tpu.enqueue_dma source(%dma_start3A_233 : memref<80xi32, #tpu.memory_space<hbm>>) target(%arg14 : memref<80xi32, #tpu.memory_space<vmem>>) target_semaphore(%dma_start3A_232 : memref<!tpu.dma_semaphore, #tpu.memory_space<semaphore_mem>>)
      } else {
      }
    }
    %scan3A_86 = arith.constant 32 : i32
    %barrier3A_87 = arith.constant 0 : index
    tpu.barrier barrier_id(%barrier3A_87)
    "tpu.region"() ({
      %run_scoped3A = tpu.sem_alloc : memref<!tpu.dma_semaphore, #tpu.memory_space<semaphore_mem>>
      %dma_start3A_88 = arith.constant 0 : i32
      %dma_start3A_89 = arith.constant 0 : i32
      %dma_start3A_90 = tpu.memref_slice %arg6[%arg0, %dma_start3A_88, %dma_start3A_89] : memref<2x10240x128xf32, #tpu.memory_space<hbm>> -> memref<1x10240x128xf32, #tpu.memory_space<hbm>>
      %dma_start3A_91 = tpu.memref_squeeze %dma_start3A_90 : memref<1x10240x128xf32, #tpu.memory_space<hbm>> -> memref<10240x128xf32, #tpu.memory_space<hbm>>
      %dma_start3A_92 = arith.constant 0 : i32
      %dma_start3A_93 = tpu.memref_slice %dma_start3A_91[%mul3A_2, %dma_start3A_92] : memref<10240x128xf32, #tpu.memory_space<hbm>> -> memref<640x128xf32, #tpu.memory_space<hbm>>
      %dma_start3A_94 = arith.constant 0 : i32
      %dma_start3A_95 = tpu.memref_slice %arg19[%mul3A_2, %dma_start3A_94] : memref<10240x128xf32, #tpu.memory_space<vmem_shared>> -> memref<640x128xf32, #tpu.memory_space<vmem_shared>>
      tpu.enqueue_dma source(%dma_start3A_95 : memref<640x128xf32, #tpu.memory_space<vmem_shared>>) target(%dma_start3A_93 : memref<640x128xf32, #tpu.memory_space<hbm>>) target_semaphore(%run_scoped3A : memref<!tpu.dma_semaphore, #tpu.memory_space<semaphore_mem>>)
      %dma_wait3A_96 = arith.constant 0 : i32
      %dma_wait3A_97 = arith.constant 0 : i32
      %dma_wait3A_98 = tpu.memref_slice %arg6[%arg0, %dma_wait3A_96, %dma_wait3A_97] : memref<2x10240x128xf32, #tpu.memory_space<hbm>> -> memref<1x10240x128xf32, #tpu.memory_space<hbm>>
      %dma_wait3A_99 = tpu.memref_squeeze %dma_wait3A_98 : memref<1x10240x128xf32, #tpu.memory_space<hbm>> -> memref<10240x128xf32, #tpu.memory_space<hbm>>
      %dma_wait3A_100 = arith.constant 0 : i32
      %dma_wait3A_101 = tpu.memref_slice %dma_wait3A_99[%mul3A_2, %dma_wait3A_100] : memref<10240x128xf32, #tpu.memory_space<hbm>> -> memref<640x128xf32, #tpu.memory_space<hbm>>
      %dma_wait3A_102 = arith.constant 0 : i32
      %dma_wait3A_103 = tpu.memref_slice %arg19[%mul3A_2, %dma_wait3A_102] : memref<10240x128xf32, #tpu.memory_space<vmem_shared>> -> memref<640x128xf32, #tpu.memory_space<vmem_shared>>
      tpu.wait_dma2 semaphore(%run_scoped3A : memref<!tpu.dma_semaphore, #tpu.memory_space<semaphore_mem>>) src(%dma_wait3A_103 : memref<640x128xf32, #tpu.memory_space<vmem_shared>>) dst(%dma_wait3A_101 : memref<640x128xf32, #tpu.memory_space<hbm>>)
      tpu.yield
    }) : () -> ()
    return
  }
}

module attributes {stable_mosaic.version = 14 : i64} {
  func.func @_tc1_body(%arg0: i32, %arg1: memref<2000x128xf32, #tpu.memory_space<vmem>>, %arg2: memref<128x128xf32, #tpu.memory_space<vmem>>, %arg3: memref<2x2000x128xf32, #tpu.memory_space<vmem>>, %arg4: memref<2000x128xf32, #tpu.memory_space<vmem>>, %arg5: memref<2000x1xf32, #tpu.memory_space<vmem>>) attributes {dimension_semantics = [#tpu.dimension_semantics<arbitrary>], iteration_bounds = array<i64: 5>, scalar_prefetch = 0 : i64, scratch_operands = 0 : i64, tpu.core_type = #tpu.core_type<tc>, window_params = [{transform_indices = @transform_0, window_bounds = array<i64: 2000, 128>}, {pipeline_mode = #tpu.pipeline_mode<synchronous>, transform_indices = @transform_1, window_bounds = array<i64: 128, 128>}, {transform_indices = @transform_2, window_bounds = array<i64: 2, 2000, 128>}, {transform_indices = @transform_3, window_bounds = array<i64: 2000, 128>}, {transform_indices = @transform_4, window_bounds = array<i64: 2000, 1>}]} {
    %get3A = arith.constant 0 : index
    %get3A_0 = arith.constant 0 : index
    %get3A_1 = arith.constant 0 : index
    %get3A_2 = vector.load %arg3[%get3A, %get3A_0, %get3A_1] : memref<2x2000x128xf32, #tpu.memory_space<vmem>>, vector<1x2000x1xf32>
    %get3A_3 = vector.shape_cast %get3A_2 : vector<1x2000x1xf32> to vector<2000x1xf32>
    %get3A_4 = arith.constant 1 : index
    %get3A_5 = arith.constant 0 : index
    %get3A_6 = arith.constant 0 : index
    %get3A_7 = vector.load %arg3[%get3A_4, %get3A_5, %get3A_6] : memref<2x2000x128xf32, #tpu.memory_space<vmem>>, vector<1x2000x1xf32>
    %get3A_8 = vector.shape_cast %get3A_7 : vector<1x2000x1xf32> to vector<2000x1xf32>
    %add3A = arith.addf %get3A_3, %get3A_8 : vector<2000x1xf32>
    %add3A_9 = arith.constant 1.000000e+00 : f32
    %add3A_10 = vector.broadcast %add3A_9 : f32 to vector<2000x1xf32>
    %add3A_11 = arith.addf %add3A, %add3A_10 : vector<2000x1xf32>
    %rsqrt3A = math.rsqrt %add3A_11 : vector<2000x1xf32>
    %swap3A = arith.constant 0 : index
    %swap3A_12 = arith.constant 0 : index
    %swap3A_13 = vector.load %arg5[%swap3A, %swap3A_12] : memref<2000x1xf32, #tpu.memory_space<vmem>>, vector<2000x1xf32>
    tpu.vector_store %arg5[%swap3A, %swap3A_12], %rsqrt3A {strides = array<i32>} : memref<2000x1xf32, #tpu.memory_space<vmem>>, vector<2000x1xf32>,
    %get3A_14 = arith.constant 0 : index
    %get3A_15 = arith.constant 0 : index
    %get3A_16 = vector.load %arg1[%get3A_14, %get3A_15] : memref<2000x128xf32, #tpu.memory_space<vmem>>, vector<2000x128xf32>
    %get3A_17 = arith.constant 0 : index
    %get3A_18 = arith.constant 0 : index
    %get3A_19 = vector.load %arg2[%get3A_17, %get3A_18] : memref<128x128xf32, #tpu.memory_space<vmem>>, vector<128x128xf32>
    %dot_general3A = arith.constant dense<0.000000e+00> : vector<2000x128xf32>
    %dot_general3A_20 = tpu.matmul %get3A_16, %get3A_19, %dot_general3A {dimension_numbers = #tpu.dot_dimension_numbers<[1], [0], [0], [1], [0, 0, 1, 1], [], []>, transpose_lhs_hint = false} : vector<2000x128xf32>, vector<128x128xf32>, vector<2000x128xf32> -> vector<2000x128xf32>
    %mul3A = vector.broadcast %rsqrt3A : vector<2000x1xf32> to vector<2000x128xf32>
    %mul3A_21 = arith.mulf %dot_general3A_20, %mul3A : vector<2000x128xf32>
    %swap3A_22 = arith.constant 0 : index
    %swap3A_23 = arith.constant 0 : index
    %swap3A_24 = vector.load %arg4[%swap3A_22, %swap3A_23] : memref<2000x128xf32, #tpu.memory_space<vmem>>, vector<2000x128xf32>
    tpu.vector_store %arg4[%swap3A_22, %swap3A_23], %mul3A_21 {strides = array<i32>} : memref<2000x128xf32, #tpu.memory_space<vmem>>, vector<2000x128xf32>,
    return
  }
  func.func @transform_0(%arg0: i32) -> (i32, i32) {
    %c0_i32 = arith.constant 0 : i32
    %c0_i32_0 = arith.constant 0 : i32
    return %arg0, %c0_i32 : i32, i32
  }
  func.func @transform_1(%arg0: i32) -> (i32, i32) {
    %c0_i32 = arith.constant 0 : i32
    %c0_i32_0 = arith.constant 0 : i32
    %c0_i32_1 = arith.constant 0 : i32
    return %c0_i32, %c0_i32_0 : i32, i32
  }
  func.func @transform_2(%arg0: i32) -> (i32, i32, i32) {
    %c0_i32 = arith.constant 0 : i32
    %c0_i32_0 = arith.constant 0 : i32
    %c0_i32_1 = arith.constant 0 : i32
    return %c0_i32, %arg0, %c0_i32_0 : i32, i32, i32
  }
  func.func @transform_3(%arg0: i32) -> (i32, i32) {
    %c0_i32 = arith.constant 0 : i32
    %c0_i32_0 = arith.constant 0 : i32
    return %arg0, %c0_i32 : i32, i32
  }
  func.func @transform_4(%arg0: i32) -> (i32, i32) {
    %c0_i32 = arith.constant 0 : i32
    %c0_i32_0 = arith.constant 0 : i32
    return %arg0, %c0_i32 : i32, i32
  }
}

module attributes {stable_mosaic.version = 14 : i64} {
  func.func @_tc2_body(%arg0: i32, %arg1: memref<2x2000x128xf32, #tpu.memory_space<vmem>>, %arg2: memref<2000x128xf32, #tpu.memory_space<vmem>>, %arg3: memref<2000x1xf32, #tpu.memory_space<vmem>>, %arg4: memref<1x128xf32, #tpu.memory_space<vmem>>, %arg5: memref<128x128xf32, #tpu.memory_space<vmem>>, %arg6: memref<2000x128xf32, #tpu.memory_space<vmem>>) attributes {dimension_semantics = [#tpu.dimension_semantics<arbitrary>], iteration_bounds = array<i64: 5>, scalar_prefetch = 0 : i64, scratch_operands = 0 : i64, tpu.core_type = #tpu.core_type<tc>, window_params = [{transform_indices = @transform_0, window_bounds = array<i64: 2, 2000, 128>}, {transform_indices = @transform_1, window_bounds = array<i64: 2000, 128>}, {transform_indices = @transform_2, window_bounds = array<i64: 2000, 1>}, {pipeline_mode = #tpu.pipeline_mode<synchronous>, transform_indices = @transform_3, window_bounds = array<i64: 1, 128>}, {pipeline_mode = #tpu.pipeline_mode<synchronous>, transform_indices = @transform_4, window_bounds = array<i64: 128, 128>}, {transform_indices = @transform_5, window_bounds = array<i64: 2000, 128>}]} {
    %get3A = arith.constant 0 : index
    %get3A_0 = arith.constant 0 : index
    %get3A_1 = vector.load %arg3[%get3A, %get3A_0] : memref<2000x1xf32, #tpu.memory_space<vmem>>, vector<2000x1xf32>
    %get3A_2 = arith.constant 0 : index
    %get3A_3 = arith.constant 0 : index
    %get3A_4 = arith.constant 0 : index
    %get3A_5 = vector.load %arg1[%get3A_2, %get3A_3, %get3A_4] : memref<2x2000x128xf32, #tpu.memory_space<vmem>>, vector<1x2000x128xf32>
    %get3A_6 = vector.shape_cast %get3A_5 : vector<1x2000x128xf32> to vector<2000x128xf32>
    %get3A_7 = arith.constant 1 : index
    %get3A_8 = arith.constant 0 : index
    %get3A_9 = arith.constant 0 : index
    %get3A_10 = vector.load %arg1[%get3A_7, %get3A_8, %get3A_9] : memref<2x2000x128xf32, #tpu.memory_space<vmem>>, vector<1x2000x128xf32>
    %get3A_11 = vector.shape_cast %get3A_10 : vector<1x2000x128xf32> to vector<2000x128xf32>
    %add3A = arith.addf %get3A_6, %get3A_11 : vector<2000x128xf32>
    %get3A_12 = arith.constant 0 : index
    %get3A_13 = arith.constant 0 : index
    %get3A_14 = vector.load %arg2[%get3A_12, %get3A_13] : memref<2000x128xf32, #tpu.memory_space<vmem>>, vector<2000x128xf32>
    %add3A_15 = arith.addf %add3A, %get3A_14 : vector<2000x128xf32>
    %mul3A = vector.broadcast %get3A_1 : vector<2000x1xf32> to vector<2000x128xf32>
    %mul3A_16 = arith.mulf %add3A_15, %mul3A : vector<2000x128xf32>
    %get3A_17 = arith.constant 0 : index
    %get3A_18 = arith.constant 0 : index
    %get3A_19 = vector.load %arg4[%get3A_17, %get3A_18] : memref<1x128xf32, #tpu.memory_space<vmem>>, vector<1x128xf32>
    %add3A_20 = vector.broadcast %get3A_19 : vector<1x128xf32> to vector<2000x128xf32>
    %add3A_21 = arith.addf %mul3A_16, %add3A_20 : vector<2000x128xf32>
    %max3A = arith.constant 0.000000e+00 : f32
    %max3A_22 = vector.broadcast %max3A : f32 to vector<2000x128xf32>
    %max3A_23 = arith.maximumf %add3A_21, %max3A_22 : vector<2000x128xf32>
    %get3A_24 = arith.constant 0 : index
    %get3A_25 = arith.constant 0 : index
    %get3A_26 = vector.load %arg5[%get3A_24, %get3A_25] : memref<128x128xf32, #tpu.memory_space<vmem>>, vector<128x128xf32>
    %dot_general3A = arith.constant dense<0.000000e+00> : vector<2000x128xf32>
    %dot_general3A_27 = tpu.matmul %max3A_23, %get3A_26, %dot_general3A {dimension_numbers = #tpu.dot_dimension_numbers<[1], [0], [0], [1], [0, 0, 1, 1], [], []>, transpose_lhs_hint = false} : vector<2000x128xf32>, vector<128x128xf32>, vector<2000x128xf32> -> vector<2000x128xf32>
    %mul3A_28 = vector.broadcast %get3A_1 : vector<2000x1xf32> to vector<2000x128xf32>
    %mul3A_29 = arith.mulf %dot_general3A_27, %mul3A_28 : vector<2000x128xf32>
    %swap3A = arith.constant 0 : index
    %swap3A_30 = arith.constant 0 : index
    %swap3A_31 = vector.load %arg6[%swap3A, %swap3A_30] : memref<2000x128xf32, #tpu.memory_space<vmem>>, vector<2000x128xf32>
    tpu.vector_store %arg6[%swap3A, %swap3A_30], %mul3A_29 {strides = array<i32>} : memref<2000x128xf32, #tpu.memory_space<vmem>>, vector<2000x128xf32>,
    return
  }
  func.func @transform_0(%arg0: i32) -> (i32, i32, i32) {
    %c0_i32 = arith.constant 0 : i32
    %c0_i32_0 = arith.constant 0 : i32
    %c0_i32_1 = arith.constant 0 : i32
    return %c0_i32, %arg0, %c0_i32_0 : i32, i32, i32
  }
  func.func @transform_1(%arg0: i32) -> (i32, i32) {
    %c0_i32 = arith.constant 0 : i32
    %c0_i32_0 = arith.constant 0 : i32
    return %arg0, %c0_i32 : i32, i32
  }
  func.func @transform_2(%arg0: i32) -> (i32, i32) {
    %c0_i32 = arith.constant 0 : i32
    %c0_i32_0 = arith.constant 0 : i32
    return %arg0, %c0_i32 : i32, i32
  }
  func.func @transform_3(%arg0: i32) -> (i32, i32) {
    %c0_i32 = arith.constant 0 : i32
    %c0_i32_0 = arith.constant 0 : i32
    %c0_i32_1 = arith.constant 0 : i32
    return %c0_i32, %c0_i32_0 : i32, i32
  }
  func.func @transform_4(%arg0: i32) -> (i32, i32) {
    %c0_i32 = arith.constant 0 : i32
    %c0_i32_0 = arith.constant 0 : i32
    %c0_i32_1 = arith.constant 0 : i32
    return %c0_i32, %c0_i32_0 : i32, i32
  }
  func.func @transform_5(%arg0: i32) -> (i32, i32) {
    %c0_i32 = arith.constant 0 : i32
    %c0_i32_0 = arith.constant 0 : i32
    return %arg0, %c0_i32 : i32, i32
  }
}

module attributes {stable_mosaic.version = 14 : i64} {
  func.func @_tc3_body(%arg0: i32, %arg1: memref<2x2000x128xf32, #tpu.memory_space<vmem>>, %arg2: memref<2000x128xf32, #tpu.memory_space<vmem>>, %arg3: memref<2000x1xf32, #tpu.memory_space<vmem>>, %arg4: memref<1x128xf32, #tpu.memory_space<vmem>>, %arg5: memref<2000x128xf32, #tpu.memory_space<vmem>>) attributes {dimension_semantics = [#tpu.dimension_semantics<arbitrary>], iteration_bounds = array<i64: 5>, scalar_prefetch = 0 : i64, scratch_operands = 0 : i64, tpu.core_type = #tpu.core_type<tc>, window_params = [{transform_indices = @transform_0, window_bounds = array<i64: 2, 2000, 128>}, {transform_indices = @transform_1, window_bounds = array<i64: 2000, 128>}, {transform_indices = @transform_2, window_bounds = array<i64: 2000, 1>}, {pipeline_mode = #tpu.pipeline_mode<synchronous>, transform_indices = @transform_3, window_bounds = array<i64: 1, 128>}, {transform_indices = @transform_4, window_bounds = array<i64: 2000, 128>}]} {
    %get3A = arith.constant 0 : index
    %get3A_0 = arith.constant 0 : index
    %get3A_1 = vector.load %arg3[%get3A, %get3A_0] : memref<2000x1xf32, #tpu.memory_space<vmem>>, vector<2000x1xf32>
    %get3A_2 = arith.constant 0 : index
    %get3A_3 = arith.constant 0 : index
    %get3A_4 = arith.constant 0 : index
    %get3A_5 = vector.load %arg1[%get3A_2, %get3A_3, %get3A_4] : memref<2x2000x128xf32, #tpu.memory_space<vmem>>, vector<1x2000x128xf32>
    %get3A_6 = vector.shape_cast %get3A_5 : vector<1x2000x128xf32> to vector<2000x128xf32>
    %get3A_7 = arith.constant 1 : index
    %get3A_8 = arith.constant 0 : index
    %get3A_9 = arith.constant 0 : index
    %get3A_10 = vector.load %arg1[%get3A_7, %get3A_8, %get3A_9] : memref<2x2000x128xf32, #tpu.memory_space<vmem>>, vector<1x2000x128xf32>
    %get3A_11 = vector.shape_cast %get3A_10 : vector<1x2000x128xf32> to vector<2000x128xf32>
    %add3A = arith.addf %get3A_6, %get3A_11 : vector<2000x128xf32>
    %get3A_12 = arith.constant 0 : index
    %get3A_13 = arith.constant 0 : index
    %get3A_14 = vector.load %arg2[%get3A_12, %get3A_13] : memref<2000x128xf32, #tpu.memory_space<vmem>>, vector<2000x128xf32>
    %add3A_15 = arith.addf %add3A, %get3A_14 : vector<2000x128xf32>
    %mul3A = vector.broadcast %get3A_1 : vector<2000x1xf32> to vector<2000x128xf32>
    %mul3A_16 = arith.mulf %add3A_15, %mul3A : vector<2000x128xf32>
    %get3A_17 = arith.constant 0 : index
    %get3A_18 = arith.constant 0 : index
    %get3A_19 = vector.load %arg4[%get3A_17, %get3A_18] : memref<1x128xf32, #tpu.memory_space<vmem>>, vector<1x128xf32>
    %add3A_20 = vector.broadcast %get3A_19 : vector<1x128xf32> to vector<2000x128xf32>
    %add3A_21 = arith.addf %mul3A_16, %add3A_20 : vector<2000x128xf32>
    %swap3A = arith.constant 0 : index
    %swap3A_22 = arith.constant 0 : index
    %swap3A_23 = vector.load %arg5[%swap3A, %swap3A_22] : memref<2000x128xf32, #tpu.memory_space<vmem>>, vector<2000x128xf32>
    tpu.vector_store %arg5[%swap3A, %swap3A_22], %add3A_21 {strides = array<i32>} : memref<2000x128xf32, #tpu.memory_space<vmem>>, vector<2000x128xf32>,
    return
  }
  func.func @transform_0(%arg0: i32) -> (i32, i32, i32) {
    %c0_i32 = arith.constant 0 : i32
    %c0_i32_0 = arith.constant 0 : i32
    %c0_i32_1 = arith.constant 0 : i32
    return %c0_i32, %arg0, %c0_i32_0 : i32, i32, i32
  }
  func.func @transform_1(%arg0: i32) -> (i32, i32) {
    %c0_i32 = arith.constant 0 : i32
    %c0_i32_0 = arith.constant 0 : i32
    return %arg0, %c0_i32 : i32, i32
  }
  func.func @transform_2(%arg0: i32) -> (i32, i32) {
    %c0_i32 = arith.constant 0 : i32
    %c0_i32_0 = arith.constant 0 : i32
    return %arg0, %c0_i32 : i32, i32
  }
  func.func @transform_3(%arg0: i32) -> (i32, i32) {
    %c0_i32 = arith.constant 0 : i32
    %c0_i32_0 = arith.constant 0 : i32
    %c0_i32_1 = arith.constant 0 : i32
    return %c0_i32, %c0_i32_0 : i32, i32
  }
  func.func @transform_4(%arg0: i32) -> (i32, i32) {
    %c0_i32 = arith.constant 0 : i32
    %c0_i32_0 = arith.constant 0 : i32
    return %arg0, %c0_i32 : i32, i32
  }
}

</mosaic_0001>

<sc_bundles>
// kernel: kernel.11.cloned.1.call-start
scs
__scs_entry_jumppad:
0x0: {  	(pc) =	sbr.rel $0x88, $3  }
0x1: {  	(tag) =	ssettag $0x0;
	lr =	simm.s32 $0x1  }
0x2: {  	[smem:$0x3F9B] =	sst lr;
	_ =	strace $0xD0000000  }
0x3: {  	_ = 	snop  }
0x4: {  	_ = 	snop  }
0x5: {  	_ = 	snop  }
0x6: {  	_ = 	snop  }
0x7: {  	_ = 	snop  }
__scs_overlays_trampoline_lowered:
0x8: {  	[smem:$0x3FAA] =	sst s0  }
0x9: {  	[smem:$0x3FAB] =	sst s1  }
0xa: {  	[smem:$0x3FAC] =	sst s2  }
0xb: {  	[smem:$0x3FAD] =	sst s3  }
0xc: {  	[smem:$0x3FAE] =	sst s4  }
0xd: {  	[smem:$0x3FAF] =	sst s5  }
0xe: {  	[smem:$0x3FB0] =	sst s6  }
0xf: {  	[smem:$0x3FB1] =	sst s7  }
0x10: {  	[smem:$0x3FB2] =	sst s8  }
0x11: {  	[smem:$0x3FB3] =	sst s9;
	s0 =	simm.s32 @!p0 $0x0  }
0x12: {  	s1 =	sld [smem:$0x3F99];
	s0 =	simm.s32 @p0 $0x1  }
0x13: {  	[smem:$0x3FB4] =	sst s0;
	s0 =	simm.s32 @!p1 $0x0  }
0x14: {  	s2 =	sld [smem:$0x3F98];
	s0 =	simm.s32 @p1 $0x1  }
0x15: {  	[smem:$0x3FB5] =	sst s0;
	s0 =	simm.s32 @!p2 $0x0  }
0x16: {  	s3 =	sld [smem:$0x3FDB];
	s0 =	simm.s32 @p2 $0x1  }
0x17: {  	s4 =	simm.s32 $0x1BF5;
	[smem:$0x3FB7] =	sst s0  }
0x18: {  	s0 =	sld [smem:$0x3F9A];
	_ =	swait.ge [sflag:s4], $0x0  }
0x19: {  	s7 =	sld [smem:$0x3F9B]  }
0x1a: {  	s8 =	sadd.s32 $0xFFFFE003, lr  }
0x1b: {  	s9 =	sadd.s32 $0xFFFFFEF7, lr;
	s5 =	simm.s32 $0xFFFFFFFF;
	p2 =	slt.u32 s8, $0xFFFFF086  }
0x1c: {  	p1 =	slt.u32 s9, $0xF7A;
	s5 =	simm.s32 @!p2 $0x0  }
0x1d: {  	s5 =	simm.s32 @p1 $0x1;
	p0 =	seq.s32 s7, s2  }
0x1e: {  	s7 =	smul.u32 @!p0 $0xF7A, s2;
	p2 =	seq.s32 @!p0 s5, $0x0  }
0x1f: {  	s9 =	smul.u32 $0xF7A, s1;
	s8 =	simm.s32 @!p0 $0x1BF5;
	p2 =	por !p2, p0  }
0x20: {  	[sflag:s8] =	ssyncset.s32 @!p0 $0xFFFFF086;
	s6 =	sadd.s32 @!p0 s3, s7;
	s7 =	simm.s32 @!p0 $0x108  }
0x21: {  	s3 =	sadd.s32 s3, s9;
	s6 =	sadd.s32 @!p0 $0x88, s6;
	s7 =	simm.s32 @p2 $0x1082  }
0x22: {  	[simem:s7], [sflag:s8] =	dma.local @!p0 [hbm:s6], $0xF7A  }
0x23: {  	s9 =	sor.u32 $0xD0000000, s2;
	s6 =	simm.s32 $0x108;
	_ =	swait.ge @!p0 [sflag:s8], $0x0  }
0x24: {  	s3 =	sadd.s32 $0x88, s3;
	s6 =	simm.s32 @!p1 $0x1082;
	[sflag:s4] =	ssyncset.s32 $0xFFFFF086  }
0x25: {  	[simem:s6], [sflag:s4] =	dma.local [hbm:s3], $0xF7A  }
0x26: {  	[smem:$0x3F9B] =	sst s1;
	(tag) =	ssettag s2;
	_ =	strace s9  }
0x27: {  	s1 =	sld [smem:$0x3FAB]  }
0x28: {  	s2 =	sld [smem:$0x3FAC]  }
0x29: {  	s4 =	sld [smem:$0x3FAE]  }
0x2a: {  	p0 =	seq.s32 s5, $0x0;
	s5 =	sld [smem:$0x3FAF]  }
0x2b: {  	s6 =	sld [smem:$0x3FB0]  }
0x2c: {  	s7 =	sld [smem:$0x3FB1]  }
0x2d: {  	s3 =	simm.s32 $0x108;
	s8 =	sld [smem:$0x3FB2]  }
0x2e: {  	s3 =	simm.s32 @!p0 $0x1082;
	s9 =	sld [smem:$0x3FB3]  }
0x2f: {  	lr =	sadd.s32 s0, s3;
	s0 =	sld [smem:$0x3FAA]  }
0x30: {  	s3 =	sld [smem:$0x3FAD]  }
0x31: {  	[smem:$0x3FB6] =	sst s10  }
0x32: {  	s10 =	sld [smem:$0x3FB4];
	_ =	sdelay $0x3  }
0x33: {  	p0 =	seq.s32 s10, $0x1;
	s10 =	sld [smem:$0x3FB6];
	_ =	sdelay $0x3  }
0x34: {  	[smem:$0x3FB6] =	sst s10  }
0x35: {  	s10 =	sld [smem:$0x3FB5];
	_ =	sdelay $0x3  }
0x36: {  	p1 =	seq.s32 s10, $0x1;
	s10 =	sld [smem:$0x3FB6];
	_ =	sdelay $0x3  }
0x37: {  	[smem:$0x3FB6] =	sst s10  }
0x38: {  	s10 =	sld [smem:$0x3FB7]  }
0x39: {  	_ = 	snop;
	(pc) =	sbr.ind lr, $3  }
0x3a: {  	_ = 	snop  }
0x3b: {  	_ = 	snop  }
0x3c: {  	p2 =	seq.s32 s10, $0x1;
	s10 =	sld [smem:$0x3FB6]  }
0x3d: {  	_ =	shalt  }
0x3e: {  	_ =	shalt  }
0x3f: {  	_ =	shalt  }
0x40: {  	_ =	shalt  }
0x41: {  	_ =	shalt  }
0x42: {  	_ =	shalt  }
0x43: {  	_ =	shalt  }
0x44: {  	_ =	shalt  }
0x45: {  	_ =	shalt  }
0x46: {  	_ =	shalt  }
0x47: {  	_ =	shalt  }
0x48: {  	_ =	shalt  }
0x49: {  	_ =	shalt  }
0x4a: {  	_ =	shalt  }
0x4b: {  	_ =	shalt  }
0x4c: {  	_ =	shalt  }
0x4d: {  	_ =	shalt  }
0x4e: {  	_ =	shalt  }
0x4f: {  	_ =	shalt  }
0x50: {  	_ =	shalt  }
0x51: {  	_ =	shalt  }
0x52: {  	_ =	shalt  }
0x53: {  	_ =	shalt  }
0x54: {  	_ =	shalt  }
0x55: {  	_ =	shalt  }
0x56: {  	_ =	shalt  }
0x57: {  	_ =	shalt  }
0x58: {  	_ =	shalt  }
0x59: {  	_ =	shalt  }
0x5a: {  	_ =	shalt  }
0x5b: {  	_ =	shalt  }
0x5c: {  	_ =	shalt  }
0x5d: {  	_ =	shalt  }
0x5e: {  	_ =	shalt  }
0x5f: {  	_ =	shalt  }
0x60: {  	_ =	shalt  }
0x61: {  	_ =	shalt  }
0x62: {  	_ =	shalt  }
0x63: {  	_ =	shalt  }
0x64: {  	_ =	shalt  }
0x65: {  	_ =	shalt  }
0x66: {  	_ =	shalt  }
0x67: {  	_ =	shalt  }
0x68: {  	_ =	shalt  }
0x69: {  	_ =	shalt  }
0x6a: {  	_ =	shalt  }
0x6b: {  	_ =	shalt  }
0x6c: {  	_ =	shalt  }
0x6d: {  	_ =	shalt  }
0x6e: {  	_ =	shalt  }
0x6f: {  	_ =	shalt  }
0x70: {  	_ =	shalt  }
0x71: {  	_ =	shalt  }
0x72: {  	_ =	shalt  }
0x73: {  	_ =	shalt  }
0x74: {  	_ =	shalt  }
0x75: {  	_ =	shalt  }
0x76: {  	_ =	shalt  }
0x77: {  	_ =	shalt  }
0x78: {  	_ =	shalt  }
0x79: {  	_ =	shalt  }
0x7a: {  	_ =	shalt  }
0x7b: {  	_ =	shalt  }
0x7c: {  	_ =	shalt  }
0x7d: {  	_ =	shalt  }
0x7e: {  	_ =	shalt  }
0x7f: {  	_ =	shalt  }
0x80: {  	_ =	shalt  }
0x81: {  	_ =	shalt  }
0x82: {  	_ =	shalt  }
0x83: {  	_ =	shalt  }
0x84: {  	_ =	shalt  }
0x85: {  	_ =	shalt  }
0x86: {  	_ =	shalt  }
0x87: {  	_ =	shalt  }
.Lfunc_end0:
.L_simem_size_0:
called_computation.1_lowered:
.L_overlay_start_0:
0x88: {  	s2 =	sld [smem:$0x3FD9]  }
0x89: {  	s3 =	sld [smem:$0x3FFE];
	_ =	sdelay $0x1  }
0x8a: {  	s1 =	srdreg.scid  }
0x8b: {  	s0 =	sand.u32 $0x1, s1  }
0x8c: {  	s17 =	sshll.u32 s0, $0xA;
	s2 =	sadd.s32 s3, s2  }
0x8d: {  	s2 =	sadd.s32 s2, s17  }
0x8e: {  	[smem:$0x3FC2] =	sst s2  }
0x8f: {  	_ = 	snop  }
0x90: {  	s2 =	sld [smem:$0x3FD0];
	(tm) =	ssettm $0x1  }
0x91: {  	s18 =	sld [smem:$0x3FFB];
	_ =	sdelay $0x3  }
0x92: {  	_ =	strace s18  }
0x93: {  	s3 =	sld [smem:$0x3FFC];
	_ =	sdelay $0x3  }
0x94: {  	_ =	strace s3  }
0x95: {  	s3 =	sld [smem:$0x3FFD];
	_ =	sdelay $0x3  }
0x96: {  	_ =	strace s3  }
0x97: {  	_ =	strace $0x8FFFFFFF  }
0x98: {  	s19 =	sld [smem:$0x3FDB];
	_ =	sdelay $0x1  }
0x99: {  	s4 =	simm.s32 $_scs_section_size  }
0x9a: {  	s5 =	simm.s32 $_size__tile_overlayer_lowered;
	s6 =	simm.s32 $_tile_overlayer_lowered  }
0x9b: {  	s22 =	simm.s32 $0x1BFF;
	s21 =	sshll.u32 s6, $0x1;
	s3 =	sadd.s32 s4, s19  }
0x9c: {  	s7 =	simm.s32 $0x0;
	s20 =	sshll.u32 s5, $0x1;
	s5 =	sadd.s32 s21, s3  }
0x9d: {  	[timem:s7], [sflag:s22] =	dma.local [hbm:s5], s20  }
0x9e: {  	_ =	swait.ge [sflag:s22], s20  }
0x9f: {  	s4 =	ssub.s32 $0x0, s20;
	[sflag:s22] =	ssyncset.done $0x0  }
0xa0: {  	[sflag:s22] =	ssyncadd.s32 s4;
	_ =	sdelay $0x1  }
0xa1: {  	s23 =	simm.s32 $0x1B8B  }
0xa2: {  	_ =	swait.ge [sflag:s23], $0x1  }
0xa3: {  	[sflag:s23] =	ssyncset.done $0x0  }
0xa4: {  	s25 =	simm.s32 $0x1B8E;
	s24 =	sld [smem:$0x3FFE];
	[sflag:s23] =	ssyncadd.s32 $0xFFFFFFFF  }
0xa5: {  	s26 =	simm.s32 $execute0_lowered;
	[smem:$0x3FD2] =	sst s25  }
0xa6: {  	s5 =	sshll.u32 s26, $0x1;
	_ =	strace $0x80000049;
	[dreg:$0x1] =	wrdreg $0xFFFFFFFF  }
0xa7: {  	s28 =	simm.s32 $_size_execute0_lowered;
	s3 =	sadd.s32 s3, s5;
	[dreg:$0x0] =	wrdreg $0x0  }
0xa8: {  	s5 =	sshll.u32 s28, $0x1;
	[dreg:$0x2] =	wrdreg s3  }
0xa9: {  	[dreg:$0x3] =	wrdreg s5  }
0xaa: {  	[dreg:$0x4] =	wrdreg $0xC0  }
0xab: {  	_ =	task [dreg:s7], $0x5FFFF  }
0xac: {  	[dreg:$0x1] =	wrdreg $0xFFFFFFFF  }
0xad: {  	[dreg:$0x0] =	wrdreg $0x60  }
0xae: {  	[dreg:$0x2] =	wrdreg s2  }
0xaf: {  	[dreg:$0x3] =	wrdreg s24  }
0xb0: {  	[dreg:$0x4] =	wrdreg $0xA4000  }
0xb1: {  	[dreg:$0x5] =	wrdreg $0x9  }
0xb2: {  	_ =	task.clear_ibuf [dreg:s7], $0x6FFFF;
	_ =	strace $0x90000049  }
0xb3: {  	s29 =	simm.s32 $0x9;
	_ =	strace $0x8000004B  }
0xb4: {  	_ =	swait.ge [sflag:s29], $0x1  }
0xb5: {  	[sflag:s29] =	ssyncadd.s32 $0xFFFFFFFF  }
0xb6: {  	_ =	strace $0x9000004B  }
0xb7: {  	_ =	sfence  }
0xb8: {  	s30 =	sld [smem:$0x0];
	_ =	sdelay $0x2  }
0xb9: {  	s31 =	sshll.u32 s1, $0xD;
	s1 =	sshrl.u32 s1, $0x2  }
0xba: {  	s3 =	sand.u32 $0x4000, s31;
	s1 =	sadd.s32 s1, s30  }
0xbb: {  	s0 =	sor.u32 s3, s0;
	s1 =	sshll.u32 s1, $0x11  }
0xbc: {  	s0 =	sor.u32 s1, s0  }
0xbd: {  	s0 =	sadd.s32 $0x8F2B, s0  }
0xbe: {  	[sflag:s0] =	ssyncadd.remote.s32 $0x1  }
0xbf: {  	_ =	sfence.sel $0xFFFF  }
0xc0: {  	[dreg:$0x0] =	wrdreg $0xFFFFFFFF;
	(pc) =	sbr.abs _section_cstart, $3  }
0xc1: {  	[dreg:$0x1] =	wrdreg $0xFFFFFFFF  }
0xc2: {  	_ =	task.clear_ibuf [dreg:s7], $0x2FFFF;
	_ =	strace $0x9FFFFFFF  }
0xc3: {  	(tm) =	ssettm $0x7FFFFFFF  }
tec
execute0_lowered:
.L_overlay_start_1:
0x0: {  	(tag) =	ssettag $0x1  }
0x1: {  	s1 =	rddreg [dreg:$0x0]  }
0x2: {  	s0 =	rddreg [dreg:$0x1];
	s2 =	srdreg.scid  }
0x3: {  	s3 =	rddreg [dreg:$0x2];
	s21 =	stileid.u32  }
0x4: {  	s4 =	simm.s32 $0x0;
	s31 =	simm.s32 $0xD;
	s28 =	simm.s32 $0xA  }
0x5: {  	s2 =	sand.u32 $0x1, s2;
	[smem:$0x7FF] =	sst s4;
	s11 =	smul.u32 $0x2800, s21  }
0x6: {  	s7 =	sadd.s32 $0xC800, s0;
	s25 =	smul.u32 $0x50000, s21;
	s5 =	sshll.u32 s2, $0x4  }
0x7: {  	s6 =	smul.u32 $0x28000, s2;
	s2 =	ssub.s32 $0x2, s2;
	s5 =	sor.u32 s21, s5  }
0x8: {  	s8 =	sadd.s32 $0x2800, s0;
	s9 =	sshrl.u32 s2, $0x1;
	s5 =	smul.u32 $0x2800, s5  }
0x9: {  	s10 =	sadd.s32 s6, s0;
	s2 =	ssub.s32 s2, s9;
	s6 =	sadd.s32 s11, s6  }
0xa: {  	s0 =	sadd.s32 $0x16800, s0;
	s17 =	sor.u32 $0x230, s6;
	s19 =	sor.u32 $0x1E0, s6  }
0xb: {  	s22 =	sor.u32 $0x190, s6;
	s6 =	sor.u32 $0x140, s6;
	s26 =	sadd.s32 $0x19000, s10  }
0xc: {  	s10 =	simm.s32 $0x3;
	s5 =	sshrl.u32 s5, $0x3;
	s20 =	sshrl.u32 s19, $0x3  }
0xd: {  	s23 =	sshrl.u32 s22, $0x3;
	s24 =	sshrl.u32 s6, $0x3;
	s6 =	simm.s32 $0x50  }
0xe: {  	s22 =	simm.s32 $0x4;
	s29 =	sadd.s32 s7, s5;
	s30 =	sor.u32 $0xA, s5  }
0xf: {  	s12 =	sadd.s32 s8, s5;
	s14 =	sor.u32 $0x14, s5;
	[dreg:$0x4] =	wrdreg s29  }
0x10: {  	s5 =	sor.u32 $0x1E, s5;
	[dreg:$0x5] =	wrdreg s12;
	s13 =	sadd.s32 s7, s30  }
0x11: {  	s19 =	sadd.s32 s24, s8;
	s9 =	sadd.s32 s8, s30;
	[dreg:$0x6] =	wrdreg s13  }
0x12: {  	s15 =	sadd.s32 s7, s14;
	s16 =	sadd.s32 s8, s14;
	[dreg:$0x7] =	wrdreg s9  }
0x13: {  	s18 =	sadd.s32 s7, s5;
	s5 =	sadd.s32 s8, s5;
	[dreg:$0x8] =	wrdreg s15  }
0x14: {  	s29 =	sshll.u32 s21, $0x6;
	s30 =	smax.u32 s2, $0x1;
	[dreg:$0x9] =	wrdreg s16  }
0x15: {  	s2 =	simm.s32 $0x380;
	s12 =	simm.s32 $0x9;
	[dreg:$0xa] =	wrdreg s18  }
0x16: {  	s21 =	simm.s32 $0x5;
	s9 =	sshrl.u32 s17, $0x3;
	[dreg:$0xb] =	wrdreg s5  }
0x17: {  	s15 =	sadd.s32 s20, s8;
	s16 =	sadd.s32 s20, s7;
	s17 =	sadd.s32 s23, s8  }
0x18: {  	s18 =	sadd.s32 s23, s7;
	s20 =	sadd.s32 s24, s7;
	s5 =	sshrl.u32 s25, $0x2  }
0x19: {  	s23 =	simm.s32 $0x7C00;
	s25 =	simm.s32 $0x6;
	s13 =	sadd.s32 s9, s8  }
.Ltmp0:
0x1a: {  	_ =	strace $0x8000004A;
	[dreg:$0xc] =	wrdreg s0;
	(pc) =	sbr.rel .LBB2_1-.Ltmp0, $4  }
0x1b: {  	s14 =	sadd.s32 s9, s7;
	s0 =	sadd.s32 s11, s26;
	[dreg:$0x10] =	wrdreg s30  }
0x1c: {  	s5 =	sadd.s32 s5, s3;
	s9 =	sor.u32 $0x1C0D, s29;
	[dreg:$0xd] =	wrdreg s0  }
0x1d: {  	s8 =	simm.s32 $0x8;
	s11 =	simm.s32 $0x0;
	[dreg:$0xe] =	wrdreg s5  }
0x1e: {  	s0 =	simm.s32 $0x180;
	s5 =	simm.s32 $0xC;
	[dreg:$0xf] =	wrdreg s9  }
.LBB2_4:
0x1f: {  	[bflag:$0x0] =	sbarrier.arrive $0xFFFF  }
0x20: {  	s7 =	rddreg [dreg:$0xd]  }
0x21: {  	s9 =	rddreg [dreg:$0xf]  }
0x22: {  	s11 =	rddreg [dreg:$0x12]  }
0x23: {  	[hbm:s7], [sflag:s9] =	dma.local [spmem:s11], $0x2800  }
0x24: {  	_ =	swait.ge [sflag:s31], $0x2800  }
0x25: {  	s29 =	rddreg [dreg:$0x11]  }
0x26: {  	s30 =	rddreg [dreg:$0x10];
	s11 =	sadd.s32 $0x1, s29  }
0x27: {  	p0 =	sne.s32 s11, s30  }
.Ltmp1:
0x28: {  	_ = 	snop;
	(pc) =	sbr.rel @!p0 .LBB2_5-.Ltmp1, $3  }
0x29: {  	_ =	sdelay $0x1  }
0x2a: {  	[sflag:s31] =	ssyncset.done $0x0  }
0x2b: {  	[sflag:s31] =	ssyncadd.s32 $0xFFFFD800  }
.LBB2_1:
0x2c: {  	[dreg:$0x11] =	wrdreg s11  }
0x2d: {  	s7 =	rddreg [dreg:$0x4]  }
0x2e: {  	s29 =	rddreg [dreg:$0x5]  }
0x2f: {  	[tilespmem:s4], [sflag:$0x1] =	stream.linear.gather [hbm4b:s7+s4], $0x50, $0x38;
	[tilespmem:$0x1E400] =	vst v63  }
0x30: {  	s30 =	simm.s32 $0x200;
	s24 =	rddreg [dreg:$0x6]  }
0x31: {  	[tilespmem:s30], [sflag:$0x5] =	stream.linear.gather [hbm4b:s29+s4], $0x50, $0x38;
	[tilespmem:$0x1E400] =	vst v63  }
0x32: {  	s11 =	simm.s32 $0x80;
	s26 =	rddreg [dreg:$0x7]  }
0x33: {  	[tilespmem:s11], [sflag:$0x2] =	stream.linear.gather [hbm4b:s24+s4], $0x50, $0x38;
	[tilespmem:$0x1E400] =	vst v63  }
0x34: {  	s29 =	rddreg [dreg:$0x8];
	s24 =	simm.s32 $0x280  }
0x35: {  	[tilespmem:s24], [sflag:$0x6] =	stream.linear.gather [hbm4b:s26+s4], $0x50, $0x38;
	[tilespmem:$0x1E400] =	vst v63  }
0x36: {  	s26 =	rddreg [dreg:$0x9]  }
0x37: {  	s30 =	simm.s32 $0x100;
	s24 =	rddreg [dreg:$0xb]  }
0x38: {  	[tilespmem:s30], [sflag:$0x3] =	stream.linear.gather [hbm4b:s29+s4], $0x50, $0x38;
	[tilespmem:$0x1E400] =	vst v63  }
0x39: {  	s29 =	simm.s32 $0x300;
	s30 =	rddreg [dreg:$0xa]  }
0x3a: {  	[tilespmem:s29], [sflag:$0x7] =	stream.linear.gather [hbm4b:s26+s4], $0x50, $0x38;
	[tilespmem:$0x1E400] =	vst v63  }
0x3b: {  	s26 =	rddreg [dreg:$0xe]  }
0x3c: {  	[tilespmem:s0], [sflag:$0x4] =	stream.linear.gather [hbm4b:s30+s4], $0x50, $0x38;
	[tilespmem:$0x1E400] =	vst v63  }
0x3d: {  	s29 =	sshrl.u32 s26, $0x3;
	s30 =	rddreg [dreg:$0xc]  }
0x3e: {  	[dreg:$0x12] =	wrdreg s29  }
0x3f: {  	[tilespmem:s2], [sflag:$0x8] =	stream.linear.gather [hbm4b:s24+s4], $0x50, $0x38;
	[tilespmem:$0x1E400] =	vst v63  }
0x40: {  	[spmem:s29], [sflag:s9] =	dma.local [hbm:s30], $0x2800  }
0x41: {  	_ =	swait.ge [sflag:s31], $0x2800  }
0x42: {  	[sflag:s31] =	ssyncset.done $0x0  }
0x43: {  	s24 =	simm.s32 $0x1;
	[sflag:s31] =	ssyncadd.s32 $0xFFFFD800  }
0x44: {  	_ =	swait.ge [sflag:s24], $0x50  }
0x45: {  	[sflag:s24] =	ssyncset.done $0x0  }
0x46: {  	s26 =	simm.s32 $0x400;
	s29 =	simm.s32 $0x2;
	[sflag:s24] =	ssyncadd.s32 $0xFFFFFFB0  }
0x47: {  	[tilespmem:s26], [sflag:$0x9] =	stream.indirect.gather [hbm4b:s1+s6], $0x80, s4, s6, $0xb8;
	[tilespmem:$0x1E400] =	vst v63  }
0x48: {  	_ =	swait.ge [sflag:s29], $0x50  }
0x49: {  	[sflag:s29] =	ssyncset.done $0x0  }
0x4a: {  	s30 =	simm.s32 $0x2C00;
	[sflag:s29] =	ssyncadd.s32 $0xFFFFFFB0  }
0x4b: {  	[tilespmem:s30], [sflag:$0xA] =	stream.indirect.gather [hbm4b:s1+s6], $0x80, s11, s6, $0xb8;
	[tilespmem:$0x1E400] =	vst v63  }
0x4c: {  	s24 =	simm.s32 $0x0;
	[bflag:$0x0] =	sbarrier.arrive $0xFFFF  }
.LBB2_2:
0x4d: {  	_ =	swait.ge [sflag:s10], $0x50  }
0x4e: {  	[sflag:s10] =	ssyncset.done $0x0  }
0x4f: {  	s7 =	simm.s32 $0x100;
	s9 =	simm.s32 $0x5400;
	[sflag:s10] =	ssyncadd.s32 $0xFFFFFFB0  }
0x50: {  	[tilespmem:s9], [sflag:$0xB] =	stream.indirect.gather [hbm4b:s1+s6], $0x80, s7, s6, $0xb8;
	[tilespmem:$0x1E400] =	vst v63  }
0x51: {  	_ =	swait.ge [sflag:s12], $0x2800  }
0x52: {  	[sflag:s12] =	ssyncset.done $0x0  }
0x53: {  	[sflag:s12] =	ssyncadd.s32 $0xFFFFD800  }
0x54: {  	_ =	swait.ge [sflag:s21], $0x50  }
0x55: {  	[sflag:s21] =	ssyncset.done $0x0  }
0x56: {  	s11 =	simm.s32 $0x200;
	s26 =	simm.s32 $0x400;
	[sflag:s21] =	ssyncadd.s32 $0xFFFFFFB0  }
0x57: {  	[spmem:s3] =	stream.indirect.scatter.add.f32 [tilespmem:s26], [sflag:$0xD], $0x80, s11, s6, $0xb8;
	[tilespmem:$0x1E400] =	vst v63  }
0x58: {  	_ =	swait.ge [sflag:s31], $0x2800  }
0x59: {  	p0 =	seq.s32 s24, $0x4D8;
	[sflag:s31] =	ssyncset.done $0x0  }
0x5a: {  	s29 =	sadd.s32 @!p0 s24, s20;
	s26 =	simm.s32 @!p0 $0x0;
	[sflag:s31] =	ssyncadd.s32 $0xFFFFD800  }
0x5b: {  	[tilespmem:s26], [sflag:$0x1] =	stream.linear.gather @!p0 [hbm4b:s29+s26], $0x50, $0x38;
	[tilespmem:$0x1E400] =	vst v63  }
0x5c: {  	s30 =	simm.s32 @!p0 $0x200;
	s29 =	sadd.s32 @!p0 s24, s19  }
0x5d: {  	[tilespmem:s30], [sflag:$0x5] =	stream.linear.gather @!p0 [hbm4b:s29+s26], $0x50, $0x38;
	[tilespmem:$0x1E400] =	vst v63  }
0x5e: {  	_ =	swait.ge [sflag:s22], $0x50  }
0x5f: {  	[sflag:s22] =	ssyncset.done $0x0  }
0x60: {  	[sflag:s22] =	ssyncadd.s32 $0xFFFFFFB0  }
0x61: {  	[tilespmem:s23], [sflag:$0xC] =	stream.indirect.gather [hbm4b:s1+s6], $0x80, s0, s6, $0xb8;
	[tilespmem:$0x1E400] =	vst v63  }
0x62: {  	_ =	swait.ge [sflag:s28], $0x2800  }
0x63: {  	[sflag:s28] =	ssyncset.done $0x0  }
0x64: {  	[sflag:s28] =	ssyncadd.s32 $0xFFFFD800  }
0x65: {  	_ =	swait.ge [sflag:s25], $0x50  }
0x66: {  	[sflag:s25] =	ssyncset.done $0x0  }
0x67: {  	s29 =	simm.s32 $0x280;
	s30 =	simm.s32 $0x2C00;
	[sflag:s25] =	ssyncadd.s32 $0xFFFFFFB0  }
0x68: {  	[spmem:s3] =	stream.indirect.scatter.add.f32 [tilespmem:s30], [sflag:$0xD], $0x80, s29, s6, $0xb8;
	[tilespmem:$0x1E400] =	vst v63  }
0x69: {  	_ =	swait.ge [sflag:s31], $0x2800  }
0x6a: {  	[sflag:s31] =	ssyncset.done $0x0  }
0x6b: {  	s29 =	simm.s32 @p0 $0xB;
	[sflag:s31] =	ssyncadd.s32 $0xFFFFD800  }
0x6c: {  	_ =	swait.ge @p0 [sflag:s29], $0x2800  }
0x6d: {  	[sflag:s29] =	ssyncset.done @p0 $0x0  }
0x6e: {  	[sflag:s29] =	ssyncadd.s32 @p0 $0xFFFFD800;
	s29 =	simm.s32 @p0 $0x7  }
0x6f: {  	_ =	swait.ge @p0 [sflag:s29], $0x50  }
0x70: {  	s11 =	simm.s32 @p0 $0x5400;
	[sflag:s29] =	ssyncset.done @p0 $0x0  }
0x71: {  	s30 =	simm.s32 @p0 $0x300;
	[sflag:s29] =	ssyncadd.s32 @p0 $0xFFFFFFB0;
	s29 =	simm.s32 @p0 $0x50  }
0x72: {  	[spmem:s3] =	stream.indirect.scatter.add.f32 @p0 [tilespmem:s11], [sflag:$0xD], $0x80, s30, s29, $0xb8;
	[tilespmem:$0x1E400] =	vst v63  }
0x73: {  	s11 =	simm.s32 @p0 $0xD  }
0x74: {  	_ =	swait.ge @p0 [sflag:s11], $0x2800  }
0x75: {  	[sflag:s11] =	ssyncset.done @p0 $0x0  }
0x76: {  	s29 =	simm.s32 @!p0 $0x80;
	[sflag:s11] =	ssyncadd.s32 @p0 $0xFFFFD800;
	s11 =	sadd.s32 @!p0 s24, s18  }
0x77: {  	[tilespmem:s29], [sflag:$0x2] =	stream.linear.gather @!p0 [hbm4b:s11+s26], $0x50, $0x38;
	[tilespmem:$0x1E400] =	vst v63  }
0x78: {  	s30 =	simm.s32 @!p0 $0x280;
	s11 =	sadd.s32 @!p0 s24, s17  }
0x79: {  	[tilespmem:s30], [sflag:$0x6] =	stream.linear.gather @!p0 [hbm4b:s11+s26], $0x50, $0x38;
	[tilespmem:$0x1E400] =	vst v63  }
0x7a: {  	s11 =	simm.s32 @!p0 $0x1  }
0x7b: {  	_ =	swait.ge @!p0 [sflag:s11], $0x50  }
0x7c: {  	[sflag:s11] =	ssyncset.done @!p0 $0x0  }
0x7d: {  	s30 =	simm.s32 @!p0 $0x400;
	[sflag:s11] =	ssyncadd.s32 @!p0 $0xFFFFFFB0;
	s11 =	simm.s32 @!p0 $0x50  }
0x7e: {  	[tilespmem:s30], [sflag:$0x9] =	stream.indirect.gather @!p0 [hbm4b:s1+s11], $0x80, s26, s11, $0xb8;
	[tilespmem:$0x1E400] =	vst v63  }
0x7f: {  	s30 =	simm.s32 @!p0 $0xB  }
0x80: {  	_ =	swait.ge @!p0 [sflag:s30], $0x2800  }
0x81: {  	[sflag:s30] =	ssyncset.done @!p0 $0x0  }
0x82: {  	[sflag:s30] =	ssyncadd.s32 @!p0 $0xFFFFD800;
	s30 =	simm.s32 @!p0 $0x7  }
0x83: {  	_ =	swait.ge @!p0 [sflag:s30], $0x50  }
0x84: {  	[sflag:s30] =	ssyncset.done @!p0 $0x0  }
0x85: {  	s7 =	simm.s32 @!p0 $0x5400;
	[sflag:s30] =	ssyncadd.s32 @!p0 $0xFFFFFFB0;
	s30 =	simm.s32 @!p0 $0x300  }
0x86: {  	[spmem:s3] =	stream.indirect.scatter.add.f32 @!p0 [tilespmem:s7], [sflag:$0xD], $0x80, s30, s11, $0xb8;
	[tilespmem:$0x1E400] =	vst v63  }
0x87: {  	s7 =	simm.s32 @!p0 $0xD  }
0x88: {  	_ =	swait.ge @!p0 [sflag:s7], $0x2800  }
0x89: {  	[sflag:s7] =	ssyncset.done @!p0 $0x0  }
0x8a: {  	s9 =	simm.s32 @!p0 $0x100;
	[sflag:s7] =	ssyncadd.s32 @!p0 $0xFFFFD800;
	s7 =	sadd.s32 @!p0 s24, s16  }
0x8b: {  	[tilespmem:s9], [sflag:$0x3] =	stream.linear.gather @!p0 [hbm4b:s7+s26], $0x50, $0x38;
	[tilespmem:$0x1E400] =	vst v63  }
0x8c: {  	s7 =	sadd.s32 @!p0 s24, s15  }
0x8d: {  	[tilespmem:s30], [sflag:$0x7] =	stream.linear.gather @!p0 [hbm4b:s7+s26], $0x50, $0x38;
	[tilespmem:$0x1E400] =	vst v63  }
0x8e: {  	s7 =	simm.s32 @!p0 $0x2  }
0x8f: {  	_ =	swait.ge @!p0 [sflag:s7], $0x50  }
0x90: {  	[sflag:s7] =	ssyncset.done @!p0 $0x0  }
0x91: {  	[sflag:s7] =	ssyncadd.s32 @!p0 $0xFFFFFFB0;
	s7 =	simm.s32 @!p0 $0x2C00  }
0x92: {  	[tilespmem:s7], [sflag:$0xA] =	stream.indirect.gather @!p0 [hbm4b:s1+s11], $0x80, s29, s11, $0xb8;
	[tilespmem:$0x1E400] =	vst v63  }
0x93: {  	_ =	swait.ge [sflag:s5], $0x2800  }
0x94: {  	[sflag:s5] =	ssyncset.done $0x0  }
0x95: {  	[sflag:s5] =	ssyncadd.s32 $0xFFFFD800  }
0x96: {  	_ =	swait.ge [sflag:s8], $0x50  }
0x97: {  	[sflag:s8] =	ssyncset.done $0x0  }
.Ltmp2:
0x98: {  	[sflag:s8] =	ssyncadd.s32 $0xFFFFFFB0;
	(pc) =	sbr.rel @p0 .LBB2_4-.Ltmp2, $4  }
0x99: {  	[spmem:s3] =	stream.indirect.scatter.add.f32 [tilespmem:s23], [sflag:$0xD], $0x80, s2, s6, $0xb8;
	[tilespmem:$0x1E400] =	vst v63  }
0x9a: {  	_ =	swait.ge [sflag:s31], $0x2800  }
0x9b: {  	[sflag:s31] =	ssyncset.done $0x0  }
0x9c: {  	[sflag:s31] =	ssyncadd.s32 $0xFFFFD800  }
.Ltmp3:
0x9d: {  	(pc) =	sbr.rel .LBB2_2-.Ltmp3, $4  }
0x9e: {  	s7 =	sadd.s32 s24, s14  }
0x9f: {  	[tilespmem:s0], [sflag:$0x4] =	stream.linear.gather [hbm4b:s7+s4], $0x50, $0x38;
	[tilespmem:$0x1E400] =	vst v63  }
0xa0: {  	s30 =	sadd.s32 s24, s13;
	s24 =	sadd.s32 $0x28, s24  }
0xa1: {  	[tilespmem:s2], [sflag:$0x8] =	stream.linear.gather [hbm4b:s30+s4], $0x50, $0x38;
	[tilespmem:$0x1E400] =	vst v63  }
.LBB2_5:
0xa2: {  	_ =	sfence.sel $0x180000  }
0xa3: {  	[bflag:$0x0] =	sbarrier.arrive $0xFFFF  }
0xa4: {  	_ =	strace $0x9000004A  }
0xa5: {  	s0 =	stileid.u32;
	[bflag:$0x2] =	sbarrier.arrive $0xFFFF  }
0xa6: {  	p0 =	sne.s32 s0, $0x0;
	s0 =	rddreg [dreg:$0x3]  }
0xa7: {  	s0 =	sadd.s32 @!p0 $0x100000, s0  }
0xa8: {  	[sflag:s0] =	ssyncadd.tile.s32 @!p0 $0x1;
	_ =	shalt  }
.Lfunc_end2:
_tile_overlayer_lowered:
.L_overlay_start_2:
0xa9: {  	(tag) =	ssettag $0x2  }
0xaa: {  	s0 =	rddreg [dreg:$0x0];
	s2 =	stileid.u32  }
0xab: {  	s1 =	rddreg [dreg:$0x1];
	p0 =	sne.s32 s2, $0x0  }
0xac: {  	s3 =	rddreg [dreg:$0x2];
	[bflag:$0x3] =	sbarrier.arrive $0xFFFF;
	s2 =	simm.s32 @!p0 $0x1C0D  }
0xad: {  	[timem:s3], [sflag:s2] =	dma.local @!p0 [hbm:s0], s1  }
0xae: {  	s0 =	simm.s32 @!p0 $0xD  }
0xaf: {  	_ =	swait.ge @!p0 [sflag:s0], s1  }
0xb0: {  	s1 =	ssub.s32 @!p0 $0x0, s1;
	[sflag:s0] =	ssyncset.done @!p0 $0x0  }
0xb1: {  	[sflag:s0] =	ssyncadd.s32 @!p0 s1  }
0xb2: {  	[bflag:$0x3] =	sbarrier.arrive $0xFFFF  }
0xb3: {  	_ =	shalt  }

// kernel: kernel.14.cloned.1.call-start
scs
__scs_entry_jumppad:
0x0: {  	(pc) =	sbr.rel $0x88, $3  }
0x1: {  	(tag) =	ssettag $0x0;
	lr =	simm.s32 $0x1  }
0x2: {  	[smem:$0x3F9B] =	sst lr;
	_ =	strace $0xD0000000  }
0x3: {  	_ = 	snop  }
0x4: {  	_ = 	snop  }
0x5: {  	_ = 	snop  }
0x6: {  	_ = 	snop  }
0x7: {  	_ = 	snop  }
__scs_overlays_trampoline_lowered:
0x8: {  	[smem:$0x3FAA] =	sst s0  }
0x9: {  	[smem:$0x3FAB] =	sst s1  }
0xa: {  	[smem:$0x3FAC] =	sst s2  }
0xb: {  	[smem:$0x3FAD] =	sst s3  }
0xc: {  	[smem:$0x3FAE] =	sst s4  }
0xd: {  	[smem:$0x3FAF] =	sst s5  }
0xe: {  	[smem:$0x3FB0] =	sst s6  }
0xf: {  	[smem:$0x3FB1] =	sst s7  }
0x10: {  	[smem:$0x3FB2] =	sst s8  }
0x11: {  	[smem:$0x3FB3] =	sst s9;
	s0 =	simm.s32 @!p0 $0x0  }
0x12: {  	s1 =	sld [smem:$0x3F99];
	s0 =	simm.s32 @p0 $0x1  }
0x13: {  	[smem:$0x3FB4] =	sst s0;
	s0 =	simm.s32 @!p1 $0x0  }
0x14: {  	s2 =	sld [smem:$0x3F98];
	s0 =	simm.s32 @p1 $0x1  }
0x15: {  	[smem:$0x3FB5] =	sst s0;
	s0 =	simm.s32 @!p2 $0x0  }
0x16: {  	s3 =	sld [smem:$0x3FDB];
	s0 =	simm.s32 @p2 $0x1  }
0x17: {  	s4 =	simm.s32 $0x1BF5;
	[smem:$0x3FB7] =	sst s0  }
0x18: {  	s0 =	sld [smem:$0x3F9A];
	_ =	swait.ge [sflag:s4], $0x0  }
0x19: {  	s7 =	sld [smem:$0x3F9B]  }
0x1a: {  	s8 =	sadd.s32 $0xFFFFE003, lr  }
0x1b: {  	s9 =	sadd.s32 $0xFFFFFEF7, lr;
	s5 =	simm.s32 $0xFFFFFFFF;
	p2 =	slt.u32 s8, $0xFFFFF086  }
0x1c: {  	p1 =	slt.u32 s9, $0xF7A;
	s5 =	simm.s32 @!p2 $0x0  }
0x1d: {  	s5 =	simm.s32 @p1 $0x1;
	p0 =	seq.s32 s7, s2  }
0x1e: {  	s7 =	smul.u32 @!p0 $0xF7A, s2;
	p2 =	seq.s32 @!p0 s5, $0x0  }
0x1f: {  	s9 =	smul.u32 $0xF7A, s1;
	s8 =	simm.s32 @!p0 $0x1BF5;
	p2 =	por !p2, p0  }
0x20: {  	[sflag:s8] =	ssyncset.s32 @!p0 $0xFFFFF086;
	s6 =	sadd.s32 @!p0 s3, s7;
	s7 =	simm.s32 @!p0 $0x108  }
0x21: {  	s3 =	sadd.s32 s3, s9;
	s6 =	sadd.s32 @!p0 $0x88, s6;
	s7 =	simm.s32 @p2 $0x1082  }
0x22: {  	[simem:s7], [sflag:s8] =	dma.local @!p0 [hbm:s6], $0xF7A  }
0x23: {  	s9 =	sor.u32 $0xD0000000, s2;
	s6 =	simm.s32 $0x108;
	_ =	swait.ge @!p0 [sflag:s8], $0x0  }
0x24: {  	s3 =	sadd.s32 $0x88, s3;
	s6 =	simm.s32 @!p1 $0x1082;
	[sflag:s4] =	ssyncset.s32 $0xFFFFF086  }
0x25: {  	[simem:s6], [sflag:s4] =	dma.local [hbm:s3], $0xF7A  }
0x26: {  	[smem:$0x3F9B] =	sst s1;
	(tag) =	ssettag s2;
	_ =	strace s9  }
0x27: {  	s1 =	sld [smem:$0x3FAB]  }
0x28: {  	s2 =	sld [smem:$0x3FAC]  }
0x29: {  	s4 =	sld [smem:$0x3FAE]  }
0x2a: {  	p0 =	seq.s32 s5, $0x0;
	s5 =	sld [smem:$0x3FAF]  }
0x2b: {  	s6 =	sld [smem:$0x3FB0]  }
0x2c: {  	s7 =	sld [smem:$0x3FB1]  }
0x2d: {  	s3 =	simm.s32 $0x108;
	s8 =	sld [smem:$0x3FB2]  }
0x2e: {  	s3 =	simm.s32 @!p0 $0x1082;
	s9 =	sld [smem:$0x3FB3]  }
0x2f: {  	lr =	sadd.s32 s0, s3;
	s0 =	sld [smem:$0x3FAA]  }
0x30: {  	s3 =	sld [smem:$0x3FAD]  }
0x31: {  	[smem:$0x3FB6] =	sst s10  }
0x32: {  	s10 =	sld [smem:$0x3FB4];
	_ =	sdelay $0x3  }
0x33: {  	p0 =	seq.s32 s10, $0x1;
	s10 =	sld [smem:$0x3FB6];
	_ =	sdelay $0x3  }
0x34: {  	[smem:$0x3FB6] =	sst s10  }
0x35: {  	s10 =	sld [smem:$0x3FB5];
	_ =	sdelay $0x3  }
0x36: {  	p1 =	seq.s32 s10, $0x1;
	s10 =	sld [smem:$0x3FB6];
	_ =	sdelay $0x3  }
0x37: {  	[smem:$0x3FB6] =	sst s10  }
0x38: {  	s10 =	sld [smem:$0x3FB7]  }
0x39: {  	_ = 	snop;
	(pc) =	sbr.ind lr, $3  }
0x3a: {  	_ = 	snop  }
0x3b: {  	_ = 	snop  }
0x3c: {  	p2 =	seq.s32 s10, $0x1;
	s10 =	sld [smem:$0x3FB6]  }
0x3d: {  	_ =	shalt  }
0x3e: {  	_ =	shalt  }
0x3f: {  	_ =	shalt  }
0x40: {  	_ =	shalt  }
0x41: {  	_ =	shalt  }
0x42: {  	_ =	shalt  }
0x43: {  	_ =	shalt  }
0x44: {  	_ =	shalt  }
0x45: {  	_ =	shalt  }
0x46: {  	_ =	shalt  }
0x47: {  	_ =	shalt  }
0x48: {  	_ =	shalt  }
0x49: {  	_ =	shalt  }
0x4a: {  	_ =	shalt  }
0x4b: {  	_ =	shalt  }
0x4c: {  	_ =	shalt  }
0x4d: {  	_ =	shalt  }
0x4e: {  	_ =	shalt  }
0x4f: {  	_ =	shalt  }
0x50: {  	_ =	shalt  }
0x51: {  	_ =	shalt  }
0x52: {  	_ =	shalt  }
0x53: {  	_ =	shalt  }
0x54: {  	_ =	shalt  }
0x55: {  	_ =	shalt  }
0x56: {  	_ =	shalt  }
0x57: {  	_ =	shalt  }
0x58: {  	_ =	shalt  }
0x59: {  	_ =	shalt  }
0x5a: {  	_ =	shalt  }
0x5b: {  	_ =	shalt  }
0x5c: {  	_ =	shalt  }
0x5d: {  	_ =	shalt  }
0x5e: {  	_ =	shalt  }
0x5f: {  	_ =	shalt  }
0x60: {  	_ =	shalt  }
0x61: {  	_ =	shalt  }
0x62: {  	_ =	shalt  }
0x63: {  	_ =	shalt  }
0x64: {  	_ =	shalt  }
0x65: {  	_ =	shalt  }
0x66: {  	_ =	shalt  }
0x67: {  	_ =	shalt  }
0x68: {  	_ =	shalt  }
0x69: {  	_ =	shalt  }
0x6a: {  	_ =	shalt  }
0x6b: {  	_ =	shalt  }
0x6c: {  	_ =	shalt  }
0x6d: {  	_ =	shalt  }
0x6e: {  	_ =	shalt  }
0x6f: {  	_ =	shalt  }
0x70: {  	_ =	shalt  }
0x71: {  	_ =	shalt  }
0x72: {  	_ =	shalt  }
0x73: {  	_ =	shalt  }
0x74: {  	_ =	shalt  }
0x75: {  	_ =	shalt  }
0x76: {  	_ =	shalt  }
0x77: {  	_ =	shalt  }
0x78: {  	_ =	shalt  }
0x79: {  	_ =	shalt  }
0x7a: {  	_ =	shalt  }
0x7b: {  	_ =	shalt  }
0x7c: {  	_ =	shalt  }
0x7d: {  	_ =	shalt  }
0x7e: {  	_ =	shalt  }
0x7f: {  	_ =	shalt  }
0x80: {  	_ =	shalt  }
0x81: {  	_ =	shalt  }
0x82: {  	_ =	shalt  }
0x83: {  	_ =	shalt  }
0x84: {  	_ =	shalt  }
0x85: {  	_ =	shalt  }
0x86: {  	_ =	shalt  }
0x87: {  	_ =	shalt  }
.Lfunc_end0:
.L_simem_size_0:
called_computation.2_lowered:
.L_overlay_start_0:
0x88: {  	s2 =	sld [smem:$0x3FD9]  }
0x89: {  	s3 =	sld [smem:$0x3FFE];
	_ =	sdelay $0x1  }
0x8a: {  	s1 =	srdreg.scid  }
0x8b: {  	s0 =	sand.u32 $0x1, s1  }
0x8c: {  	s17 =	sshll.u32 s0, $0xA;
	s2 =	sadd.s32 s3, s2  }
0x8d: {  	s2 =	sadd.s32 s2, s17  }
0x8e: {  	[smem:$0x3FC2] =	sst s2  }
0x8f: {  	_ = 	snop  }
0x90: {  	s2 =	sld [smem:$0x3FD0];
	(tm) =	ssettm $0x1  }
0x91: {  	s18 =	sld [smem:$0x3FFB];
	_ =	sdelay $0x3  }
0x92: {  	_ =	strace s18  }
0x93: {  	s3 =	sld [smem:$0x3FFC];
	_ =	sdelay $0x3  }
0x94: {  	_ =	strace s3  }
0x95: {  	s3 =	sld [smem:$0x3FFD];
	_ =	sdelay $0x3  }
0x96: {  	_ =	strace s3  }
0x97: {  	_ =	strace $0x8FFFFFFF  }
0x98: {  	s19 =	sld [smem:$0x3FDB];
	_ =	sdelay $0x1  }
0x99: {  	s4 =	simm.s32 $_scs_section_size  }
0x9a: {  	s5 =	simm.s32 $_size__tile_overlayer_lowered;
	s6 =	simm.s32 $_tile_overlayer_lowered  }
0x9b: {  	s22 =	simm.s32 $0x1BFF;
	s21 =	sshll.u32 s6, $0x1;
	s3 =	sadd.s32 s4, s19  }
0x9c: {  	s7 =	simm.s32 $0x0;
	s20 =	sshll.u32 s5, $0x1;
	s5 =	sadd.s32 s21, s3  }
0x9d: {  	[timem:s7], [sflag:s22] =	dma.local [hbm:s5], s20  }
0x9e: {  	_ =	swait.ge [sflag:s22], s20  }
0x9f: {  	s4 =	ssub.s32 $0x0, s20;
	[sflag:s22] =	ssyncset.done $0x0  }
0xa0: {  	[sflag:s22] =	ssyncadd.s32 s4;
	_ =	sdelay $0x1  }
0xa1: {  	s23 =	simm.s32 $0x1B8B  }
0xa2: {  	_ =	swait.ge [sflag:s23], $0x1  }
0xa3: {  	[sflag:s23] =	ssyncset.done $0x0  }
0xa4: {  	s25 =	simm.s32 $0x1B8E;
	s24 =	sld [smem:$0x3FFE];
	[sflag:s23] =	ssyncadd.s32 $0xFFFFFFFF  }
0xa5: {  	s26 =	simm.s32 $execute0_lowered;
	[smem:$0x3FD2] =	sst s25  }
0xa6: {  	s5 =	sshll.u32 s26, $0x1;
	_ =	strace $0x8000004C;
	[dreg:$0x1] =	wrdreg $0xFFFFFFFF  }
0xa7: {  	s28 =	simm.s32 $_size_execute0_lowered;
	s3 =	sadd.s32 s3, s5;
	[dreg:$0x0] =	wrdreg $0x0  }
0xa8: {  	s5 =	sshll.u32 s28, $0x1;
	[dreg:$0x2] =	wrdreg s3  }
0xa9: {  	[dreg:$0x3] =	wrdreg s5  }
0xaa: {  	[dreg:$0x4] =	wrdreg $0xC0  }
0xab: {  	_ =	task [dreg:s7], $0x5FFFF  }
0xac: {  	[dreg:$0x1] =	wrdreg $0xFFFFFFFF  }
0xad: {  	[dreg:$0x0] =	wrdreg $0x60  }
0xae: {  	[dreg:$0x2] =	wrdreg s2  }
0xaf: {  	[dreg:$0x3] =	wrdreg s24  }
0xb0: {  	[dreg:$0x4] =	wrdreg $0xA4000  }
0xb1: {  	[dreg:$0x5] =	wrdreg $0x9  }
0xb2: {  	_ =	task.clear_ibuf [dreg:s7], $0x6FFFF;
	_ =	strace $0x9000004C  }
0xb3: {  	s29 =	simm.s32 $0x9;
	_ =	strace $0x8000004E  }
0xb4: {  	_ =	swait.ge [sflag:s29], $0x1  }
0xb5: {  	[sflag:s29] =	ssyncadd.s32 $0xFFFFFFFF  }
0xb6: {  	_ =	strace $0x9000004E  }
0xb7: {  	_ =	sfence  }
0xb8: {  	s30 =	sld [smem:$0x0];
	_ =	sdelay $0x2  }
0xb9: {  	s31 =	sshll.u32 s1, $0xD;
	s1 =	sshrl.u32 s1, $0x2  }
0xba: {  	s3 =	sand.u32 $0x4000, s31;
	s1 =	sadd.s32 s1, s30  }
0xbb: {  	s0 =	sor.u32 s3, s0;
	s1 =	sshll.u32 s1, $0x11  }
0xbc: {  	s0 =	sor.u32 s1, s0  }
0xbd: {  	s0 =	sadd.s32 $0x8F2B, s0  }
0xbe: {  	[sflag:s0] =	ssyncadd.remote.s32 $0x1  }
0xbf: {  	_ =	sfence.sel $0xFFFF  }
0xc0: {  	[dreg:$0x0] =	wrdreg $0xFFFFFFFF;
	(pc) =	sbr.abs _section_cstart, $3  }
0xc1: {  	[dreg:$0x1] =	wrdreg $0xFFFFFFFF  }
0xc2: {  	_ =	task.clear_ibuf [dreg:s7], $0x2FFFF;
	_ =	strace $0x9FFFFFFF  }
0xc3: {  	(tm) =	ssettm $0x7FFFFFFF  }
tec
execute0_lowered:
.L_overlay_start_1:
0x0: {  	(tag) =	ssettag $0x1  }
0x1: {  	s1 =	rddreg [dreg:$0x0]  }
0x2: {  	s0 =	rddreg [dreg:$0x1];
	s2 =	srdreg.scid  }
0x3: {  	s3 =	rddreg [dreg:$0x2];
	s21 =	stileid.u32  }
0x4: {  	s4 =	simm.s32 $0x0;
	s31 =	simm.s32 $0xD;
	s28 =	simm.s32 $0xA  }
0x5: {  	s2 =	sand.u32 $0x1, s2;
	[smem:$0x7FF] =	sst s4;
	s11 =	smul.u32 $0x2800, s21  }
0x6: {  	s7 =	sadd.s32 $0xC800, s0;
	s25 =	smul.u32 $0x50000, s21;
	s5 =	sshll.u32 s2, $0x4  }
0x7: {  	s6 =	smul.u32 $0x28000, s2;
	s2 =	ssub.s32 $0x2, s2;
	s5 =	sor.u32 s21, s5  }
0x8: {  	s8 =	sadd.s32 $0x2800, s0;
	s9 =	sshrl.u32 s2, $0x1;
	s5 =	smul.u32 $0x2800, s5  }
0x9: {  	s10 =	sadd.s32 s6, s0;
	s2 =	ssub.s32 s2, s9;
	s6 =	sadd.s32 s11, s6  }
0xa: {  	s0 =	sadd.s32 $0x16800, s0;
	s17 =	sor.u32 $0x230, s6;
	s19 =	sor.u32 $0x1E0, s6  }
0xb: {  	s22 =	sor.u32 $0x190, s6;
	s6 =	sor.u32 $0x140, s6;
	s26 =	sadd.s32 $0x19000, s10  }
0xc: {  	s10 =	simm.s32 $0x3;
	s5 =	sshrl.u32 s5, $0x3;
	s20 =	sshrl.u32 s19, $0x3  }
0xd: {  	s23 =	sshrl.u32 s22, $0x3;
	s24 =	sshrl.u32 s6, $0x3;
	s6 =	simm.s32 $0x50  }
0xe: {  	s22 =	simm.s32 $0x4;
	s29 =	sadd.s32 s7, s5;
	s30 =	sor.u32 $0xA, s5  }
0xf: {  	s12 =	sadd.s32 s8, s5;
	s14 =	sor.u32 $0x14, s5;
	[dreg:$0x4] =	wrdreg s29  }
0x10: {  	s5 =	sor.u32 $0x1E, s5;
	[dreg:$0x5] =	wrdreg s12;
	s13 =	sadd.s32 s7, s30  }
0x11: {  	s19 =	sadd.s32 s24, s8;
	s9 =	sadd.s32 s8, s30;
	[dreg:$0x6] =	wrdreg s13  }
0x12: {  	s15 =	sadd.s32 s7, s14;
	s16 =	sadd.s32 s8, s14;
	[dreg:$0x7] =	wrdreg s9  }
0x13: {  	s18 =	sadd.s32 s7, s5;
	s5 =	sadd.s32 s8, s5;
	[dreg:$0x8] =	wrdreg s15  }
0x14: {  	s29 =	sshll.u32 s21, $0x6;
	s30 =	smax.u32 s2, $0x1;
	[dreg:$0x9] =	wrdreg s16  }
0x15: {  	s2 =	simm.s32 $0x380;
	s12 =	simm.s32 $0x9;
	[dreg:$0xa] =	wrdreg s18  }
0x16: {  	s21 =	simm.s32 $0x5;
	s9 =	sshrl.u32 s17, $0x3;
	[dreg:$0xb] =	wrdreg s5  }
0x17: {  	s15 =	sadd.s32 s20, s8;
	s16 =	sadd.s32 s20, s7;
	s17 =	sadd.s32 s23, s8  }
0x18: {  	s18 =	sadd.s32 s23, s7;
	s20 =	sadd.s32 s24, s7;
	s5 =	sshrl.u32 s25, $0x2  }
0x19: {  	s23 =	simm.s32 $0x7C00;
	s25 =	simm.s32 $0x6;
	s13 =	sadd.s32 s9, s8  }
.Ltmp0:
0x1a: {  	_ =	strace $0x8000004D;
	[dreg:$0xc] =	wrdreg s0;
	(pc) =	sbr.rel .LBB2_1-.Ltmp0, $4  }
0x1b: {  	s14 =	sadd.s32 s9, s7;
	s0 =	sadd.s32 s11, s26;
	[dreg:$0x10] =	wrdreg s30  }
0x1c: {  	s5 =	sadd.s32 s5, s3;
	s9 =	sor.u32 $0x1C0D, s29;
	[dreg:$0xd] =	wrdreg s0  }
0x1d: {  	s8 =	simm.s32 $0x8;
	s11 =	simm.s32 $0x0;
	[dreg:$0xe] =	wrdreg s5  }
0x1e: {  	s0 =	simm.s32 $0x180;
	s5 =	simm.s32 $0xC;
	[dreg:$0xf] =	wrdreg s9  }
.LBB2_4:
0x1f: {  	[bflag:$0x0] =	sbarrier.arrive $0xFFFF  }
0x20: {  	s7 =	rddreg [dreg:$0xd]  }
0x21: {  	s9 =	rddreg [dreg:$0xf]  }
0x22: {  	s11 =	rddreg [dreg:$0x12]  }
0x23: {  	[hbm:s7], [sflag:s9] =	dma.local [spmem:s11], $0x2800  }
0x24: {  	_ =	swait.ge [sflag:s31], $0x2800  }
0x25: {  	s29 =	rddreg [dreg:$0x11]  }
0x26: {  	s30 =	rddreg [dreg:$0x10];
	s11 =	sadd.s32 $0x1, s29  }
0x27: {  	p0 =	sne.s32 s11, s30  }
.Ltmp1:
0x28: {  	_ = 	snop;
	(pc) =	sbr.rel @!p0 .LBB2_5-.Ltmp1, $3  }
0x29: {  	_ =	sdelay $0x1  }
0x2a: {  	[sflag:s31] =	ssyncset.done $0x0  }
0x2b: {  	[sflag:s31] =	ssyncadd.s32 $0xFFFFD800  }
.LBB2_1:
0x2c: {  	[dreg:$0x11] =	wrdreg s11  }
0x2d: {  	s7 =	rddreg [dreg:$0x4]  }
0x2e: {  	s29 =	rddreg [dreg:$0x5]  }
0x2f: {  	[tilespmem:s4], [sflag:$0x1] =	stream.linear.gather [hbm4b:s7+s4], $0x50, $0x38;
	[tilespmem:$0x1E400] =	vst v63  }
0x30: {  	s30 =	simm.s32 $0x200;
	s24 =	rddreg [dreg:$0x6]  }
0x31: {  	[tilespmem:s30], [sflag:$0x5] =	stream.linear.gather [hbm4b:s29+s4], $0x50, $0x38;
	[tilespmem:$0x1E400] =	vst v63  }
0x32: {  	s11 =	simm.s32 $0x80;
	s26 =	rddreg [dreg:$0x7]  }
0x33: {  	[tilespmem:s11], [sflag:$0x2] =	stream.linear.gather [hbm4b:s24+s4], $0x50, $0x38;
	[tilespmem:$0x1E400] =	vst v63  }
0x34: {  	s29 =	rddreg [dreg:$0x8];
	s24 =	simm.s32 $0x280  }
0x35: {  	[tilespmem:s24], [sflag:$0x6] =	stream.linear.gather [hbm4b:s26+s4], $0x50, $0x38;
	[tilespmem:$0x1E400] =	vst v63  }
0x36: {  	s26 =	rddreg [dreg:$0x9]  }
0x37: {  	s30 =	simm.s32 $0x100;
	s24 =	rddreg [dreg:$0xb]  }
0x38: {  	[tilespmem:s30], [sflag:$0x3] =	stream.linear.gather [hbm4b:s29+s4], $0x50, $0x38;
	[tilespmem:$0x1E400] =	vst v63  }
0x39: {  	s29 =	simm.s32 $0x300;
	s30 =	rddreg [dreg:$0xa]  }
0x3a: {  	[tilespmem:s29], [sflag:$0x7] =	stream.linear.gather [hbm4b:s26+s4], $0x50, $0x38;
	[tilespmem:$0x1E400] =	vst v63  }
0x3b: {  	s26 =	rddreg [dreg:$0xe]  }
0x3c: {  	[tilespmem:s0], [sflag:$0x4] =	stream.linear.gather [hbm4b:s30+s4], $0x50, $0x38;
	[tilespmem:$0x1E400] =	vst v63  }
0x3d: {  	s29 =	sshrl.u32 s26, $0x3;
	s30 =	rddreg [dreg:$0xc]  }
0x3e: {  	[dreg:$0x12] =	wrdreg s29  }
0x3f: {  	[tilespmem:s2], [sflag:$0x8] =	stream.linear.gather [hbm4b:s24+s4], $0x50, $0x38;
	[tilespmem:$0x1E400] =	vst v63  }
0x40: {  	[spmem:s29], [sflag:s9] =	dma.local [hbm:s30], $0x2800  }
0x41: {  	_ =	swait.ge [sflag:s31], $0x2800  }
0x42: {  	[sflag:s31] =	ssyncset.done $0x0  }
0x43: {  	s24 =	simm.s32 $0x1;
	[sflag:s31] =	ssyncadd.s32 $0xFFFFD800  }
0x44: {  	_ =	swait.ge [sflag:s24], $0x50  }
0x45: {  	[sflag:s24] =	ssyncset.done $0x0  }
0x46: {  	s26 =	simm.s32 $0x400;
	s29 =	simm.s32 $0x2;
	[sflag:s24] =	ssyncadd.s32 $0xFFFFFFB0  }
0x47: {  	[tilespmem:s26], [sflag:$0x9] =	stream.indirect.gather [hbm4b:s1+s6], $0x80, s4, s6, $0xb8;
	[tilespmem:$0x1E400] =	vst v63  }
0x48: {  	_ =	swait.ge [sflag:s29], $0x50  }
0x49: {  	[sflag:s29] =	ssyncset.done $0x0  }
0x4a: {  	s30 =	simm.s32 $0x2C00;
	[sflag:s29] =	ssyncadd.s32 $0xFFFFFFB0  }
0x4b: {  	[tilespmem:s30], [sflag:$0xA] =	stream.indirect.gather [hbm4b:s1+s6], $0x80, s11, s6, $0xb8;
	[tilespmem:$0x1E400] =	vst v63  }
0x4c: {  	s24 =	simm.s32 $0x0;
	[bflag:$0x0] =	sbarrier.arrive $0xFFFF  }
.LBB2_2:
0x4d: {  	_ =	swait.ge [sflag:s10], $0x50  }
0x4e: {  	[sflag:s10] =	ssyncset.done $0x0  }
0x4f: {  	s7 =	simm.s32 $0x100;
	s9 =	simm.s32 $0x5400;
	[sflag:s10] =	ssyncadd.s32 $0xFFFFFFB0  }
0x50: {  	[tilespmem:s9], [sflag:$0xB] =	stream.indirect.gather [hbm4b:s1+s6], $0x80, s7, s6, $0xb8;
	[tilespmem:$0x1E400] =	vst v63  }
0x51: {  	_ =	swait.ge [sflag:s12], $0x2800  }
0x52: {  	[sflag:s12] =	ssyncset.done $0x0  }
0x53: {  	[sflag:s12] =	ssyncadd.s32 $0xFFFFD800  }
0x54: {  	_ =	swait.ge [sflag:s21], $0x50  }
0x55: {  	[sflag:s21] =	ssyncset.done $0x0  }
0x56: {  	s11 =	simm.s32 $0x200;
	s26 =	simm.s32 $0x400;
	[sflag:s21] =	ssyncadd.s32 $0xFFFFFFB0  }
0x57: {  	[spmem:s3] =	stream.indirect.scatter.add.f32 [tilespmem:s26], [sflag:$0xD], $0x80, s11, s6, $0xb8;
	[tilespmem:$0x1E400] =	vst v63  }
0x58: {  	_ =	swait.ge [sflag:s31], $0x2800  }
0x59: {  	p0 =	seq.s32 s24, $0x4D8;
	[sflag:s31] =	ssyncset.done $0x0  }
0x5a: {  	s29 =	sadd.s32 @!p0 s24, s20;
	s26 =	simm.s32 @!p0 $0x0;
	[sflag:s31] =	ssyncadd.s32 $0xFFFFD800  }
0x5b: {  	[tilespmem:s26], [sflag:$0x1] =	stream.linear.gather @!p0 [hbm4b:s29+s26], $0x50, $0x38;
	[tilespmem:$0x1E400] =	vst v63  }
0x5c: {  	s30 =	simm.s32 @!p0 $0x200;
	s29 =	sadd.s32 @!p0 s24, s19  }
0x5d: {  	[tilespmem:s30], [sflag:$0x5] =	stream.linear.gather @!p0 [hbm4b:s29+s26], $0x50, $0x38;
	[tilespmem:$0x1E400] =	vst v63  }
0x5e: {  	_ =	swait.ge [sflag:s22], $0x50  }
0x5f: {  	[sflag:s22] =	ssyncset.done $0x0  }
0x60: {  	[sflag:s22] =	ssyncadd.s32 $0xFFFFFFB0  }
0x61: {  	[tilespmem:s23], [sflag:$0xC] =	stream.indirect.gather [hbm4b:s1+s6], $0x80, s0, s6, $0xb8;
	[tilespmem:$0x1E400] =	vst v63  }
0x62: {  	_ =	swait.ge [sflag:s28], $0x2800  }
0x63: {  	[sflag:s28] =	ssyncset.done $0x0  }
0x64: {  	[sflag:s28] =	ssyncadd.s32 $0xFFFFD800  }
0x65: {  	_ =	swait.ge [sflag:s25], $0x50  }
0x66: {  	[sflag:s25] =	ssyncset.done $0x0  }
0x67: {  	s29 =	simm.s32 $0x280;
	s30 =	simm.s32 $0x2C00;
	[sflag:s25] =	ssyncadd.s32 $0xFFFFFFB0  }
0x68: {  	[spmem:s3] =	stream.indirect.scatter.add.f32 [tilespmem:s30], [sflag:$0xD], $0x80, s29, s6, $0xb8;
	[tilespmem:$0x1E400] =	vst v63  }
0x69: {  	_ =	swait.ge [sflag:s31], $0x2800  }
0x6a: {  	[sflag:s31] =	ssyncset.done $0x0  }
0x6b: {  	s29 =	simm.s32 @p0 $0xB;
	[sflag:s31] =	ssyncadd.s32 $0xFFFFD800  }
0x6c: {  	_ =	swait.ge @p0 [sflag:s29], $0x2800  }
0x6d: {  	[sflag:s29] =	ssyncset.done @p0 $0x0  }
0x6e: {  	[sflag:s29] =	ssyncadd.s32 @p0 $0xFFFFD800;
	s29 =	simm.s32 @p0 $0x7  }
0x6f: {  	_ =	swait.ge @p0 [sflag:s29], $0x50  }
0x70: {  	s11 =	simm.s32 @p0 $0x5400;
	[sflag:s29] =	ssyncset.done @p0 $0x0  }
0x71: {  	s30 =	simm.s32 @p0 $0x300;
	[sflag:s29] =	ssyncadd.s32 @p0 $0xFFFFFFB0;
	s29 =	simm.s32 @p0 $0x50  }
0x72: {  	[spmem:s3] =	stream.indirect.scatter.add.f32 @p0 [tilespmem:s11], [sflag:$0xD], $0x80, s30, s29, $0xb8;
	[tilespmem:$0x1E400] =	vst v63  }
0x73: {  	s11 =	simm.s32 @p0 $0xD  }
0x74: {  	_ =	swait.ge @p0 [sflag:s11], $0x2800  }
0x75: {  	[sflag:s11] =	ssyncset.done @p0 $0x0  }
0x76: {  	s29 =	simm.s32 @!p0 $0x80;
	[sflag:s11] =	ssyncadd.s32 @p0 $0xFFFFD800;
	s11 =	sadd.s32 @!p0 s24, s18  }
0x77: {  	[tilespmem:s29], [sflag:$0x2] =	stream.linear.gather @!p0 [hbm4b:s11+s26], $0x50, $0x38;
	[tilespmem:$0x1E400] =	vst v63  }
0x78: {  	s30 =	simm.s32 @!p0 $0x280;
	s11 =	sadd.s32 @!p0 s24, s17  }
0x79: {  	[tilespmem:s30], [sflag:$0x6] =	stream.linear.gather @!p0 [hbm4b:s11+s26], $0x50, $0x38;
	[tilespmem:$0x1E400] =	vst v63  }
0x7a: {  	s11 =	simm.s32 @!p0 $0x1  }
0x7b: {  	_ =	swait.ge @!p0 [sflag:s11], $0x50  }
0x7c: {  	[sflag:s11] =	ssyncset.done @!p0 $0x0  }
0x7d: {  	s30 =	simm.s32 @!p0 $0x400;
	[sflag:s11] =	ssyncadd.s32 @!p0 $0xFFFFFFB0;
	s11 =	simm.s32 @!p0 $0x50  }
0x7e: {  	[tilespmem:s30], [sflag:$0x9] =	stream.indirect.gather @!p0 [hbm4b:s1+s11], $0x80, s26, s11, $0xb8;
	[tilespmem:$0x1E400] =	vst v63  }
0x7f: {  	s30 =	simm.s32 @!p0 $0xB  }
0x80: {  	_ =	swait.ge @!p0 [sflag:s30], $0x2800  }
0x81: {  	[sflag:s30] =	ssyncset.done @!p0 $0x0  }
0x82: {  	[sflag:s30] =	ssyncadd.s32 @!p0 $0xFFFFD800;
	s30 =	simm.s32 @!p0 $0x7  }
0x83: {  	_ =	swait.ge @!p0 [sflag:s30], $0x50  }
0x84: {  	[sflag:s30] =	ssyncset.done @!p0 $0x0  }
0x85: {  	s7 =	simm.s32 @!p0 $0x5400;
	[sflag:s30] =	ssyncadd.s32 @!p0 $0xFFFFFFB0;
	s30 =	simm.s32 @!p0 $0x300  }
0x86: {  	[spmem:s3] =	stream.indirect.scatter.add.f32 @!p0 [tilespmem:s7], [sflag:$0xD], $0x80, s30, s11, $0xb8;
	[tilespmem:$0x1E400] =	vst v63  }
0x87: {  	s7 =	simm.s32 @!p0 $0xD  }
0x88: {  	_ =	swait.ge @!p0 [sflag:s7], $0x2800  }
0x89: {  	[sflag:s7] =	ssyncset.done @!p0 $0x0  }
0x8a: {  	s9 =	simm.s32 @!p0 $0x100;
	[sflag:s7] =	ssyncadd.s32 @!p0 $0xFFFFD800;
	s7 =	sadd.s32 @!p0 s24, s16  }
0x8b: {  	[tilespmem:s9], [sflag:$0x3] =	stream.linear.gather @!p0 [hbm4b:s7+s26], $0x50, $0x38;
	[tilespmem:$0x1E400] =	vst v63  }
0x8c: {  	s7 =	sadd.s32 @!p0 s24, s15  }
0x8d: {  	[tilespmem:s30], [sflag:$0x7] =	stream.linear.gather @!p0 [hbm4b:s7+s26], $0x50, $0x38;
	[tilespmem:$0x1E400] =	vst v63  }
0x8e: {  	s7 =	simm.s32 @!p0 $0x2  }
0x8f: {  	_ =	swait.ge @!p0 [sflag:s7], $0x50  }
0x90: {  	[sflag:s7] =	ssyncset.done @!p0 $0x0  }
0x91: {  	[sflag:s7] =	ssyncadd.s32 @!p0 $0xFFFFFFB0;
	s7 =	simm.s32 @!p0 $0x2C00  }
0x92: {  	[tilespmem:s7], [sflag:$0xA] =	stream.indirect.gather @!p0 [hbm4b:s1+s11], $0x80, s29, s11, $0xb8;
	[tilespmem:$0x1E400] =	vst v63  }
0x93: {  	_ =	swait.ge [sflag:s5], $0x2800  }
0x94: {  	[sflag:s5] =	ssyncset.done $0x0  }
0x95: {  	[sflag:s5] =	ssyncadd.s32 $0xFFFFD800  }
0x96: {  	_ =	swait.ge [sflag:s8], $0x50  }
0x97: {  	[sflag:s8] =	ssyncset.done $0x0  }
.Ltmp2:
0x98: {  	[sflag:s8] =	ssyncadd.s32 $0xFFFFFFB0;
	(pc) =	sbr.rel @p0 .LBB2_4-.Ltmp2, $4  }
0x99: {  	[spmem:s3] =	stream.indirect.scatter.add.f32 [tilespmem:s23], [sflag:$0xD], $0x80, s2, s6, $0xb8;
	[tilespmem:$0x1E400] =	vst v63  }
0x9a: {  	_ =	swait.ge [sflag:s31], $0x2800  }
0x9b: {  	[sflag:s31] =	ssyncset.done $0x0  }
0x9c: {  	[sflag:s31] =	ssyncadd.s32 $0xFFFFD800  }
.Ltmp3:
0x9d: {  	(pc) =	sbr.rel .LBB2_2-.Ltmp3, $4  }
0x9e: {  	s7 =	sadd.s32 s24, s14  }
0x9f: {  	[tilespmem:s0], [sflag:$0x4] =	stream.linear.gather [hbm4b:s7+s4], $0x50, $0x38;
	[tilespmem:$0x1E400] =	vst v63  }
0xa0: {  	s30 =	sadd.s32 s24, s13;
	s24 =	sadd.s32 $0x28, s24  }
0xa1: {  	[tilespmem:s2], [sflag:$0x8] =	stream.linear.gather [hbm4b:s30+s4], $0x50, $0x38;
	[tilespmem:$0x1E400] =	vst v63  }
.LBB2_5:
0xa2: {  	_ =	sfence.sel $0x180000  }
0xa3: {  	[bflag:$0x0] =	sbarrier.arrive $0xFFFF  }
0xa4: {  	_ =	strace $0x9000004D  }
0xa5: {  	s0 =	stileid.u32;
	[bflag:$0x2] =	sbarrier.arrive $0xFFFF  }
0xa6: {  	p0 =	sne.s32 s0, $0x0;
	s0 =	rddreg [dreg:$0x3]  }
0xa7: {  	s0 =	sadd.s32 @!p0 $0x100000, s0  }
0xa8: {  	[sflag:s0] =	ssyncadd.tile.s32 @!p0 $0x1;
	_ =	shalt  }
.Lfunc_end2:
_tile_overlayer_lowered:
.L_overlay_start_2:
0xa9: {  	(tag) =	ssettag $0x2  }
0xaa: {  	s0 =	rddreg [dreg:$0x0];
	s2 =	stileid.u32  }
0xab: {  	s1 =	rddreg [dreg:$0x1];
	p0 =	sne.s32 s2, $0x0  }
0xac: {  	s3 =	rddreg [dreg:$0x2];
	[bflag:$0x3] =	sbarrier.arrive $0xFFFF;
	s2 =	simm.s32 @!p0 $0x1C0D  }
0xad: {  	[timem:s3], [sflag:s2] =	dma.local @!p0 [hbm:s0], s1  }
0xae: {  	s0 =	simm.s32 @!p0 $0xD  }
0xaf: {  	_ =	swait.ge @!p0 [sflag:s0], s1  }
0xb0: {  	s1 =	ssub.s32 @!p0 $0x0, s1;
	[sflag:s0] =	ssyncset.done @!p0 $0x0  }
0xb1: {  	[sflag:s0] =	ssyncadd.s32 @!p0 s1  }
0xb2: {  	[bflag:$0x3] =	sbarrier.arrive $0xFFFF  }
0xb3: {  	_ =	shalt  }

// kernel: kernel.8.cloned.1.call-start
scs
__scs_entry_jumppad:
0x0: {  	(pc) =	sbr.rel $0x88, $3  }
0x1: {  	(tag) =	ssettag $0x0;
	lr =	simm.s32 $0x1  }
0x2: {  	[smem:$0x3F9B] =	sst lr;
	_ =	strace $0xD0000000  }
0x3: {  	_ = 	snop  }
0x4: {  	_ = 	snop  }
0x5: {  	_ = 	snop  }
0x6: {  	_ = 	snop  }
0x7: {  	_ = 	snop  }
__scs_overlays_trampoline_lowered:
0x8: {  	[smem:$0x3FAA] =	sst s0  }
0x9: {  	[smem:$0x3FAB] =	sst s1  }
0xa: {  	[smem:$0x3FAC] =	sst s2  }
0xb: {  	[smem:$0x3FAD] =	sst s3  }
0xc: {  	[smem:$0x3FAE] =	sst s4  }
0xd: {  	[smem:$0x3FAF] =	sst s5  }
0xe: {  	[smem:$0x3FB0] =	sst s6  }
0xf: {  	[smem:$0x3FB1] =	sst s7  }
0x10: {  	[smem:$0x3FB2] =	sst s8  }
0x11: {  	[smem:$0x3FB3] =	sst s9;
	s0 =	simm.s32 @!p0 $0x0  }
0x12: {  	s1 =	sld [smem:$0x3F99];
	s0 =	simm.s32 @p0 $0x1  }
0x13: {  	[smem:$0x3FB4] =	sst s0;
	s0 =	simm.s32 @!p1 $0x0  }
0x14: {  	s2 =	sld [smem:$0x3F98];
	s0 =	simm.s32 @p1 $0x1  }
0x15: {  	[smem:$0x3FB5] =	sst s0;
	s0 =	simm.s32 @!p2 $0x0  }
0x16: {  	s3 =	sld [smem:$0x3FDB];
	s0 =	simm.s32 @p2 $0x1  }
0x17: {  	s4 =	simm.s32 $0x1BF5;
	[smem:$0x3FB7] =	sst s0  }
0x18: {  	s0 =	sld [smem:$0x3F9A];
	_ =	swait.ge [sflag:s4], $0x0  }
0x19: {  	s7 =	sld [smem:$0x3F9B]  }
0x1a: {  	s8 =	sadd.s32 $0xFFFFE003, lr  }
0x1b: {  	s9 =	sadd.s32 $0xFFFFFEF7, lr;
	s5 =	simm.s32 $0xFFFFFFFF;
	p2 =	slt.u32 s8, $0xFFFFF086  }
0x1c: {  	p1 =	slt.u32 s9, $0xF7A;
	s5 =	simm.s32 @!p2 $0x0  }
0x1d: {  	s5 =	simm.s32 @p1 $0x1;
	p0 =	seq.s32 s7, s2  }
0x1e: {  	s7 =	smul.u32 @!p0 $0xF7A, s2;
	p2 =	seq.s32 @!p0 s5, $0x0  }
0x1f: {  	s9 =	smul.u32 $0xF7A, s1;
	s8 =	simm.s32 @!p0 $0x1BF5;
	p2 =	por !p2, p0  }
0x20: {  	[sflag:s8] =	ssyncset.s32 @!p0 $0xFFFFF086;
	s6 =	sadd.s32 @!p0 s3, s7;
	s7 =	simm.s32 @!p0 $0x108  }
0x21: {  	s3 =	sadd.s32 s3, s9;
	s6 =	sadd.s32 @!p0 $0x88, s6;
	s7 =	simm.s32 @p2 $0x1082  }
0x22: {  	[simem:s7], [sflag:s8] =	dma.local @!p0 [hbm:s6], $0xF7A  }
0x23: {  	s9 =	sor.u32 $0xD0000000, s2;
	s6 =	simm.s32 $0x108;
	_ =	swait.ge @!p0 [sflag:s8], $0x0  }
0x24: {  	s3 =	sadd.s32 $0x88, s3;
	s6 =	simm.s32 @!p1 $0x1082;
	[sflag:s4] =	ssyncset.s32 $0xFFFFF086  }
0x25: {  	[simem:s6], [sflag:s4] =	dma.local [hbm:s3], $0xF7A  }
0x26: {  	[smem:$0x3F9B] =	sst s1;
	(tag) =	ssettag s2;
	_ =	strace s9  }
0x27: {  	s1 =	sld [smem:$0x3FAB]  }
0x28: {  	s2 =	sld [smem:$0x3FAC]  }
0x29: {  	s4 =	sld [smem:$0x3FAE]  }
0x2a: {  	p0 =	seq.s32 s5, $0x0;
	s5 =	sld [smem:$0x3FAF]  }
0x2b: {  	s6 =	sld [smem:$0x3FB0]  }
0x2c: {  	s7 =	sld [smem:$0x3FB1]  }
0x2d: {  	s3 =	simm.s32 $0x108;
	s8 =	sld [smem:$0x3FB2]  }
0x2e: {  	s3 =	simm.s32 @!p0 $0x1082;
	s9 =	sld [smem:$0x3FB3]  }
0x2f: {  	lr =	sadd.s32 s0, s3;
	s0 =	sld [smem:$0x3FAA]  }
0x30: {  	s3 =	sld [smem:$0x3FAD]  }
0x31: {  	[smem:$0x3FB6] =	sst s10  }
0x32: {  	s10 =	sld [smem:$0x3FB4];
	_ =	sdelay $0x3  }
0x33: {  	p0 =	seq.s32 s10, $0x1;
	s10 =	sld [smem:$0x3FB6];
	_ =	sdelay $0x3  }
0x34: {  	[smem:$0x3FB6] =	sst s10  }
0x35: {  	s10 =	sld [smem:$0x3FB5];
	_ =	sdelay $0x3  }
0x36: {  	p1 =	seq.s32 s10, $0x1;
	s10 =	sld [smem:$0x3FB6];
	_ =	sdelay $0x3  }
0x37: {  	[smem:$0x3FB6] =	sst s10  }
0x38: {  	s10 =	sld [smem:$0x3FB7]  }
0x39: {  	_ = 	snop;
	(pc) =	sbr.ind lr, $3  }
0x3a: {  	_ = 	snop  }
0x3b: {  	_ = 	snop  }
0x3c: {  	p2 =	seq.s32 s10, $0x1;
	s10 =	sld [smem:$0x3FB6]  }
0x3d: {  	_ =	shalt  }
0x3e: {  	_ =	shalt  }
0x3f: {  	_ =	shalt  }
0x40: {  	_ =	shalt  }
0x41: {  	_ =	shalt  }
0x42: {  	_ =	shalt  }
0x43: {  	_ =	shalt  }
0x44: {  	_ =	shalt  }
0x45: {  	_ =	shalt  }
0x46: {  	_ =	shalt  }
0x47: {  	_ =	shalt  }
0x48: {  	_ =	shalt  }
0x49: {  	_ =	shalt  }
0x4a: {  	_ =	shalt  }
0x4b: {  	_ =	shalt  }
0x4c: {  	_ =	shalt  }
0x4d: {  	_ =	shalt  }
0x4e: {  	_ =	shalt  }
0x4f: {  	_ =	shalt  }
0x50: {  	_ =	shalt  }
0x51: {  	_ =	shalt  }
0x52: {  	_ =	shalt  }
0x53: {  	_ =	shalt  }
0x54: {  	_ =	shalt  }
0x55: {  	_ =	shalt  }
0x56: {  	_ =	shalt  }
0x57: {  	_ =	shalt  }
0x58: {  	_ =	shalt  }
0x59: {  	_ =	shalt  }
0x5a: {  	_ =	shalt  }
0x5b: {  	_ =	shalt  }
0x5c: {  	_ =	shalt  }
0x5d: {  	_ =	shalt  }
0x5e: {  	_ =	shalt  }
0x5f: {  	_ =	shalt  }
0x60: {  	_ =	shalt  }
0x61: {  	_ =	shalt  }
0x62: {  	_ =	shalt  }
0x63: {  	_ =	shalt  }
0x64: {  	_ =	shalt  }
0x65: {  	_ =	shalt  }
0x66: {  	_ =	shalt  }
0x67: {  	_ =	shalt  }
0x68: {  	_ =	shalt  }
0x69: {  	_ =	shalt  }
0x6a: {  	_ =	shalt  }
0x6b: {  	_ =	shalt  }
0x6c: {  	_ =	shalt  }
0x6d: {  	_ =	shalt  }
0x6e: {  	_ =	shalt  }
0x6f: {  	_ =	shalt  }
0x70: {  	_ =	shalt  }
0x71: {  	_ =	shalt  }
0x72: {  	_ =	shalt  }
0x73: {  	_ =	shalt  }
0x74: {  	_ =	shalt  }
0x75: {  	_ =	shalt  }
0x76: {  	_ =	shalt  }
0x77: {  	_ =	shalt  }
0x78: {  	_ =	shalt  }
0x79: {  	_ =	shalt  }
0x7a: {  	_ =	shalt  }
0x7b: {  	_ =	shalt  }
0x7c: {  	_ =	shalt  }
0x7d: {  	_ =	shalt  }
0x7e: {  	_ =	shalt  }
0x7f: {  	_ =	shalt  }
0x80: {  	_ =	shalt  }
0x81: {  	_ =	shalt  }
0x82: {  	_ =	shalt  }
0x83: {  	_ =	shalt  }
0x84: {  	_ =	shalt  }
0x85: {  	_ =	shalt  }
0x86: {  	_ =	shalt  }
0x87: {  	_ =	shalt  }
.Lfunc_end0:
.L_simem_size_0:
called_computation_lowered:
.L_overlay_start_0:
0x88: {  	s2 =	sld [smem:$0x3FD9]  }
0x89: {  	s3 =	sld [smem:$0x3FFE];
	_ =	sdelay $0x1  }
0x8a: {  	s1 =	srdreg.scid  }
0x8b: {  	s0 =	sand.u32 $0x1, s1  }
0x8c: {  	s17 =	sshll.u32 s0, $0xA;
	s2 =	sadd.s32 s3, s2  }
0x8d: {  	s2 =	sadd.s32 s2, s17  }
0x8e: {  	[smem:$0x3FC2] =	sst s2  }
0x8f: {  	_ = 	snop  }
0x90: {  	s2 =	sld [smem:$0x3FD0];
	(tm) =	ssettm $0x1  }
0x91: {  	s18 =	sld [smem:$0x3FFB];
	_ =	sdelay $0x3  }
0x92: {  	_ =	strace s18  }
0x93: {  	s3 =	sld [smem:$0x3FFC];
	_ =	sdelay $0x3  }
0x94: {  	_ =	strace s3  }
0x95: {  	s3 =	sld [smem:$0x3FFD];
	_ =	sdelay $0x3  }
0x96: {  	_ =	strace s3  }
0x97: {  	_ =	strace $0x8FFFFFFF  }
0x98: {  	s19 =	sld [smem:$0x3FDB];
	_ =	sdelay $0x1  }
0x99: {  	s4 =	simm.s32 $_scs_section_size  }
0x9a: {  	s5 =	simm.s32 $_size__tile_overlayer_lowered;
	s6 =	simm.s32 $_tile_overlayer_lowered  }
0x9b: {  	s22 =	simm.s32 $0x1BFF;
	s21 =	sshll.u32 s6, $0x1;
	s3 =	sadd.s32 s4, s19  }
0x9c: {  	s7 =	simm.s32 $0x0;
	s20 =	sshll.u32 s5, $0x1;
	s5 =	sadd.s32 s21, s3  }
0x9d: {  	[timem:s7], [sflag:s22] =	dma.local [hbm:s5], s20  }
0x9e: {  	_ =	swait.ge [sflag:s22], s20  }
0x9f: {  	s4 =	ssub.s32 $0x0, s20;
	[sflag:s22] =	ssyncset.done $0x0  }
0xa0: {  	[sflag:s22] =	ssyncadd.s32 s4;
	_ =	sdelay $0x1  }
0xa1: {  	s23 =	simm.s32 $0x1B8B  }
0xa2: {  	_ =	swait.ge [sflag:s23], $0x1  }
0xa3: {  	[sflag:s23] =	ssyncset.done $0x0  }
0xa4: {  	s25 =	simm.s32 $0x1B8E;
	s24 =	sld [smem:$0x3FFE];
	[sflag:s23] =	ssyncadd.s32 $0xFFFFFFFF  }
0xa5: {  	s26 =	simm.s32 $execute0_lowered;
	[smem:$0x3FD2] =	sst s25  }
0xa6: {  	s5 =	sshll.u32 s26, $0x1;
	_ =	strace $0x80000046;
	[dreg:$0x1] =	wrdreg $0xFFFFFFFF  }
0xa7: {  	s28 =	simm.s32 $_size_execute0_lowered;
	s3 =	sadd.s32 s3, s5;
	[dreg:$0x0] =	wrdreg $0x0  }
0xa8: {  	s5 =	sshll.u32 s28, $0x1;
	[dreg:$0x2] =	wrdreg s3  }
0xa9: {  	[dreg:$0x3] =	wrdreg s5  }
0xaa: {  	[dreg:$0x4] =	wrdreg $0xC0  }
0xab: {  	_ =	task [dreg:s7], $0x5FFFF  }
0xac: {  	[dreg:$0x1] =	wrdreg $0xFFFFFFFF  }
0xad: {  	[dreg:$0x0] =	wrdreg $0x60  }
0xae: {  	[dreg:$0x2] =	wrdreg s24  }
0xaf: {  	[dreg:$0x3] =	wrdreg s2  }
0xb0: {  	[dreg:$0x4] =	wrdreg $0x2C000  }
0xb1: {  	[dreg:$0x5] =	wrdreg $0x9  }
0xb2: {  	_ =	task.clear_ibuf [dreg:s7], $0x6FFFF;
	_ =	strace $0x90000046  }
0xb3: {  	s29 =	simm.s32 $0x9;
	_ =	strace $0x80000048  }
0xb4: {  	_ =	swait.ge [sflag:s29], $0x1  }
0xb5: {  	[sflag:s29] =	ssyncadd.s32 $0xFFFFFFFF  }
0xb6: {  	_ =	strace $0x90000048  }
0xb7: {  	_ =	sfence  }
0xb8: {  	s30 =	sld [smem:$0x0];
	_ =	sdelay $0x2  }
0xb9: {  	s31 =	sshll.u32 s1, $0xD;
	s1 =	sshrl.u32 s1, $0x2  }
0xba: {  	s3 =	sand.u32 $0x4000, s31;
	s1 =	sadd.s32 s1, s30  }
0xbb: {  	s0 =	sor.u32 s3, s0;
	s1 =	sshll.u32 s1, $0x11  }
0xbc: {  	s0 =	sor.u32 s1, s0  }
0xbd: {  	s0 =	sadd.s32 $0x8F2B, s0  }
0xbe: {  	[sflag:s0] =	ssyncadd.remote.s32 $0x1  }
0xbf: {  	_ =	sfence.sel $0xFFFF  }
0xc0: {  	[dreg:$0x0] =	wrdreg $0xFFFFFFFF;
	(pc) =	sbr.abs _section_cstart, $3  }
0xc1: {  	[dreg:$0x1] =	wrdreg $0xFFFFFFFF  }
0xc2: {  	_ =	task.clear_ibuf [dreg:s7], $0x2FFFF;
	_ =	strace $0x9FFFFFFF  }
0xc3: {  	(tm) =	ssettm $0x7FFFFFFF  }
tec
execute0_lowered:
.L_overlay_start_1:
0x0: {  	(tag) =	ssettag $0x1  }
0x1: {  	s0 =	rddreg [dreg:$0x0];
	s1 =	srdreg.scid  }
0x2: {  	s3 =	rddreg [dreg:$0x2];
	s8 =	stileid.u32  }
0x3: {  	s4 =	simm.s32 $0x0;
	s28 =	simm.s32 $0x1;
	s29 =	simm.s32 $0x50  }
0x4: {  	s30 =	simm.s32 $0x200;
	s31 =	simm.s32 $0x2;
	s1 =	sand.u32 $0x1, s1  }
0x5: {  	[smem:$0x7FF] =	sst s4;
	s6 =	sadd.s32 $0x2800, s0;
	s26 =	smul.u32 $0x50000, s8  }
0x6: {  	s7 =	sadd.s32 $0x16800, s0;
	s12 =	smul.u32 $0x2800, s8;
	s19 =	sshll.u32 s8, $0x6  }
0x7: {  	s2 =	sshll.u32 s1, $0x4;
	s5 =	smul.u32 $0x28000, s1;
	_ =	strace $0x80000047  }
0x8: {  	[dreg:$0x4] =	wrdreg s7;
	s1 =	ssub.s32 $0x2, s1;
	s2 =	sor.u32 s8, s2  }
0x9: {  	s7 =	simm.s32 $0x380;
	s25 =	sshrl.u32 s1, $0x1;
	s2 =	smul.u32 $0x2800, s2  }
0xa: {  	s0 =	sadd.s32 s5, s0;
	s1 =	ssub.s32 s1, s25;
	s5 =	sadd.s32 s12, s5  }
0xb: {  	s20 =	sor.u32 $0x370, s5;
	s21 =	sor.u32 $0x320, s5;
	s0 =	sadd.s32 $0x19000, s0  }
0xc: {  	s1 =	smax.u32 s1, $0x1;
	s22 =	sor.u32 $0x2D0, s5;
	s23 =	sor.u32 $0x280, s5  }
0xd: {  	s24 =	sor.u32 $0x230, s5;
	s25 =	sor.u32 $0x1E0, s5;
	s2 =	sshrl.u32 s2, $0x3  }
0xe: {  	s8 =	sshrl.u32 s21, $0x3;
	[dreg:$0xb] =	wrdreg s1;
	s1 =	sshrl.u32 s22, $0x3  }
0xf: {  	s22 =	simm.s32 $0x100;
	s0 =	sadd.s32 s12, s0;
	s21 =	simm.s32 $0x11  }
0x10: {  	s12 =	simm.s32 $0xC;
	s9 =	sadd.s32 s6, s2;
	s2 =	sshrl.u32 s26, $0x2  }
0x11: {  	s14 =	sadd.s32 s8, s6;
	s8 =	sshrl.u32 s24, $0x3;
	s15 =	sadd.s32 s1, s6  }
0x12: {  	s26 =	sor.u32 $0x190, s5;
	s5 =	sor.u32 $0x140, s5;
	s1 =	sshrl.u32 s25, $0x3  }
0x13: {  	[dreg:$0xc] =	wrdreg s0;
	s24 =	simm.s32 $0xB;
	s11 =	sadd.s32 $0xA, s9  }
0x14: {  	s10 =	sadd.s32 $0x14, s9;
	[dreg:$0x5] =	wrdreg s9;
	s9 =	sadd.s32 $0x1E, s9  }
0x15: {  	s2 =	sadd.s32 s2, s3;
	s17 =	sadd.s32 s8, s6;
	[dreg:$0x6] =	wrdreg s11  }
0x16: {  	s5 =	sshrl.u32 s5, $0x3;
	s18 =	sadd.s32 s1, s6;
	[dreg:$0x7] =	wrdreg s10  }
0x17: {  	s1 =	simm.s32 $0x300;
	s8 =	simm.s32 $0x5;
	[dreg:$0x8] =	wrdreg s9  }
0x18: {  	[dreg:$0x9] =	wrdreg s2;
	s11 =	sor.u32 $0x1C11, s19;
	s2 =	sshrl.u32 s20, $0x3  }
.Ltmp0:
0x19: {  	s20 =	sadd.s32 s5, s6;
	s5 =	simm.s32 $0x4;
	(pc) =	sbr.rel .LBB2_1-.Ltmp0, $4  }
0x1a: {  	s9 =	simm.s32 $0x7;
	s10 =	simm.s32 $0x8;
	s13 =	sadd.s32 s2, s6  }
0x1b: {  	s2 =	sshrl.u32 s23, $0x3;
	s23 =	simm.s32 $0x180;
	[dreg:$0xa] =	wrdreg s11  }
0x1c: {  	s16 =	sadd.s32 s2, s6;
	s2 =	sshrl.u32 s26, $0x3;
	s26 =	simm.s32 $0x400  }
0x1d: {  	s19 =	sadd.s32 s2, s6;
	s2 =	simm.s32 $0x3;
	s6 =	simm.s32 $0x0  }
.LBB2_4:
0x1e: {  	_ =	swait.ge [sflag:s10], $0x50  }
0x1f: {  	[sflag:s10] =	ssyncset.done $0x0  }
0x20: {  	s0 =	simm.s32 $0x9;
	[sflag:s10] =	ssyncadd.s32 $0xFFFFFFB0  }
0x21: {  	[spmem:s3] =	stream.indirect.scatter.add.f32 [tilespmem:s26], [sflag:$0x10], $0x80, s7, s29, $0xb8;
	[tilespmem:$0x16C00] =	vst v63  }
0x22: {  	_ =	swait.ge [sflag:s0], $0x2800  }
0x23: {  	[sflag:s0] =	ssyncset.done $0x0  }
0x24: {  	s21 =	simm.s32 $0xA;
	[sflag:s0] =	ssyncadd.s32 $0xFFFFD800  }
0x25: {  	_ =	swait.ge [sflag:s21], $0x2800  }
0x26: {  	[sflag:s21] =	ssyncset.done $0x0  }
0x27: {  	[sflag:s21] =	ssyncadd.s32 $0xFFFFD800  }
0x28: {  	_ =	swait.ge [sflag:s24], $0x2800  }
0x29: {  	[sflag:s24] =	ssyncset.done $0x0  }
0x2a: {  	[sflag:s24] =	ssyncadd.s32 $0xFFFFD800  }
0x2b: {  	_ =	swait.ge [sflag:s12], $0x2800  }
0x2c: {  	[sflag:s12] =	ssyncset.done $0x0  }
0x2d: {  	s25 =	simm.s32 $0xD;
	[sflag:s12] =	ssyncadd.s32 $0xFFFFD800  }
0x2e: {  	_ =	swait.ge [sflag:s25], $0x2800  }
0x2f: {  	[sflag:s25] =	ssyncset.done $0x0  }
0x30: {  	s6 =	simm.s32 $0xE;
	[sflag:s25] =	ssyncadd.s32 $0xFFFFD800  }
0x31: {  	_ =	swait.ge [sflag:s6], $0x2800  }
0x32: {  	[sflag:s6] =	ssyncset.done $0x0  }
0x33: {  	s11 =	simm.s32 $0xF;
	[sflag:s6] =	ssyncadd.s32 $0xFFFFD800  }
0x34: {  	_ =	swait.ge [sflag:s11], $0x2800  }
0x35: {  	[sflag:s11] =	ssyncset.done $0x0  }
0x36: {  	s21 =	simm.s32 $0x10;
	[sflag:s11] =	ssyncadd.s32 $0xFFFFD800  }
0x37: {  	_ =	swait.ge [sflag:s21], $0x2800  }
0x38: {  	[sflag:s21] =	ssyncset.done $0x0  }
0x39: {  	[sflag:s21] =	ssyncadd.s32 $0xFFFFD800  }
0x3a: {  	[bflag:$0x0] =	sbarrier.arrive $0xFFFF  }
0x3b: {  	s11 =	rddreg [dreg:$0xa]  }
0x3c: {  	s25 =	rddreg [dreg:$0xc]  }
0x3d: {  	s21 =	simm.s32 $0x11;
	s6 =	rddreg [dreg:$0xe]  }
0x3e: {  	[hbm:s25], [sflag:s11] =	dma.local [spmem:s6], $0x2800  }
0x3f: {  	_ =	swait.ge [sflag:s21], $0x2800  }
0x40: {  	s0 =	rddreg [dreg:$0xd]  }
0x41: {  	s25 =	rddreg [dreg:$0xb];
	s6 =	sadd.s32 $0x1, s0  }
0x42: {  	p0 =	sne.s32 s6, s25  }
.Ltmp1:
0x43: {  	_ = 	snop;
	(pc) =	sbr.rel @!p0 .LBB2_5-.Ltmp1, $3  }
0x44: {  	_ =	sdelay $0x1  }
0x45: {  	[sflag:s21] =	ssyncset.done $0x0  }
0x46: {  	[sflag:s21] =	ssyncadd.s32 $0xFFFFD800  }
.LBB2_1:
0x47: {  	[dreg:$0xd] =	wrdreg s6  }
0x48: {  	s0 =	rddreg [dreg:$0x5]  }
0x49: {  	[tilespmem:s4], [sflag:$0x1] =	stream.linear.gather [hbm4b:s0+s4], $0x50, $0x38;
	[tilespmem:$0x16C00] =	vst v63  }
0x4a: {  	s6 =	rddreg [dreg:$0x6];
	s25 =	simm.s32 $0x80  }
0x4b: {  	[tilespmem:s25], [sflag:$0x2] =	stream.linear.gather [hbm4b:s6+s4], $0x50, $0x38;
	[tilespmem:$0x16C00] =	vst v63  }
0x4c: {  	s25 =	rddreg [dreg:$0x7]  }
0x4d: {  	s6 =	rddreg [dreg:$0x8]  }
0x4e: {  	[tilespmem:s22], [sflag:$0x3] =	stream.linear.gather [hbm4b:s25+s4], $0x50, $0x38;
	[tilespmem:$0x16C00] =	vst v63  }
0x4f: {  	s25 =	rddreg [dreg:$0x9]  }
0x50: {  	s0 =	sshrl.u32 s25, $0x3;
	s25 =	rddreg [dreg:$0x4]  }
0x51: {  	[tilespmem:s23], [sflag:$0x4] =	stream.linear.gather [hbm4b:s6+s4], $0x50, $0x38;
	[tilespmem:$0x16C00] =	vst v63  }
0x52: {  	[dreg:$0xe] =	wrdreg s0  }
0x53: {  	[spmem:s0], [sflag:s11] =	dma.local [hbm:s25], $0x2800  }
0x54: {  	_ =	swait.ge [sflag:s21], $0x2800  }
0x55: {  	[sflag:s21] =	ssyncset.done $0x0  }
0x56: {  	[sflag:s21] =	ssyncadd.s32 $0xFFFFD800  }
0x57: {  	s25 =	rddreg [dreg:$0x1]  }
0x58: {  	[tilespmem:s26], [sflag:$0x11] =	stream.linear.gather [hbm4b:s25+s4], $0x2800, $0x38;
	[tilespmem:$0x16C00] =	vst v63  }
0x59: {  	_ =	swait.ge [sflag:s21], $0x2800  }
0x5a: {  	[sflag:s21] =	ssyncset.done $0x0  }
0x5b: {  	[sflag:s21] =	ssyncadd.s32 $0xFFFFD800  }
0x5c: {  	s11 =	simm.s32 $0x0;
	[bflag:$0x0] =	sbarrier.arrive $0xFFFF  }
.LBB2_2:
0x5d: {  	_ =	swait.ge [sflag:s28], $0x50  }
0x5e: {  	p0 =	seq.s32 s11, $0x0;
	[sflag:s28] =	ssyncset.done $0x0  }
0x5f: {  	s25 =	simm.s32 @!p0 $0xD;
	[sflag:s28] =	ssyncadd.s32 $0xFFFFFFB0  }
0x60: {  	[spmem:s3] =	stream.indirect.scatter.add.f32 [tilespmem:s26], [sflag:$0x9], $0x80, s4, s29, $0xb8;
	[tilespmem:$0x16C00] =	vst v63  }
0x61: {  	_ =	swait.ge @!p0 [sflag:s25], $0x2800  }
0x62: {  	[sflag:s25] =	ssyncset.done @!p0 $0x0  }
0x63: {  	s0 =	sadd.s32 s11, s20;
	[sflag:s25] =	ssyncadd.s32 @!p0 $0xFFFFD800  }
0x64: {  	[tilespmem:s30], [sflag:$0x5] =	stream.linear.gather [hbm4b:s0+s4], $0x50, $0x38;
	[tilespmem:$0x16C00] =	vst v63  }
0x65: {  	_ =	swait.ge [sflag:s31], $0x50  }
0x66: {  	[sflag:s31] =	ssyncset.done $0x0  }
0x67: {  	s25 =	simm.s32 @!p0 $0xE;
	s0 =	simm.s32 $0x80;
	[sflag:s31] =	ssyncadd.s32 $0xFFFFFFB0  }
0x68: {  	[spmem:s3] =	stream.indirect.scatter.add.f32 [tilespmem:s26], [sflag:$0xA], $0x80, s0, s29, $0xb8;
	[tilespmem:$0x16C00] =	vst v63  }
0x69: {  	_ =	swait.ge @!p0 [sflag:s25], $0x2800  }
0x6a: {  	[sflag:s25] =	ssyncset.done @!p0 $0x0  }
0x6b: {  	s6 =	sadd.s32 s11, s19;
	s21 =	simm.s32 $0x280;
	[sflag:s25] =	ssyncadd.s32 @!p0 $0xFFFFD800  }
0x6c: {  	[tilespmem:s21], [sflag:$0x6] =	stream.linear.gather [hbm4b:s6+s4], $0x50, $0x38;
	[tilespmem:$0x16C00] =	vst v63  }
0x6d: {  	_ =	swait.ge [sflag:s2], $0x50  }
0x6e: {  	[sflag:s2] =	ssyncset.done $0x0  }
0x6f: {  	s25 =	simm.s32 @!p0 $0xF;
	[sflag:s2] =	ssyncadd.s32 $0xFFFFFFB0  }
0x70: {  	[spmem:s3] =	stream.indirect.scatter.add.f32 [tilespmem:s26], [sflag:$0xB], $0x80, s22, s29, $0xb8;
	[tilespmem:$0x16C00] =	vst v63  }
0x71: {  	_ =	swait.ge @!p0 [sflag:s25], $0x2800  }
0x72: {  	[sflag:s25] =	ssyncset.done @!p0 $0x0  }
0x73: {  	s6 =	sadd.s32 s11, s18;
	[sflag:s25] =	ssyncadd.s32 @!p0 $0xFFFFD800  }
0x74: {  	[tilespmem:s1], [sflag:$0x7] =	stream.linear.gather [hbm4b:s6+s4], $0x50, $0x38;
	[tilespmem:$0x16C00] =	vst v63  }
0x75: {  	_ =	swait.ge [sflag:s5], $0x50  }
0x76: {  	[sflag:s5] =	ssyncset.done $0x0  }
0x77: {  	s25 =	simm.s32 @!p0 $0x10;
	[sflag:s5] =	ssyncadd.s32 $0xFFFFFFB0  }
0x78: {  	[spmem:s3] =	stream.indirect.scatter.add.f32 [tilespmem:s26], [sflag:$0xC], $0x80, s23, s29, $0xb8;
	[tilespmem:$0x16C00] =	vst v63  }
0x79: {  	_ =	swait.ge @!p0 [sflag:s25], $0x2800  }
0x7a: {  	[sflag:s25] =	ssyncset.done @!p0 $0x0  }
0x7b: {  	s21 =	sadd.s32 s11, s17;
	[sflag:s25] =	ssyncadd.s32 @!p0 $0xFFFFD800  }
0x7c: {  	[tilespmem:s7], [sflag:$0x8] =	stream.linear.gather [hbm4b:s21+s4], $0x50, $0x38;
	[tilespmem:$0x16C00] =	vst v63  }
0x7d: {  	_ =	swait.ge [sflag:s8], $0x50  }
0x7e: {  	p0 =	seq.s32 s11, $0x4B0;
	[sflag:s8] =	ssyncset.done $0x0  }
0x7f: {  	s25 =	simm.s32 @p0 $0x6;
	[sflag:s8] =	ssyncadd.s32 $0xFFFFFFB0  }
0x80: {  	[spmem:s3] =	stream.indirect.scatter.add.f32 [tilespmem:s26], [sflag:$0xD], $0x80, s30, s29, $0xb8;
	[tilespmem:$0x16C00] =	vst v63  }
0x81: {  	_ =	swait.ge @p0 [sflag:s25], $0x50  }
0x82: {  	s6 =	simm.s32 @p0 $0x280;
	[sflag:s25] =	ssyncset.done @p0 $0x0  }
0x83: {  	s21 =	simm.s32 @p0 $0x400;
	[sflag:s25] =	ssyncadd.s32 @p0 $0xFFFFFFB0;
	s25 =	simm.s32 @p0 $0x50  }
0x84: {  	[spmem:s3] =	stream.indirect.scatter.add.f32 @p0 [tilespmem:s21], [sflag:$0xE], $0x80, s6, s25, $0xb8;
	[tilespmem:$0x16C00] =	vst v63  }
0x85: {  	s6 =	simm.s32 @!p0 $0x9  }
0x86: {  	_ =	swait.ge @!p0 [sflag:s6], $0x2800  }
0x87: {  	[sflag:s6] =	ssyncset.done @!p0 $0x0  }
0x88: {  	s21 =	simm.s32 @!p0 $0x0;
	[sflag:s6] =	ssyncadd.s32 @!p0 $0xFFFFD800;
	s6 =	sadd.s32 @!p0 s11, s16  }
0x89: {  	[tilespmem:s21], [sflag:$0x1] =	stream.linear.gather @!p0 [hbm4b:s6+s21], $0x50, $0x38;
	[tilespmem:$0x16C00] =	vst v63  }
0x8a: {  	s6 =	simm.s32 @!p0 $0x6  }
0x8b: {  	_ =	swait.ge @!p0 [sflag:s6], $0x50  }
0x8c: {  	s0 =	simm.s32 @!p0 $0x400;
	[sflag:s6] =	ssyncset.done @!p0 $0x0  }
0x8d: {  	s25 =	simm.s32 @!p0 $0x280;
	[sflag:s6] =	ssyncadd.s32 @!p0 $0xFFFFFFB0;
	s6 =	simm.s32 @!p0 $0x50  }
0x8e: {  	[spmem:s3] =	stream.indirect.scatter.add.f32 @!p0 [tilespmem:s0], [sflag:$0xE], $0x80, s25, s6, $0xb8;
	[tilespmem:$0x16C00] =	vst v63  }
0x8f: {  	s0 =	simm.s32 @!p0 $0xA  }
0x90: {  	_ =	swait.ge @!p0 [sflag:s0], $0x2800  }
0x91: {  	[sflag:s0] =	ssyncset.done @!p0 $0x0  }
0x92: {  	s6 =	simm.s32 @!p0 $0x80;
	[sflag:s0] =	ssyncadd.s32 @!p0 $0xFFFFD800;
	s0 =	sadd.s32 @!p0 s11, s15  }
0x93: {  	[tilespmem:s6], [sflag:$0x2] =	stream.linear.gather @!p0 [hbm4b:s0+s21], $0x50, $0x38;
	[tilespmem:$0x16C00] =	vst v63  }
.Ltmp2:
0x94: {  	_ = 	snop;
	(pc) =	sbr.rel @p0 .LBB2_4-.Ltmp2, $4  }
0x95: {  	_ =	swait.ge [sflag:s9], $0x50  }
0x96: {  	[sflag:s9] =	ssyncset.done $0x0  }
0x97: {  	[sflag:s9] =	ssyncadd.s32 $0xFFFFFFB0  }
0x98: {  	[spmem:s3] =	stream.indirect.scatter.add.f32 [tilespmem:s26], [sflag:$0xF], $0x80, s1, s29, $0xb8;
	[tilespmem:$0x16C00] =	vst v63  }
0x99: {  	_ =	swait.ge [sflag:s24], $0x2800  }
0x9a: {  	[sflag:s24] =	ssyncset.done $0x0  }
0x9b: {  	s0 =	sadd.s32 s11, s14;
	[sflag:s24] =	ssyncadd.s32 $0xFFFFD800  }
0x9c: {  	[tilespmem:s22], [sflag:$0x3] =	stream.linear.gather [hbm4b:s0+s4], $0x50, $0x38;
	[tilespmem:$0x16C00] =	vst v63  }
0x9d: {  	_ =	swait.ge [sflag:s10], $0x50  }
0x9e: {  	[sflag:s10] =	ssyncset.done $0x0  }
0x9f: {  	[sflag:s10] =	ssyncadd.s32 $0xFFFFFFB0  }
0xa0: {  	[spmem:s3] =	stream.indirect.scatter.add.f32 [tilespmem:s26], [sflag:$0x10], $0x80, s7, s29, $0xb8;
	[tilespmem:$0x16C00] =	vst v63  }
.Ltmp3:
0xa1: {  	_ = 	snop;
	(pc) =	sbr.rel .LBB2_2-.Ltmp3, $4  }
0xa2: {  	_ =	swait.ge [sflag:s12], $0x2800  }
0xa3: {  	[sflag:s12] =	ssyncset.done $0x0  }
0xa4: {  	s25 =	sadd.s32 s11, s13;
	s11 =	sadd.s32 $0x50, s11;
	[sflag:s12] =	ssyncadd.s32 $0xFFFFD800  }
0xa5: {  	[tilespmem:s23], [sflag:$0x4] =	stream.linear.gather [hbm4b:s25+s4], $0x50, $0x38;
	[tilespmem:$0x16C00] =	vst v63  }
.LBB2_5:
0xa6: {  	_ =	sfence.sel $0x180000  }
0xa7: {  	[bflag:$0x0] =	sbarrier.arrive $0xFFFF  }
0xa8: {  	_ =	strace $0x90000047  }
0xa9: {  	s0 =	stileid.u32;
	[bflag:$0x2] =	sbarrier.arrive $0xFFFF  }
0xaa: {  	p0 =	sne.s32 s0, $0x0;
	s0 =	rddreg [dreg:$0x3]  }
0xab: {  	s0 =	sadd.s32 @!p0 $0x100000, s0  }
0xac: {  	[sflag:s0] =	ssyncadd.tile.s32 @!p0 $0x1;
	_ =	shalt  }
.Lfunc_end2:
_tile_overlayer_lowered:
.L_overlay_start_2:
0xad: {  	(tag) =	ssettag $0x2  }
0xae: {  	s0 =	rddreg [dreg:$0x0];
	s2 =	stileid.u32  }
0xaf: {  	s1 =	rddreg [dreg:$0x1];
	p0 =	sne.s32 s2, $0x0  }
0xb0: {  	s3 =	rddreg [dreg:$0x2];
	[bflag:$0x3] =	sbarrier.arrive $0xFFFF;
	s2 =	simm.s32 @!p0 $0x1C11  }
0xb1: {  	[timem:s3], [sflag:s2] =	dma.local @!p0 [hbm:s0], s1  }
0xb2: {  	s0 =	simm.s32 @!p0 $0x11  }
0xb3: {  	_ =	swait.ge @!p0 [sflag:s0], s1  }
0xb4: {  	s1 =	ssub.s32 @!p0 $0x0, s1;
	[sflag:s0] =	ssyncset.done @!p0 $0x0  }
0xb5: {  	[sflag:s0] =	ssyncadd.s32 @!p0 s1  }
0xb6: {  	[bflag:$0x3] =	sbarrier.arrive $0xFFFF  }
0xb7: {  	_ =	shalt  }

</sc_bundles>
